<compile_context>
chip_gen: v7x
topology: tpu7x:2x2x1
jax: 0.10.2.dev20260603
libtpu: 0.0.44.dev20260713+nightly
codegen_flags: <defaults>
</compile_context>

<pallas_src>
import functools

import jax
import jax.numpy as jnp
from jax import lax
from jax.experimental import pallas as pl
from jax.experimental.pallas import tpu as pltpu
from jax.experimental.pallas import tpu_sc as plsc

N = 10000
NPAD = 10240
E = 160000
NC, NS, L = 2, 16, 16
NW = NC * NS
CHUNK = 128
EPT = 5120
EPAD = EPT * NW
NCHUNK = EPT // CHUNK
CPS = NCHUNK
ROWS = EPAD // CHUNK
EPSC = ROWS // NS
RPS = NPAD // NS
RING = 16
LOOK = 10

_mesh = plsc.VectorSubcoreMesh(core_axis_name="c", subcore_axis_name="s")
_sc_params = pltpu.CompilerParams(use_tc_tiling_on_sc=False,
                                  needs_layout_passes=False)



def _fill_rows(buf, nrows, vec):
    def body(i, _):
        buf[i, :] = vec
        return 0

    lax.fori_loop(0, nrows, body, 0)


def _rsqrt16(x):
    i = plsc.bitcast(x, jnp.int32)
    i = jnp.int32(0x5F3759DF) - (i >> 1)
    y = plsc.bitcast(i, jnp.float32)
    xh = x * 0.5
    y = y * (1.5 - xh * y * y)
    y = y * (1.5 - xh * y * y)
    y = y * (1.5 - xh * y * y)
    return y


def _agg_pipeline(sidx, didx, rows_v, tab_sh, acc_sh, sem_g, sem_s):

    def rows_at(j):
        return rows_v.at[pl.ds(lax.rem(j, RING) * CHUNK, CHUNK)]

    def gather(j):
        pltpu.async_copy(tab_sh.at[sidx.at[j]], rows_at(j), sem_g)

    def wait_gather(j):
        pltpu.make_async_copy(tab_sh.at[sidx.at[j]], rows_at(j), sem_g).wait()

    def scatter(j):
        pltpu.async_copy(rows_at(j), acc_sh.at[didx.at[j]], sem_s, add=True)

    def wait_scatter(j):
        pltpu.make_async_copy(rows_at(j), acc_sh.at[didx.at[j]], sem_s).wait()

    def prime(j, _):
        gather(j)
        return 0

    lax.fori_loop(0, LOOK, prime, 0)

    def step(j, _):
        @pl.when(j >= RING - LOOK)
        def _():
            wait_scatter(j - (RING - LOOK))

        @pl.when(j + LOOK < NCHUNK)
        def _():
            gather(j + LOOK)

        wait_gather(j)
        scatter(j)
        return 0

    lax.fori_loop(0, NCHUNK, step, 0)

    def drain(j, _):
        wait_scatter(j)
        return 0

    lax.fori_loop(NCHUNK - (RING - LOOK), NCHUNK, drain, 0)


@functools.partial(
    pl.kernel,
    out_type=(
        jax.ShapeDtypeStruct((NC, NPAD, L), jnp.float32),
        jax.ShapeDtypeStruct((NPAD, L), jnp.float32),
    ),
    mesh=_mesh,
    compiler_params=_sc_params,
    scratch_types=[
        pltpu.VMEM((EPSC, CHUNK), jnp.int32),
        pltpu.VMEM((RPS, L), jnp.float32),
        pltpu.VMEM((RPS, L), jnp.float32),
        pltpu.VMEM((RPS // L, L), jnp.float32),
        pltpu.VMEM((RPS, L), jnp.float32),
        pltpu.VMEM((RPS, L), jnp.float32),
        pltpu.VMEM((RPS, L), jnp.float32),
        pltpu.VMEM((CPS, CHUNK), jnp.int32),
        pltpu.VMEM((CPS, CHUNK), jnp.int32),
        pltpu.VMEM((RING * CHUNK, L), jnp.float32),
        pltpu.VMEM_SHARED((NPAD, L), jnp.float32),
        pltpu.VMEM_SHARED((NPAD, L), jnp.float32),
        pltpu.SemaphoreType.DMA,
        pltpu.SemaphoreType.DMA,
    ],
)
def _mega1(hw_hbm, src_hbm, dst_hbm, a_out, dis_out,
           didx_deg, hist_v, hbuf, disv, rowbuf, disrow, qbuf,
           sidx, didx, rows_v, tab_sh, acc_sh, sem_g, sem_s):
    cid = lax.axis_index("c")
    sid = lax.axis_index("s")
    wid = sid * NC + cid
    zero16 = jnp.zeros((L,), jnp.float32)
    one16 = jnp.ones((L,), jnp.float32)

    pltpu.async_copy(dst_hbm.at[pl.ds(sid * EPSC, EPSC)], didx_deg, sem_g)
    pltpu.async_copy(src_hbm.at[pl.ds(wid * CPS, CPS)], sidx, sem_g)
    pltpu.async_copy(dst_hbm.at[pl.ds(wid * CPS, CPS)], didx, sem_g)
    pltpu.async_copy(hw_hbm.at[pl.ds(sid * RPS, RPS)], rowbuf, sem_g)

    _fill_rows(hist_v, RPS, zero16)
    pltpu.make_async_copy(dst_hbm.at[pl.ds(sid * EPSC, EPSC)], didx_deg,
                          sem_g).wait()
    pltpu.make_async_copy(src_hbm.at[pl.ds(wid * CPS, CPS)], sidx,
                          sem_g).wait()
    pltpu.make_async_copy(dst_hbm.at[pl.ds(wid * CPS, CPS)], didx,
                          sem_g).wait()
    pltpu.make_async_copy(hw_hbm.at[pl.ds(sid * RPS, RPS)], rowbuf,
                          sem_g).wait()

    def hrow(r, _):
        def hvec(k, _):
            iv = didx_deg[r, pl.ds(k * L, L)]
            plsc.addupdate_scatter(hist_v, [iv >> 4, iv & 15], one16)
            return 0

        lax.fori_loop(0, CHUNK // L, hvec, 0)
        return 0

    lax.fori_loop(0, EPSC, hrow, 0)
    pltpu.sync_copy(hist_v, tab_sh.at[pl.ds(sid * RPS, RPS)])
    plsc.subcore_barrier()

    HR = RPS // L

    def hload(p, _):
        pltpu.async_copy(tab_sh.at[pl.ds(p * RPS + sid * HR, HR)],
                         hbuf.at[pl.ds(p * HR, HR)], sem_g)
        return 0

    lax.fori_loop(0, NS, hload, 0)

    def hload_wait(p, _):
        pltpu.make_async_copy(tab_sh.at[pl.ds(p * RPS + sid * HR, HR)],
                              hbuf.at[pl.ds(p * HR, HR)], sem_g).wait()
        return 0

    lax.fori_loop(0, NS, hload_wait, 0)
    plsc.subcore_barrier()

    def dvec(c, _):
        def hsum(p, acc):
            return acc + hbuf[p * HR + c, :]

        deg = lax.fori_loop(0, NS, hsum, one16)
        disv[c, :] = _rsqrt16(deg)
        return 0

    lax.fori_loop(0, RPS // L, dvec, 0)

    def grow(c, _):
        dv = disv[c, :]
        for k in range(L):
            i = c * L + k
            srow = jnp.full((L,), dv[k], jnp.float32)
            disrow[i, :] = srow
            rowbuf[i, :] = rowbuf[i, :] * srow
        return 0

    lax.fori_loop(0, RPS // L, grow, 0)

    @pl.when(cid == 0)
    def _():
        pltpu.sync_copy(disrow, dis_out.at[pl.ds(sid * RPS, RPS)])

    pltpu.sync_copy(rowbuf, tab_sh.at[pl.ds(sid * RPS, RPS)])
    _fill_rows(qbuf, RPS, zero16)
    pltpu.sync_copy(qbuf, acc_sh.at[pl.ds(sid * RPS, RPS)])
    plsc.subcore_barrier()

    _agg_pipeline(sidx, didx, rows_v, tab_sh, acc_sh, sem_g, sem_s)

    plsc.subcore_barrier()
    pltpu.sync_copy(acc_sh.at[pl.ds(sid * RPS, RPS)], qbuf)

    @pl.when(cid == 0)
    def _():
        def q0(i, _):
            qbuf[i, :] = disrow[i, :] * qbuf[i, :]
            return 0

        lax.fori_loop(0, RPS, q0, 0)

    @pl.when(cid == 1)
    def _():
        def q1(i, _):
            qbuf[i, :] = disrow[i, :] * (qbuf[i, :] + rowbuf[i, :])
            return 0

        lax.fori_loop(0, RPS, q1, 0)

    pltpu.sync_copy(qbuf, a_out.at[cid].at[pl.ds(sid * RPS, RPS)])


@functools.partial(
    pl.kernel,
    out_type=jax.ShapeDtypeStruct((NC, NPAD, L), jnp.float32),
    mesh=_mesh,
    compiler_params=_sc_params,
    scratch_types=[
        pltpu.VMEM((RPS, L), jnp.float32),
        pltpu.VMEM((RPS, L), jnp.float32),
        pltpu.VMEM((RPS, L), jnp.float32),
        pltpu.VMEM((RPS, L), jnp.float32),
        pltpu.VMEM((L,), jnp.float32),
        pltpu.VMEM((CPS, CHUNK), jnp.int32),
        pltpu.VMEM((CPS, CHUNK), jnp.int32),
        pltpu.VMEM((RING * CHUNK, L), jnp.float32),
        pltpu.VMEM_SHARED((NPAD, L), jnp.float32),
        pltpu.VMEM_SHARED((NPAD, L), jnp.float32),
        pltpu.SemaphoreType.DMA,
        pltpu.SemaphoreType.DMA,
    ],
)
def _mega2(a1_hbm, dis_hbm, b1_hbm, src_hbm, dst_hbm, a_out,
           abuf0, abuf1, rowbuf, disrow, b1v,
           sidx, didx, rows_v, tab_sh, acc_sh, sem_g, sem_s):
    cid = lax.axis_index("c")
    sid = lax.axis_index("s")
    wid = sid * NC + cid
    zero16 = jnp.zeros((L,), jnp.float32)
    sl = pl.ds(sid * RPS, RPS)

    pltpu.async_copy(a1_hbm.at[0].at[sl], abuf0, sem_g)
    pltpu.async_copy(a1_hbm.at[1].at[sl], abuf1, sem_g)
    pltpu.async_copy(dis_hbm.at[sl], disrow, sem_g)
    pltpu.async_copy(b1_hbm, b1v, sem_g)
    pltpu.async_copy(src_hbm.at[pl.ds(wid * CPS, CPS)], sidx, sem_g)
    pltpu.async_copy(dst_hbm.at[pl.ds(wid * CPS, CPS)], didx, sem_g)
    pltpu.make_async_copy(a1_hbm.at[0].at[sl], abuf0, sem_g).wait()
    pltpu.make_async_copy(a1_hbm.at[1].at[sl], abuf1, sem_g).wait()
    pltpu.make_async_copy(dis_hbm.at[sl], disrow, sem_g).wait()
    pltpu.make_async_copy(b1_hbm, b1v, sem_g).wait()
    pltpu.make_async_copy(src_hbm.at[pl.ds(wid * CPS, CPS)], sidx,
                          sem_g).wait()
    pltpu.make_async_copy(dst_hbm.at[pl.ds(wid * CPS, CPS)], didx,
                          sem_g).wait()
    b1 = b1v[...]

    def hrow(i, _):
        h = jnp.maximum(abuf0[i, :] + abuf1[i, :] + b1, 0.0)
        rowbuf[i, :] = h * disrow[i, :]
        return 0

    lax.fori_loop(0, RPS, hrow, 0)

    pltpu.sync_copy(rowbuf, tab_sh.at[sl])
    _fill_rows(abuf1, RPS, zero16)
    pltpu.sync_copy(abuf1, acc_sh.at[sl])
    plsc.subcore_barrier()

    _agg_pipeline(sidx, didx, rows_v, tab_sh, acc_sh, sem_g, sem_s)

    plsc.subcore_barrier()
    pltpu.sync_copy(acc_sh.at[sl], abuf1)

    @pl.when(cid == 0)
    def _():
        def q0(i, _):
            abuf1[i, :] = disrow[i, :] * abuf1[i, :]
            return 0

        lax.fori_loop(0, RPS, q0, 0)

    @pl.when(cid == 1)
    def _():
        def q1(i, _):
            abuf1[i, :] = disrow[i, :] * (abuf1[i, :] + rowbuf[i, :])
            return 0

        lax.fori_loop(0, RPS, q1, 0)

    pltpu.sync_copy(abuf1, a_out.at[cid].at[sl])



_MB = 1024


def _mm1_body(x_ref, w_ref, o_ref):
    o_ref[...] = jnp.dot(x_ref[...], w_ref[...],
                         preferred_element_type=jnp.float32)


def _mm1(x, w1):
    return pl.pallas_call(
        _mm1_body,
        grid=(NPAD // _MB,),
        in_specs=[
            pl.BlockSpec((_MB, 256), lambda i: (i, 0)),
            pl.BlockSpec((256, L), lambda i: (0, 0)),
        ],
        out_specs=pl.BlockSpec((_MB, L), lambda i: (i, 0)),
        out_shape=jax.ShapeDtypeStruct((NPAD, L), jnp.float32),
    )(x, w1)


def _fin_body(a_ref, w2_ref, b2_ref, o_ref):
    m = a_ref[0] + a_ref[1]
    z = jnp.dot(m, w2_ref[...], preferred_element_type=jnp.float32)
    z = z + b2_ref[...]
    zmax = jnp.max(z, axis=1, keepdims=True)
    ez = jnp.exp(z - zmax)
    lse = jnp.log(jnp.sum(ez, axis=1, keepdims=True)) + zmax
    o_ref[...] = z - lse


def _fin(a2, w2, b2r):
    return pl.pallas_call(
        _fin_body,
        grid=(NPAD // _MB,),
        in_specs=[
            pl.BlockSpec((NC, _MB, L), lambda i: (0, i, 0)),
            pl.BlockSpec((L, 256), lambda i: (0, 0)),
            pl.BlockSpec((1, 256), lambda i: (0, 0)),
        ],
        out_specs=pl.BlockSpec((_MB, 256), lambda i: (i, 0)),
        out_shape=jax.ShapeDtypeStruct((N, 256), jnp.float32),
    )(a2, w2, b2r)



def kernel(x, edge_index, W1, b1, W2, b2):
    src = (jnp.zeros((EPAD,), jnp.int32).at[:E].set(edge_index[0])
           .reshape(ROWS, CHUNK))
    dst = (jnp.full((EPAD,), N, jnp.int32).at[:E].set(edge_index[1])
           .reshape(ROWS, CHUNK))
    b2r = b2.reshape(1, 256)

    hw1 = _mm1(x, W1)
    q1, dis = _mega1(hw1, src, dst)
    q2 = _mega2(q1, dis, b1, src, dst)
    return _fin(q2, W2, b2r)

# --- scband reference (transcript-rebuilt; emitter-appended) ---
"""Pipeline reference for scband-gnn-53824530153635 (READ-ONLY COPY).

The authoritative reference and input builder live on the scoring server;
editing this copy changes nothing except your own understanding.
"""

import jax, jax.numpy as jnp
import numpy as np

N = 10000
E = 160000
D_IN = 256
D_HID = 16
D_OUT = 256


def setup_inputs(seed: int = 0) -> dict:
    key = jax.random.key(seed)
    k1, k2, k3, k4, k5, k6 = jax.random.split(key, 6)
    x = jax.random.normal(k1, (N, D_IN), dtype=jnp.float32)
    edge_index = jax.random.randint(k2, (2, E), 0, N, dtype=jnp.int32)
    W1 = jax.random.normal(k3, (D_IN, D_HID), dtype=jnp.float32) * np.sqrt(2.0 / (D_IN + D_HID))
    b1 = jnp.zeros((D_HID,), dtype=jnp.float32)
    W2 = jax.random.normal(k4, (D_HID, D_OUT), dtype=jnp.float32) * np.sqrt(2.0 / (D_HID + D_OUT))
    b2 = jnp.zeros((D_OUT,), dtype=jnp.float32)
    return {"x": x, "edge_index": edge_index, "W1": W1, "b1": b1, "W2": W2, "b2": b2}


def _gcn_conv(h, edge_index, W, b):
    # PyG GCNConv: out = D^{-1/2} (A + I) D^{-1/2} (h @ W) + b
    n = h.shape[0]
    src = edge_index[0]
    dst = edge_index[1]
    loop = jnp.arange(n, dtype=src.dtype)
    s = jnp.concatenate([src, loop])
    d = jnp.concatenate([dst, loop])
    hw = h @ W
    deg = jnp.zeros((n,), dtype=h.dtype).at[d].add(1.0)
    deg_inv_sqrt = jnp.where(deg > 0, jax.lax.rsqrt(jnp.maximum(deg, 1e-12)), 0.0)
    norm = deg_inv_sqrt[s] * deg_inv_sqrt[d]
    msg = hw[s] * norm[:, None]
    out = jnp.zeros((n, W.shape[1]), dtype=h.dtype).at[d].add(msg)
    return out + b


def reference(x, edge_index, W1, b1, W2, b2):
    h = jax.nn.relu(_gcn_conv(x, edge_index, W1, b1))
    h = _gcn_conv(h, edge_index, W2, b2)
    return jax.nn.log_softmax(h, axis=1)

if __name__ == "__main__":
    import jax
    _d = setup_inputs()
    print(jax.jit(kernel)(*tuple(_d.values())))

</pallas_src>

<mosaic_0001>
#map = affine_map<(d0, d1) -> (0, 0, 0)>
#map1 = affine_map<(d0, d1) -> (0, 0)>
#map2 = affine_map<(d0, d1) -> (0)>
module attributes {stable_mosaic.version = 14 : i64} {
  func.func @_mega2(%arg0: i32, %arg1: i32, %arg2: memref<2x10240x16xf32, #tpu.memory_space<hbm>>, %arg3: memref<10240x16xf32, #tpu.memory_space<hbm>>, %arg4: memref<16xf32, #tpu.memory_space<hbm>>, %arg5: memref<1280x128xi32, #tpu.memory_space<hbm>>, %arg6: memref<1280x128xi32, #tpu.memory_space<hbm>>, %arg7: memref<2x10240x16xf32, #tpu.memory_space<hbm>>, %arg8: memref<640x16xf32, #tpu.memory_space<vmem>>, %arg9: memref<640x16xf32, #tpu.memory_space<vmem>>, %arg10: memref<640x16xf32, #tpu.memory_space<vmem>>, %arg11: memref<640x16xf32, #tpu.memory_space<vmem>>, %arg12: memref<16xf32, #tpu.memory_space<vmem>>, %arg13: memref<40x128xi32, #tpu.memory_space<vmem>>, %arg14: memref<40x128xi32, #tpu.memory_space<vmem>>, %arg15: memref<2048x16xf32, #tpu.memory_space<vmem>>, %arg16: memref<10240x16xf32, #tpu.memory_space<vmem_shared>>, %arg17: memref<10240x16xf32, #tpu.memory_space<vmem_shared>>, %arg18: memref<!tpu.dma_semaphore, #tpu.memory_space<semaphore_mem>>, %arg19: memref<!tpu.dma_semaphore, #tpu.memory_space<semaphore_mem>>) attributes {dimension_semantics = [#tpu.dimension_semantics<core_parallel>, #tpu.dimension_semantics<subcore_parallel>], iteration_bounds = array<i64: 2, 16>, scalar_prefetch = 0 : i64, scratch_operands = 12 : i64, tpu.core_type = #tpu.core_type<sc_vector_subcore>, window_params = [{transform_indices = #map}, {transform_indices = #map1}, {transform_indices = #map2}, {transform_indices = #map1}, {transform_indices = #map1}, {transform_indices = #map}]} {
    %mul3A = arith.constant 2 : i32
    %mul3A_0 = arith.muli %arg1, %mul3A : i32
    %add3A = arith.addi %mul3A_0, %arg0 : i32
    %broadcast_in_dim3A = arith.constant 0.000000e+00 : f32
    %broadcast_in_dim3A_1 = vector.broadcast %broadcast_in_dim3A : f32 to vector<16xf32>
    %mul3A_2 = arith.constant 640 : i32
    %mul3A_3 = arith.muli %arg1, %mul3A_2 : i32
    %dma_start3A = arith.constant 0 : i32
    %dma_start3A_4 = arith.constant 0 : i32
    %dma_start3A_5 = arith.constant 0 : i32
    %dma_start3A_6 = tpu.memref_slice %arg2[%dma_start3A, %dma_start3A_4, %dma_start3A_5] : memref<2x10240x16xf32, #tpu.memory_space<hbm>> -> memref<1x10240x16xf32, #tpu.memory_space<hbm>>
    %dma_start3A_7 = tpu.memref_squeeze %dma_start3A_6 : memref<1x10240x16xf32, #tpu.memory_space<hbm>> -> memref<10240x16xf32, #tpu.memory_space<hbm>>
    %dma_start3A_8 = arith.constant 0 : i32
    %dma_start3A_9 = tpu.memref_slice %dma_start3A_7[%mul3A_3, %dma_start3A_8] : memref<10240x16xf32, #tpu.memory_space<hbm>> -> memref<640x16xf32, #tpu.memory_space<hbm>>
    %dma_start3A_10 = arith.constant 0 : i32
    %dma_start3A_11 = arith.constant 0 : i32
    %dma_start3A_12 = tpu.memref_slice %arg2[%dma_start3A, %dma_start3A_10, %dma_start3A_11] : memref<2x10240x16xf32, #tpu.memory_space<hbm>> -> memref<1x10240x16xf32, #tpu.memory_space<hbm>>
    %dma_start3A_13 = tpu.memref_squeeze %dma_start3A_12 : memref<1x10240x16xf32, #tpu.memory_space<hbm>> -> memref<10240x16xf32, #tpu.memory_space<hbm>>
    %dma_start3A_14 = arith.constant 0 : i32
    %dma_start3A_15 = tpu.memref_slice %dma_start3A_13[%mul3A_3, %dma_start3A_14] : memref<10240x16xf32, #tpu.memory_space<hbm>> -> memref<640x16xf32, #tpu.memory_space<hbm>>
    tpu.enqueue_dma source(%dma_start3A_15 : memref<640x16xf32, #tpu.memory_space<hbm>>) target(%arg8 : memref<640x16xf32, #tpu.memory_space<vmem>>) target_semaphore(%arg18 : memref<!tpu.dma_semaphore, #tpu.memory_space<semaphore_mem>>)
    %dma_start3A_16 = arith.constant 1 : i32
    %dma_start3A_17 = arith.constant 0 : i32
    %dma_start3A_18 = arith.constant 0 : i32
    %dma_start3A_19 = tpu.memref_slice %arg2[%dma_start3A_16, %dma_start3A_17, %dma_start3A_18] : memref<2x10240x16xf32, #tpu.memory_space<hbm>> -> memref<1x10240x16xf32, #tpu.memory_space<hbm>>
    %dma_start3A_20 = tpu.memref_squeeze %dma_start3A_19 : memref<1x10240x16xf32, #tpu.memory_space<hbm>> -> memref<10240x16xf32, #tpu.memory_space<hbm>>
    %dma_start3A_21 = arith.constant 0 : i32
    %dma_start3A_22 = tpu.memref_slice %dma_start3A_20[%mul3A_3, %dma_start3A_21] : memref<10240x16xf32, #tpu.memory_space<hbm>> -> memref<640x16xf32, #tpu.memory_space<hbm>>
    %dma_start3A_23 = arith.constant 0 : i32
    %dma_start3A_24 = arith.constant 0 : i32
    %dma_start3A_25 = tpu.memref_slice %arg2[%dma_start3A_16, %dma_start3A_23, %dma_start3A_24] : memref<2x10240x16xf32, #tpu.memory_space<hbm>> -> memref<1x10240x16xf32, #tpu.memory_space<hbm>>
    %dma_start3A_26 = tpu.memref_squeeze %dma_start3A_25 : memref<1x10240x16xf32, #tpu.memory_space<hbm>> -> memref<10240x16xf32, #tpu.memory_space<hbm>>
    %dma_start3A_27 = arith.constant 0 : i32
    %dma_start3A_28 = tpu.memref_slice %dma_start3A_26[%mul3A_3, %dma_start3A_27] : memref<10240x16xf32, #tpu.memory_space<hbm>> -> memref<640x16xf32, #tpu.memory_space<hbm>>
    tpu.enqueue_dma source(%dma_start3A_28 : memref<640x16xf32, #tpu.memory_space<hbm>>) target(%arg9 : memref<640x16xf32, #tpu.memory_space<vmem>>) target_semaphore(%arg18 : memref<!tpu.dma_semaphore, #tpu.memory_space<semaphore_mem>>)
    %dma_start3A_29 = arith.constant 0 : i32
    %dma_start3A_30 = tpu.memref_slice %arg3[%mul3A_3, %dma_start3A_29] : memref<10240x16xf32, #tpu.memory_space<hbm>> -> memref<640x16xf32, #tpu.memory_space<hbm>>
    %dma_start3A_31 = arith.constant 0 : i32
    %dma_start3A_32 = tpu.memref_slice %arg3[%mul3A_3, %dma_start3A_31] : memref<10240x16xf32, #tpu.memory_space<hbm>> -> memref<640x16xf32, #tpu.memory_space<hbm>>
    tpu.enqueue_dma source(%dma_start3A_32 : memref<640x16xf32, #tpu.memory_space<hbm>>) target(%arg11 : memref<640x16xf32, #tpu.memory_space<vmem>>) target_semaphore(%arg18 : memref<!tpu.dma_semaphore, #tpu.memory_space<semaphore_mem>>)
    tpu.enqueue_dma source(%arg4 : memref<16xf32, #tpu.memory_space<hbm>>) target(%arg12 : memref<16xf32, #tpu.memory_space<vmem>>) target_semaphore(%arg18 : memref<!tpu.dma_semaphore, #tpu.memory_space<semaphore_mem>>)
    %mul3A_33 = arith.constant 40 : i32
    %mul3A_34 = arith.muli %add3A, %mul3A_33 : i32
    %dma_start3A_35 = arith.constant 0 : i32
    %dma_start3A_36 = tpu.memref_slice %arg5[%mul3A_34, %dma_start3A_35] : memref<1280x128xi32, #tpu.memory_space<hbm>> -> memref<40x128xi32, #tpu.memory_space<hbm>>
    %dma_start3A_37 = arith.constant 0 : i32
    %dma_start3A_38 = tpu.memref_slice %arg5[%mul3A_34, %dma_start3A_37] : memref<1280x128xi32, #tpu.memory_space<hbm>> -> memref<40x128xi32, #tpu.memory_space<hbm>>
    tpu.enqueue_dma source(%dma_start3A_38 : memref<40x128xi32, #tpu.memory_space<hbm>>) target(%arg13 : memref<40x128xi32, #tpu.memory_space<vmem>>) target_semaphore(%arg18 : memref<!tpu.dma_semaphore, #tpu.memory_space<semaphore_mem>>)
    %mul3A_39 = arith.constant 40 : i32
    %mul3A_40 = arith.muli %add3A, %mul3A_39 : i32
    %dma_start3A_41 = arith.constant 0 : i32
    %dma_start3A_42 = tpu.memref_slice %arg6[%mul3A_40, %dma_start3A_41] : memref<1280x128xi32, #tpu.memory_space<hbm>> -> memref<40x128xi32, #tpu.memory_space<hbm>>
    %dma_start3A_43 = arith.constant 0 : i32
    %dma_start3A_44 = tpu.memref_slice %arg6[%mul3A_40, %dma_start3A_43] : memref<1280x128xi32, #tpu.memory_space<hbm>> -> memref<40x128xi32, #tpu.memory_space<hbm>>
    tpu.enqueue_dma source(%dma_start3A_44 : memref<40x128xi32, #tpu.memory_space<hbm>>) target(%arg14 : memref<40x128xi32, #tpu.memory_space<vmem>>) target_semaphore(%arg18 : memref<!tpu.dma_semaphore, #tpu.memory_space<semaphore_mem>>)
    %dma_wait3A = arith.constant 0 : i32
    %dma_wait3A_45 = arith.constant 0 : i32
    %dma_wait3A_46 = arith.constant 0 : i32
    %dma_wait3A_47 = tpu.memref_slice %arg2[%dma_wait3A, %dma_wait3A_45, %dma_wait3A_46] : memref<2x10240x16xf32, #tpu.memory_space<hbm>> -> memref<1x10240x16xf32, #tpu.memory_space<hbm>>
    %dma_wait3A_48 = tpu.memref_squeeze %dma_wait3A_47 : memref<1x10240x16xf32, #tpu.memory_space<hbm>> -> memref<10240x16xf32, #tpu.memory_space<hbm>>
    %dma_wait3A_49 = arith.constant 0 : i32
    %dma_wait3A_50 = tpu.memref_slice %dma_wait3A_48[%mul3A_3, %dma_wait3A_49] : memref<10240x16xf32, #tpu.memory_space<hbm>> -> memref<640x16xf32, #tpu.memory_space<hbm>>
    %dma_wait3A_51 = arith.constant 0 : i32
    %dma_wait3A_52 = arith.constant 0 : i32
    %dma_wait3A_53 = tpu.memref_slice %arg2[%dma_wait3A, %dma_wait3A_51, %dma_wait3A_52] : memref<2x10240x16xf32, #tpu.memory_space<hbm>> -> memref<1x10240x16xf32, #tpu.memory_space<hbm>>
    %dma_wait3A_54 = tpu.memref_squeeze %dma_wait3A_53 : memref<1x10240x16xf32, #tpu.memory_space<hbm>> -> memref<10240x16xf32, #tpu.memory_space<hbm>>
    %dma_wait3A_55 = arith.constant 0 : i32
    %dma_wait3A_56 = tpu.memref_slice %dma_wait3A_54[%mul3A_3, %dma_wait3A_55] : memref<10240x16xf32, #tpu.memory_space<hbm>> -> memref<640x16xf32, #tpu.memory_space<hbm>>
    tpu.wait_dma2 semaphore(%arg18 : memref<!tpu.dma_semaphore, #tpu.memory_space<semaphore_mem>>) src(%dma_wait3A_56 : memref<640x16xf32, #tpu.memory_space<hbm>>) dst(%arg8 : memref<640x16xf32, #tpu.memory_space<vmem>>)
    %dma_wait3A_57 = arith.constant 1 : i32
    %dma_wait3A_58 = arith.constant 0 : i32
    %dma_wait3A_59 = arith.constant 0 : i32
    %dma_wait3A_60 = tpu.memref_slice %arg2[%dma_wait3A_57, %dma_wait3A_58, %dma_wait3A_59] : memref<2x10240x16xf32, #tpu.memory_space<hbm>> -> memref<1x10240x16xf32, #tpu.memory_space<hbm>>
    %dma_wait3A_61 = tpu.memref_squeeze %dma_wait3A_60 : memref<1x10240x16xf32, #tpu.memory_space<hbm>> -> memref<10240x16xf32, #tpu.memory_space<hbm>>
    %dma_wait3A_62 = arith.constant 0 : i32
    %dma_wait3A_63 = tpu.memref_slice %dma_wait3A_61[%mul3A_3, %dma_wait3A_62] : memref<10240x16xf32, #tpu.memory_space<hbm>> -> memref<640x16xf32, #tpu.memory_space<hbm>>
    %dma_wait3A_64 = arith.constant 0 : i32
    %dma_wait3A_65 = arith.constant 0 : i32
    %dma_wait3A_66 = tpu.memref_slice %arg2[%dma_wait3A_57, %dma_wait3A_64, %dma_wait3A_65] : memref<2x10240x16xf32, #tpu.memory_space<hbm>> -> memref<1x10240x16xf32, #tpu.memory_space<hbm>>
    %dma_wait3A_67 = tpu.memref_squeeze %dma_wait3A_66 : memref<1x10240x16xf32, #tpu.memory_space<hbm>> -> memref<10240x16xf32, #tpu.memory_space<hbm>>
    %dma_wait3A_68 = arith.constant 0 : i32
    %dma_wait3A_69 = tpu.memref_slice %dma_wait3A_67[%mul3A_3, %dma_wait3A_68] : memref<10240x16xf32, #tpu.memory_space<hbm>> -> memref<640x16xf32, #tpu.memory_space<hbm>>
    tpu.wait_dma2 semaphore(%arg18 : memref<!tpu.dma_semaphore, #tpu.memory_space<semaphore_mem>>) src(%dma_wait3A_69 : memref<640x16xf32, #tpu.memory_space<hbm>>) dst(%arg9 : memref<640x16xf32, #tpu.memory_space<vmem>>)
    %dma_wait3A_70 = arith.constant 0 : i32
    %dma_wait3A_71 = tpu.memref_slice %arg3[%mul3A_3, %dma_wait3A_70] : memref<10240x16xf32, #tpu.memory_space<hbm>> -> memref<640x16xf32, #tpu.memory_space<hbm>>
    %dma_wait3A_72 = arith.constant 0 : i32
    %dma_wait3A_73 = tpu.memref_slice %arg3[%mul3A_3, %dma_wait3A_72] : memref<10240x16xf32, #tpu.memory_space<hbm>> -> memref<640x16xf32, #tpu.memory_space<hbm>>
    tpu.wait_dma2 semaphore(%arg18 : memref<!tpu.dma_semaphore, #tpu.memory_space<semaphore_mem>>) src(%dma_wait3A_73 : memref<640x16xf32, #tpu.memory_space<hbm>>) dst(%arg11 : memref<640x16xf32, #tpu.memory_space<vmem>>)
    tpu.wait_dma2 semaphore(%arg18 : memref<!tpu.dma_semaphore, #tpu.memory_space<semaphore_mem>>) src(%arg4 : memref<16xf32, #tpu.memory_space<hbm>>) dst(%arg12 : memref<16xf32, #tpu.memory_space<vmem>>)
    %mul3A_74 = arith.constant 40 : i32
    %mul3A_75 = arith.muli %add3A, %mul3A_74 : i32
    %dma_wait3A_76 = arith.constant 0 : i32
    %dma_wait3A_77 = tpu.memref_slice %arg5[%mul3A_75, %dma_wait3A_76] : memref<1280x128xi32, #tpu.memory_space<hbm>> -> memref<40x128xi32, #tpu.memory_space<hbm>>
    %dma_wait3A_78 = arith.constant 0 : i32
    %dma_wait3A_79 = tpu.memref_slice %arg5[%mul3A_75, %dma_wait3A_78] : memref<1280x128xi32, #tpu.memory_space<hbm>> -> memref<40x128xi32, #tpu.memory_space<hbm>>
    tpu.wait_dma2 semaphore(%arg18 : memref<!tpu.dma_semaphore, #tpu.memory_space<semaphore_mem>>) src(%dma_wait3A_79 : memref<40x128xi32, #tpu.memory_space<hbm>>) dst(%arg13 : memref<40x128xi32, #tpu.memory_space<vmem>>)
    %mul3A_80 = arith.constant 40 : i32
    %mul3A_81 = arith.muli %add3A, %mul3A_80 : i32
    %dma_wait3A_82 = arith.constant 0 : i32
    %dma_wait3A_83 = tpu.memref_slice %arg6[%mul3A_81, %dma_wait3A_82] : memref<1280x128xi32, #tpu.memory_space<hbm>> -> memref<40x128xi32, #tpu.memory_space<hbm>>
    %dma_wait3A_84 = arith.constant 0 : i32
    %dma_wait3A_85 = tpu.memref_slice %arg6[%mul3A_81, %dma_wait3A_84] : memref<1280x128xi32, #tpu.memory_space<hbm>> -> memref<40x128xi32, #tpu.memory_space<hbm>>
    tpu.wait_dma2 semaphore(%arg18 : memref<!tpu.dma_semaphore, #tpu.memory_space<semaphore_mem>>) src(%dma_wait3A_85 : memref<40x128xi32, #tpu.memory_space<hbm>>) dst(%arg14 : memref<40x128xi32, #tpu.memory_space<vmem>>)
    %get3A = arith.constant 0 : index
    %get3A_86 = tpu.vector_load %arg12[%get3A] {strides = array<i32>} : memref<16xf32, #tpu.memory_space<vmem>>, vector<16xf32>,
    %scan3A = arith.constant 0 : i32
    %scan3A_87 = arith.constant 0 : i32
    %scan3A_88 = arith.constant 640 : i32
    %scan3A_89 = arith.addi %scan3A_87, %scan3A_88 : i32
    %scan3A_90 = arith.constant 1 : i32
    %scan3A_91 = scf.for %scan3A_129 = %scan3A_87 to %scan3A_89 step %scan3A_90 iter_args(%scan3A_130 = %scan3A) -> (i32)  : i32 {
      %get3A_131 = arith.index_cast %scan3A_129 : i32 to index
      %get3A_132 = arith.constant 0 : index
      %get3A_133 = tpu.vector_load %arg8[%get3A_131, %get3A_132] {strides = array<i32>} : memref<640x16xf32, #tpu.memory_space<vmem>>, vector<16xf32>,
      %get3A_134 = arith.index_cast %scan3A_129 : i32 to index
      %get3A_135 = arith.constant 0 : index
      %get3A_136 = tpu.vector_load %arg9[%get3A_134, %get3A_135] {strides = array<i32>} : memref<640x16xf32, #tpu.memory_space<vmem>>, vector<16xf32>,
      %add3A_137 = arith.addf %get3A_133, %get3A_136 : vector<16xf32>
      %add3A_138 = arith.addf %add3A_137, %get3A_86 : vector<16xf32>
      %max3A = arith.constant 0.000000e+00 : f32
      %max3A_139 = vector.broadcast %max3A : f32 to vector<16xf32>
      %max3A_140 = arith.maximumf %add3A_138, %max3A_139 : vector<16xf32>
      %get3A_141 = arith.index_cast %scan3A_129 : i32 to index
      %get3A_142 = arith.constant 0 : index
      %get3A_143 = tpu.vector_load %arg11[%get3A_141, %get3A_142] {strides = array<i32>} : memref<640x16xf32, #tpu.memory_space<vmem>>, vector<16xf32>,
      %mul3A_144 = arith.mulf %max3A_140, %get3A_143 : vector<16xf32>
      %swap3A = arith.index_cast %scan3A_129 : i32 to index
      %swap3A_145 = arith.constant 0 : index
      %swap3A_146 = tpu.vector_load %arg10[%swap3A, %swap3A_145] {strides = array<i32>} : memref<640x16xf32, #tpu.memory_space<vmem>>, vector<16xf32>,
      tpu.vector_store %arg10[%swap3A, %swap3A_145], %mul3A_144 {strides = array<i32>} : memref<640x16xf32, #tpu.memory_space<vmem>>, vector<16xf32>,
      %scan3A_147 = arith.constant 0 : i32
      scf.yield %scan3A_147 : i32
    }
    %scan3A_92 = arith.constant 640 : i32
    "tpu.region"() ({
      %run_scoped3A = tpu.sem_alloc : memref<!tpu.dma_semaphore, #tpu.memory_space<semaphore_mem>>
      %dma_start3A_129 = arith.constant 0 : i32
      %dma_start3A_130 = tpu.memref_slice %arg16[%mul3A_3, %dma_start3A_129] : memref<10240x16xf32, #tpu.memory_space<vmem_shared>> -> memref<640x16xf32, #tpu.memory_space<vmem_shared>>
      %dma_start3A_131 = arith.constant 0 : i32
      %dma_start3A_132 = tpu.memref_slice %arg16[%mul3A_3, %dma_start3A_131] : memref<10240x16xf32, #tpu.memory_space<vmem_shared>> -> memref<640x16xf32, #tpu.memory_space<vmem_shared>>
      tpu.enqueue_dma source(%arg10 : memref<640x16xf32, #tpu.memory_space<vmem>>) target(%dma_start3A_132 : memref<640x16xf32, #tpu.memory_space<vmem_shared>>) target_semaphore(%run_scoped3A : memref<!tpu.dma_semaphore, #tpu.memory_space<semaphore_mem>>)
      %dma_wait3A_133 = arith.constant 0 : i32
      %dma_wait3A_134 = tpu.memref_slice %arg16[%mul3A_3, %dma_wait3A_133] : memref<10240x16xf32, #tpu.memory_space<vmem_shared>> -> memref<640x16xf32, #tpu.memory_space<vmem_shared>>
      %dma_wait3A_135 = arith.constant 0 : i32
      %dma_wait3A_136 = tpu.memref_slice %arg16[%mul3A_3, %dma_wait3A_135] : memref<10240x16xf32, #tpu.memory_space<vmem_shared>> -> memref<640x16xf32, #tpu.memory_space<vmem_shared>>
      tpu.wait_dma2 semaphore(%run_scoped3A : memref<!tpu.dma_semaphore, #tpu.memory_space<semaphore_mem>>) src(%arg10 : memref<640x16xf32, #tpu.memory_space<vmem>>) dst(%dma_wait3A_136 : memref<640x16xf32, #tpu.memory_space<vmem_shared>>)
      tpu.yield
    }) : () -> ()
    %scan3A_93 = arith.constant 0 : i32
    %scan3A_94 = arith.constant 0 : i32
    %scan3A_95 = arith.constant 640 : i32
    %scan3A_96 = arith.addi %scan3A_94, %scan3A_95 : i32
    %scan3A_97 = arith.constant 1 : i32
    %scan3A_98 = scf.for %scan3A_129 = %scan3A_94 to %scan3A_96 step %scan3A_97 iter_args(%scan3A_130 = %scan3A_93) -> (i32)  : i32 {
      %swap3A = arith.index_cast %scan3A_129 : i32 to index
      %swap3A_131 = arith.constant 0 : index
      %swap3A_132 = tpu.vector_load %arg9[%swap3A, %swap3A_131] {strides = array<i32>} : memref<640x16xf32, #tpu.memory_space<vmem>>, vector<16xf32>,
      tpu.vector_store %arg9[%swap3A, %swap3A_131], %broadcast_in_dim3A_1 {strides = array<i32>} : memref<640x16xf32, #tpu.memory_space<vmem>>, vector<16xf32>,
      %scan3A_133 = arith.constant 0 : i32
      scf.yield %scan3A_133 : i32
    }
    %scan3A_99 = arith.constant 640 : i32
    "tpu.region"() ({
      %run_scoped3A = tpu.sem_alloc : memref<!tpu.dma_semaphore, #tpu.memory_space<semaphore_mem>>
      %dma_start3A_129 = arith.constant 0 : i32
      %dma_start3A_130 = tpu.memref_slice %arg17[%mul3A_3, %dma_start3A_129] : memref<10240x16xf32, #tpu.memory_space<vmem_shared>> -> memref<640x16xf32, #tpu.memory_space<vmem_shared>>
      %dma_start3A_131 = arith.constant 0 : i32
      %dma_start3A_132 = tpu.memref_slice %arg17[%mul3A_3, %dma_start3A_131] : memref<10240x16xf32, #tpu.memory_space<vmem_shared>> -> memref<640x16xf32, #tpu.memory_space<vmem_shared>>
      tpu.enqueue_dma source(%arg9 : memref<640x16xf32, #tpu.memory_space<vmem>>) target(%dma_start3A_132 : memref<640x16xf32, #tpu.memory_space<vmem_shared>>) target_semaphore(%run_scoped3A : memref<!tpu.dma_semaphore, #tpu.memory_space<semaphore_mem>>)
      %dma_wait3A_133 = arith.constant 0 : i32
      %dma_wait3A_134 = tpu.memref_slice %arg17[%mul3A_3, %dma_wait3A_133] : memref<10240x16xf32, #tpu.memory_space<vmem_shared>> -> memref<640x16xf32, #tpu.memory_space<vmem_shared>>
      %dma_wait3A_135 = arith.constant 0 : i32
      %dma_wait3A_136 = tpu.memref_slice %arg17[%mul3A_3, %dma_wait3A_135] : memref<10240x16xf32, #tpu.memory_space<vmem_shared>> -> memref<640x16xf32, #tpu.memory_space<vmem_shared>>
      tpu.wait_dma2 semaphore(%run_scoped3A : memref<!tpu.dma_semaphore, #tpu.memory_space<semaphore_mem>>) src(%arg9 : memref<640x16xf32, #tpu.memory_space<vmem>>) dst(%dma_wait3A_136 : memref<640x16xf32, #tpu.memory_space<vmem_shared>>)
      tpu.yield
    }) : () -> ()
    %barrier3A = arith.constant 0 : index
    tpu.barrier barrier_id(%barrier3A)
    %scan3A_100 = arith.constant 0 : i32
    %scan3A_101 = arith.constant 0 : i32
    %scan3A_102 = arith.constant 10 : i32
    %scan3A_103 = arith.addi %scan3A_101, %scan3A_102 : i32
    %scan3A_104 = arith.constant 1 : i32
    %scan3A_105 = scf.for %scan3A_129 = %scan3A_101 to %scan3A_103 step %scan3A_104 iter_args(%scan3A_130 = %scan3A_100) -> (i32)  : i32 {
      %rem3A = arith.constant 16 : i32
      %rem3A_131 = arith.remsi %scan3A_129, %rem3A : i32
      %mul3A_132 = arith.constant 128 : i32
      %mul3A_133 = arith.muli %rem3A_131, %mul3A_132 : i32
      %dma_start3A_134 = arith.constant 0 : i32
      %dma_start3A_135 = tpu.memref_slice %arg15[%mul3A_133, %dma_start3A_134] : memref<2048x16xf32, #tpu.memory_space<vmem>> -> memref<128x16xf32, #tpu.memory_space<vmem>>
      %dma_start3A_136 = arith.constant 0 : i32
      %dma_start3A_137 = tpu.memref_slice %arg13[%scan3A_129, %dma_start3A_136] : memref<40x128xi32, #tpu.memory_space<vmem>> -> memref<1x128xi32, #tpu.memory_space<vmem>>
      %dma_start3A_138 = tpu.memref_squeeze %dma_start3A_137 : memref<1x128xi32, #tpu.memory_space<vmem>> -> memref<128xi32, #tpu.memory_space<vmem>>
      %dma_start3A_139 = arith.constant 0 : i32
      %dma_start3A_140 = arith.constant 0 : i32
      %dma_start3A_141 = tpu.memref_slice %arg16[%dma_start3A_139, %dma_start3A_140] : memref<10240x16xf32, #tpu.memory_space<vmem_shared>> -> memref<10240x16xf32, #tpu.memory_space<vmem_shared>>
      tpu.enqueue_indirect_dma source(%dma_start3A_141 : memref<10240x16xf32, #tpu.memory_space<vmem_shared>>) target(%dma_start3A_135 : memref<128x16xf32, #tpu.memory_space<vmem>>) offsets(%dma_start3A_138 : memref<128xi32, #tpu.memory_space<vmem>>) semaphore(%arg18 : memref<!tpu.dma_semaphore, #tpu.memory_space<semaphore_mem>>)
      %scan3A_142 = arith.constant 0 : i32
      scf.yield %scan3A_142 : i32
    }
    %scan3A_106 = arith.constant 10 : i32
    %scan3A_107 = arith.constant 0 : i32
    %scan3A_108 = arith.constant 0 : i32
    %scan3A_109 = arith.constant 40 : i32
    %scan3A_110 = arith.addi %scan3A_108, %scan3A_109 : i32
    %scan3A_111 = arith.constant 1 : i32
    %scan3A_112 = scf.for %scan3A_129 = %scan3A_108 to %scan3A_110 step %scan3A_111 iter_args(%scan3A_130 = %scan3A_107) -> (i32)  : i32 {
      %ge3A = arith.constant 6 : i32
      %ge3A_131 = arith.cmpi sge, %scan3A_129, %ge3A : i32
      %convert_element_type3A_132 = arith.extui %ge3A_131 : i1 to i32
      %cond3A_133 = arith.constant 0 : i32
      %cond3A_134 = arith.cmpi ne, %convert_element_type3A_132, %cond3A_133 : i32
      scf.if %cond3A_134 {
        %sub3A = arith.constant 6 : i32
        %sub3A_165 = arith.subi %scan3A_129, %sub3A : i32
        %rem3A_166 = arith.constant 16 : i32
        %rem3A_167 = arith.remsi %sub3A_165, %rem3A_166 : i32
        %mul3A_168 = arith.constant 128 : i32
        %mul3A_169 = arith.muli %rem3A_167, %mul3A_168 : i32
        %dma_wait3A_170 = arith.constant 0 : i32
        %dma_wait3A_171 = tpu.memref_slice %arg15[%mul3A_169, %dma_wait3A_170] : memref<2048x16xf32, #tpu.memory_space<vmem>> -> memref<128x16xf32, #tpu.memory_space<vmem>>
        %dma_wait3A_172 = arith.constant 0 : i32
        %dma_wait3A_173 = tpu.memref_slice %arg14[%sub3A_165, %dma_wait3A_172] : memref<40x128xi32, #tpu.memory_space<vmem>> -> memref<1x128xi32, #tpu.memory_space<vmem>>
        %dma_wait3A_174 = tpu.memref_squeeze %dma_wait3A_173 : memref<1x128xi32, #tpu.memory_space<vmem>> -> memref<128xi32, #tpu.memory_space<vmem>>
        %dma_wait3A_175 = arith.constant 0 : i32
        %dma_wait3A_176 = arith.constant 0 : i32
        %dma_wait3A_177 = tpu.memref_slice %arg17[%dma_wait3A_175, %dma_wait3A_176] : memref<10240x16xf32, #tpu.memory_space<vmem_shared>> -> memref<10240x16xf32, #tpu.memory_space<vmem_shared>>
        tpu.wait_indirect_dma semaphore(%arg19 : memref<!tpu.dma_semaphore, #tpu.memory_space<semaphore_mem>>) src(%dma_wait3A_171 : memref<128x16xf32, #tpu.memory_space<vmem>>) dst(%dma_wait3A_177 : memref<10240x16xf32, #tpu.memory_space<vmem_shared>>)
      } else {
      }
      %add3A_135 = arith.constant 10 : i32
      %add3A_136 = arith.addi %scan3A_129, %add3A_135 : i32
      %lt3A = arith.constant 40 : i32
      %lt3A_137 = arith.cmpi slt, %add3A_136, %lt3A : i32
      %convert_element_type3A_138 = arith.extui %lt3A_137 : i1 to i32
      %cond3A_139 = arith.constant 0 : i32
      %cond3A_140 = arith.cmpi ne, %convert_element_type3A_138, %cond3A_139 : i32
      scf.if %cond3A_140 {
        %add3A_165 = arith.constant 10 : i32
        %add3A_166 = arith.addi %scan3A_129, %add3A_165 : i32
        %rem3A_167 = arith.constant 16 : i32
        %rem3A_168 = arith.remsi %add3A_166, %rem3A_167 : i32
        %mul3A_169 = arith.constant 128 : i32
        %mul3A_170 = arith.muli %rem3A_168, %mul3A_169 : i32
        %dma_start3A_171 = arith.constant 0 : i32
        %dma_start3A_172 = tpu.memref_slice %arg15[%mul3A_170, %dma_start3A_171] : memref<2048x16xf32, #tpu.memory_space<vmem>> -> memref<128x16xf32, #tpu.memory_space<vmem>>
        %dma_start3A_173 = arith.constant 0 : i32
        %dma_start3A_174 = tpu.memref_slice %arg13[%add3A_166, %dma_start3A_173] : memref<40x128xi32, #tpu.memory_space<vmem>> -> memref<1x128xi32, #tpu.memory_space<vmem>>
        %dma_start3A_175 = tpu.memref_squeeze %dma_start3A_174 : memref<1x128xi32, #tpu.memory_space<vmem>> -> memref<128xi32, #tpu.memory_space<vmem>>
        %dma_start3A_176 = arith.constant 0 : i32
        %dma_start3A_177 = arith.constant 0 : i32
        %dma_start3A_178 = tpu.memref_slice %arg16[%dma_start3A_176, %dma_start3A_177] : memref<10240x16xf32, #tpu.memory_space<vmem_shared>> -> memref<10240x16xf32, #tpu.memory_space<vmem_shared>>
        tpu.enqueue_indirect_dma source(%dma_start3A_178 : memref<10240x16xf32, #tpu.memory_space<vmem_shared>>) target(%dma_start3A_172 : memref<128x16xf32, #tpu.memory_space<vmem>>) offsets(%dma_start3A_175 : memref<128xi32, #tpu.memory_space<vmem>>) semaphore(%arg18 : memref<!tpu.dma_semaphore, #tpu.memory_space<semaphore_mem>>)
      } else {
      }
      %rem3A = arith.constant 16 : i32
      %rem3A_141 = arith.remsi %scan3A_129, %rem3A : i32
      %mul3A_142 = arith.constant 128 : i32
      %mul3A_143 = arith.muli %rem3A_141, %mul3A_142 : i32
      %dma_wait3A_144 = arith.constant 0 : i32
      %dma_wait3A_145 = tpu.memref_slice %arg15[%mul3A_143, %dma_wait3A_144] : memref<2048x16xf32, #tpu.memory_space<vmem>> -> memref<128x16xf32, #tpu.memory_space<vmem>>
      %dma_wait3A_146 = arith.constant 0 : i32
      %dma_wait3A_147 = tpu.memref_slice %arg13[%scan3A_129, %dma_wait3A_146] : memref<40x128xi32, #tpu.memory_space<vmem>> -> memref<1x128xi32, #tpu.memory_space<vmem>>
      %dma_wait3A_148 = tpu.memref_squeeze %dma_wait3A_147 : memref<1x128xi32, #tpu.memory_space<vmem>> -> memref<128xi32, #tpu.memory_space<vmem>>
      %dma_wait3A_149 = arith.constant 0 : i32
      %dma_wait3A_150 = arith.constant 0 : i32
      %dma_wait3A_151 = tpu.memref_slice %arg16[%dma_wait3A_149, %dma_wait3A_150] : memref<10240x16xf32, #tpu.memory_space<vmem_shared>> -> memref<10240x16xf32, #tpu.memory_space<vmem_shared>>
      tpu.wait_indirect_dma semaphore(%arg18 : memref<!tpu.dma_semaphore, #tpu.memory_space<semaphore_mem>>) src(%dma_wait3A_151 : memref<10240x16xf32, #tpu.memory_space<vmem_shared>>) dst(%dma_wait3A_145 : memref<128x16xf32, #tpu.memory_space<vmem>>)
      %rem3A_152 = arith.constant 16 : i32
      %rem3A_153 = arith.remsi %scan3A_129, %rem3A_152 : i32
      %mul3A_154 = arith.constant 128 : i32
      %mul3A_155 = arith.muli %rem3A_153, %mul3A_154 : i32
      %dma_start3A_156 = arith.constant 0 : i32
      %dma_start3A_157 = tpu.memref_slice %arg15[%mul3A_155, %dma_start3A_156] : memref<2048x16xf32, #tpu.memory_space<vmem>> -> memref<128x16xf32, #tpu.memory_space<vmem>>
      %dma_start3A_158 = arith.constant 0 : i32
      %dma_start3A_159 = tpu.memref_slice %arg14[%scan3A_129, %dma_start3A_158] : memref<40x128xi32, #tpu.memory_space<vmem>> -> memref<1x128xi32, #tpu.memory_space<vmem>>
      %dma_start3A_160 = tpu.memref_squeeze %dma_start3A_159 : memref<1x128xi32, #tpu.memory_space<vmem>> -> memref<128xi32, #tpu.memory_space<vmem>>
      %dma_start3A_161 = arith.constant 0 : i32
      %dma_start3A_162 = arith.constant 0 : i32
      %dma_start3A_163 = tpu.memref_slice %arg17[%dma_start3A_161, %dma_start3A_162] : memref<10240x16xf32, #tpu.memory_space<vmem_shared>> -> memref<10240x16xf32, #tpu.memory_space<vmem_shared>>
      tpu.enqueue_indirect_dma source(%dma_start3A_157 : memref<128x16xf32, #tpu.memory_space<vmem>>) target(%dma_start3A_163 : memref<10240x16xf32, #tpu.memory_space<vmem_shared>>) offsets(%dma_start3A_160 : memref<128xi32, #tpu.memory_space<vmem>>) semaphore(%arg19 : memref<!tpu.dma_semaphore, #tpu.memory_space<semaphore_mem>>) {add = true}
      %scan3A_164 = arith.constant 0 : i32
      scf.yield %scan3A_164 : i32
    }
    %scan3A_113 = arith.constant 40 : i32
    %scan3A_114 = arith.constant 0 : i32
    %scan3A_115 = arith.constant 34 : i32
    %scan3A_116 = arith.constant 6 : i32
    %scan3A_117 = arith.addi %scan3A_115, %scan3A_116 : i32
    %scan3A_118 = arith.constant 1 : i32
    %scan3A_119 = scf.for %scan3A_129 = %scan3A_115 to %scan3A_117 step %scan3A_118 iter_args(%scan3A_130 = %scan3A_114) -> (i32)  : i32 {
      %rem3A = arith.constant 16 : i32
      %rem3A_131 = arith.remsi %scan3A_129, %rem3A : i32
      %mul3A_132 = arith.constant 128 : i32
      %mul3A_133 = arith.muli %rem3A_131, %mul3A_132 : i32
      %dma_wait3A_134 = arith.constant 0 : i32
      %dma_wait3A_135 = tpu.memref_slice %arg15[%mul3A_133, %dma_wait3A_134] : memref<2048x16xf32, #tpu.memory_space<vmem>> -> memref<128x16xf32, #tpu.memory_space<vmem>>
      %dma_wait3A_136 = arith.constant 0 : i32
      %dma_wait3A_137 = tpu.memref_slice %arg14[%scan3A_129, %dma_wait3A_136] : memref<40x128xi32, #tpu.memory_space<vmem>> -> memref<1x128xi32, #tpu.memory_space<vmem>>
      %dma_wait3A_138 = tpu.memref_squeeze %dma_wait3A_137 : memref<1x128xi32, #tpu.memory_space<vmem>> -> memref<128xi32, #tpu.memory_space<vmem>>
      %dma_wait3A_139 = arith.constant 0 : i32
      %dma_wait3A_140 = arith.constant 0 : i32
      %dma_wait3A_141 = tpu.memref_slice %arg17[%dma_wait3A_139, %dma_wait3A_140] : memref<10240x16xf32, #tpu.memory_space<vmem_shared>> -> memref<10240x16xf32, #tpu.memory_space<vmem_shared>>
      tpu.wait_indirect_dma semaphore(%arg19 : memref<!tpu.dma_semaphore, #tpu.memory_space<semaphore_mem>>) src(%dma_wait3A_135 : memref<128x16xf32, #tpu.memory_space<vmem>>) dst(%dma_wait3A_141 : memref<10240x16xf32, #tpu.memory_space<vmem_shared>>)
      %scan3A_142 = arith.constant 0 : i32
      scf.yield %scan3A_142 : i32
    }
    %scan3A_120 = arith.constant 6 : i32
    %barrier3A_121 = arith.constant 0 : index
    tpu.barrier barrier_id(%barrier3A_121)
    "tpu.region"() ({
      %run_scoped3A = tpu.sem_alloc : memref<!tpu.dma_semaphore, #tpu.memory_space<semaphore_mem>>
      %dma_start3A_129 = arith.constant 0 : i32
      %dma_start3A_130 = tpu.memref_slice %arg17[%mul3A_3, %dma_start3A_129] : memref<10240x16xf32, #tpu.memory_space<vmem_shared>> -> memref<640x16xf32, #tpu.memory_space<vmem_shared>>
      %dma_start3A_131 = arith.constant 0 : i32
      %dma_start3A_132 = tpu.memref_slice %arg17[%mul3A_3, %dma_start3A_131] : memref<10240x16xf32, #tpu.memory_space<vmem_shared>> -> memref<640x16xf32, #tpu.memory_space<vmem_shared>>
      tpu.enqueue_dma source(%dma_start3A_132 : memref<640x16xf32, #tpu.memory_space<vmem_shared>>) target(%arg9 : memref<640x16xf32, #tpu.memory_space<vmem>>) target_semaphore(%run_scoped3A : memref<!tpu.dma_semaphore, #tpu.memory_space<semaphore_mem>>)
      %dma_wait3A_133 = arith.constant 0 : i32
      %dma_wait3A_134 = tpu.memref_slice %arg17[%mul3A_3, %dma_wait3A_133] : memref<10240x16xf32, #tpu.memory_space<vmem_shared>> -> memref<640x16xf32, #tpu.memory_space<vmem_shared>>
      %dma_wait3A_135 = arith.constant 0 : i32
      %dma_wait3A_136 = tpu.memref_slice %arg17[%mul3A_3, %dma_wait3A_135] : memref<10240x16xf32, #tpu.memory_space<vmem_shared>> -> memref<640x16xf32, #tpu.memory_space<vmem_shared>>
      tpu.wait_dma2 semaphore(%run_scoped3A : memref<!tpu.dma_semaphore, #tpu.memory_space<semaphore_mem>>) src(%dma_wait3A_136 : memref<640x16xf32, #tpu.memory_space<vmem_shared>>) dst(%arg9 : memref<640x16xf32, #tpu.memory_space<vmem>>)
      tpu.yield
    }) : () -> ()
    %eq3A = arith.constant 0 : i32
    %eq3A_122 = arith.cmpi eq, %arg0, %eq3A : i32
    %convert_element_type3A = arith.extui %eq3A_122 : i1 to i32
    %cond3A = arith.constant 0 : i32
    %cond3A_123 = arith.cmpi ne, %convert_element_type3A, %cond3A : i32
    scf.if %cond3A_123 {
      %scan3A_129 = arith.constant 0 : i32
      %scan3A_130 = arith.constant 0 : i32
      %scan3A_131 = arith.constant 640 : i32
      %scan3A_132 = arith.addi %scan3A_130, %scan3A_131 : i32
      %scan3A_133 = arith.constant 1 : i32
      %scan3A_134 = scf.for %scan3A_136 = %scan3A_130 to %scan3A_132 step %scan3A_133 iter_args(%scan3A_137 = %scan3A_129) -> (i32)  : i32 {
        %get3A_138 = arith.index_cast %scan3A_136 : i32 to index
        %get3A_139 = arith.constant 0 : index
        %get3A_140 = tpu.vector_load %arg11[%get3A_138, %get3A_139] {strides = array<i32>} : memref<640x16xf32, #tpu.memory_space<vmem>>, vector<16xf32>,
        %get3A_141 = arith.index_cast %scan3A_136 : i32 to index
        %get3A_142 = arith.constant 0 : index
        %get3A_143 = tpu.vector_load %arg9[%get3A_141, %get3A_142] {strides = array<i32>} : memref<640x16xf32, #tpu.memory_space<vmem>>, vector<16xf32>,
        %mul3A_144 = arith.mulf %get3A_140, %get3A_143 : vector<16xf32>
        %swap3A = arith.index_cast %scan3A_136 : i32 to index
        %swap3A_145 = arith.constant 0 : index
        %swap3A_146 = tpu.vector_load %arg9[%swap3A, %swap3A_145] {strides = array<i32>} : memref<640x16xf32, #tpu.memory_space<vmem>>, vector<16xf32>,
        tpu.vector_store %arg9[%swap3A, %swap3A_145], %mul3A_144 {strides = array<i32>} : memref<640x16xf32, #tpu.memory_space<vmem>>, vector<16xf32>,
        %scan3A_147 = arith.constant 0 : i32
        scf.yield %scan3A_147 : i32
      }
      %scan3A_135 = arith.constant 640 : i32
    } else {
    }
    %eq3A_124 = arith.constant 1 : i32
    %eq3A_125 = arith.cmpi eq, %arg0, %eq3A_124 : i32
    %convert_element_type3A_126 = arith.extui %eq3A_125 : i1 to i32
    %cond3A_127 = arith.constant 0 : i32
    %cond3A_128 = arith.cmpi ne, %convert_element_type3A_126, %cond3A_127 : i32
    scf.if %cond3A_128 {
      %scan3A_129 = arith.constant 0 : i32
      %scan3A_130 = arith.constant 0 : i32
      %scan3A_131 = arith.constant 640 : i32
      %scan3A_132 = arith.addi %scan3A_130, %scan3A_131 : i32
      %scan3A_133 = arith.constant 1 : i32
      %scan3A_134 = scf.for %scan3A_136 = %scan3A_130 to %scan3A_132 step %scan3A_133 iter_args(%scan3A_137 = %scan3A_129) -> (i32)  : i32 {
        %get3A_138 = arith.index_cast %scan3A_136 : i32 to index
        %get3A_139 = arith.constant 0 : index
        %get3A_140 = tpu.vector_load %arg11[%get3A_138, %get3A_139] {strides = array<i32>} : memref<640x16xf32, #tpu.memory_space<vmem>>, vector<16xf32>,
        %get3A_141 = arith.index_cast %scan3A_136 : i32 to index
        %get3A_142 = arith.constant 0 : index
        %get3A_143 = tpu.vector_load %arg9[%get3A_141, %get3A_142] {strides = array<i32>} : memref<640x16xf32, #tpu.memory_space<vmem>>, vector<16xf32>,
        %get3A_144 = arith.index_cast %scan3A_136 : i32 to index
        %get3A_145 = arith.constant 0 : index
        %get3A_146 = tpu.vector_load %arg10[%get3A_144, %get3A_145] {strides = array<i32>} : memref<640x16xf32, #tpu.memory_space<vmem>>, vector<16xf32>,
        %add3A_147 = arith.addf %get3A_143, %get3A_146 : vector<16xf32>
        %mul3A_148 = arith.mulf %get3A_140, %add3A_147 : vector<16xf32>
        %swap3A = arith.index_cast %scan3A_136 : i32 to index
        %swap3A_149 = arith.constant 0 : index
        %swap3A_150 = tpu.vector_load %arg9[%swap3A, %swap3A_149] {strides = array<i32>} : memref<640x16xf32, #tpu.memory_space<vmem>>, vector<16xf32>,
        tpu.vector_store %arg9[%swap3A, %swap3A_149], %mul3A_148 {strides = array<i32>} : memref<640x16xf32, #tpu.memory_space<vmem>>, vector<16xf32>,
        %scan3A_151 = arith.constant 0 : i32
        scf.yield %scan3A_151 : i32
      }
      %scan3A_135 = arith.constant 640 : i32
    } else {
    }
    "tpu.region"() ({
      %run_scoped3A = tpu.sem_alloc : memref<!tpu.dma_semaphore, #tpu.memory_space<semaphore_mem>>
      %dma_start3A_129 = arith.constant 0 : i32
      %dma_start3A_130 = arith.constant 0 : i32
      %dma_start3A_131 = tpu.memref_slice %arg7[%arg0, %dma_start3A_129, %dma_start3A_130] : memref<2x10240x16xf32, #tpu.memory_space<hbm>> -> memref<1x10240x16xf32, #tpu.memory_space<hbm>>
      %dma_start3A_132 = tpu.memref_squeeze %dma_start3A_131 : memref<1x10240x16xf32, #tpu.memory_space<hbm>> -> memref<10240x16xf32, #tpu.memory_space<hbm>>
      %dma_start3A_133 = arith.constant 0 : i32
      %dma_start3A_134 = tpu.memref_slice %dma_start3A_132[%mul3A_3, %dma_start3A_133] : memref<10240x16xf32, #tpu.memory_space<hbm>> -> memref<640x16xf32, #tpu.memory_space<hbm>>
      %dma_start3A_135 = arith.constant 0 : i32
      %dma_start3A_136 = arith.constant 0 : i32
      %dma_start3A_137 = tpu.memref_slice %arg7[%arg0, %dma_start3A_135, %dma_start3A_136] : memref<2x10240x16xf32, #tpu.memory_space<hbm>> -> memref<1x10240x16xf32, #tpu.memory_space<hbm>>
      %dma_start3A_138 = tpu.memref_squeeze %dma_start3A_137 : memref<1x10240x16xf32, #tpu.memory_space<hbm>> -> memref<10240x16xf32, #tpu.memory_space<hbm>>
      %dma_start3A_139 = arith.constant 0 : i32
      %dma_start3A_140 = tpu.memref_slice %dma_start3A_138[%mul3A_3, %dma_start3A_139] : memref<10240x16xf32, #tpu.memory_space<hbm>> -> memref<640x16xf32, #tpu.memory_space<hbm>>
      tpu.enqueue_dma source(%arg9 : memref<640x16xf32, #tpu.memory_space<vmem>>) target(%dma_start3A_140 : memref<640x16xf32, #tpu.memory_space<hbm>>) target_semaphore(%run_scoped3A : memref<!tpu.dma_semaphore, #tpu.memory_space<semaphore_mem>>)
      %dma_wait3A_141 = arith.constant 0 : i32
      %dma_wait3A_142 = arith.constant 0 : i32
      %dma_wait3A_143 = tpu.memref_slice %arg7[%arg0, %dma_wait3A_141, %dma_wait3A_142] : memref<2x10240x16xf32, #tpu.memory_space<hbm>> -> memref<1x10240x16xf32, #tpu.memory_space<hbm>>
      %dma_wait3A_144 = tpu.memref_squeeze %dma_wait3A_143 : memref<1x10240x16xf32, #tpu.memory_space<hbm>> -> memref<10240x16xf32, #tpu.memory_space<hbm>>
      %dma_wait3A_145 = arith.constant 0 : i32
      %dma_wait3A_146 = tpu.memref_slice %dma_wait3A_144[%mul3A_3, %dma_wait3A_145] : memref<10240x16xf32, #tpu.memory_space<hbm>> -> memref<640x16xf32, #tpu.memory_space<hbm>>
      %dma_wait3A_147 = arith.constant 0 : i32
      %dma_wait3A_148 = arith.constant 0 : i32
      %dma_wait3A_149 = tpu.memref_slice %arg7[%arg0, %dma_wait3A_147, %dma_wait3A_148] : memref<2x10240x16xf32, #tpu.memory_space<hbm>> -> memref<1x10240x16xf32, #tpu.memory_space<hbm>>
      %dma_wait3A_150 = tpu.memref_squeeze %dma_wait3A_149 : memref<1x10240x16xf32, #tpu.memory_space<hbm>> -> memref<10240x16xf32, #tpu.memory_space<hbm>>
      %dma_wait3A_151 = arith.constant 0 : i32
      %dma_wait3A_152 = tpu.memref_slice %dma_wait3A_150[%mul3A_3, %dma_wait3A_151] : memref<10240x16xf32, #tpu.memory_space<hbm>> -> memref<640x16xf32, #tpu.memory_space<hbm>>
      tpu.wait_dma2 semaphore(%run_scoped3A : memref<!tpu.dma_semaphore, #tpu.memory_space<semaphore_mem>>) src(%arg9 : memref<640x16xf32, #tpu.memory_space<vmem>>) dst(%dma_wait3A_152 : memref<640x16xf32, #tpu.memory_space<hbm>>)
      tpu.yield
    }) : () -> ()
    return
  }
}

#map = affine_map<(d0, d1) -> (0, 0)>
#map1 = affine_map<(d0, d1) -> (0, 0, 0)>
module attributes {stable_mosaic.version = 14 : i64} {
  func.func @_mega1(%arg0: i32, %arg1: i32, %arg2: memref<10240x16xf32, #tpu.memory_space<hbm>>, %arg3: memref<1280x128xi32, #tpu.memory_space<hbm>>, %arg4: memref<1280x128xi32, #tpu.memory_space<hbm>>, %arg5: memref<2x10240x16xf32, #tpu.memory_space<hbm>>, %arg6: memref<10240x16xf32, #tpu.memory_space<hbm>>, %arg7: memref<80x128xi32, #tpu.memory_space<vmem>>, %arg8: memref<640x16xf32, #tpu.memory_space<vmem>>, %arg9: memref<640x16xf32, #tpu.memory_space<vmem>>, %arg10: memref<40x16xf32, #tpu.memory_space<vmem>>, %arg11: memref<640x16xf32, #tpu.memory_space<vmem>>, %arg12: memref<640x16xf32, #tpu.memory_space<vmem>>, %arg13: memref<640x16xf32, #tpu.memory_space<vmem>>, %arg14: memref<40x128xi32, #tpu.memory_space<vmem>>, %arg15: memref<40x128xi32, #tpu.memory_space<vmem>>, %arg16: memref<2048x16xf32, #tpu.memory_space<vmem>>, %arg17: memref<10240x16xf32, #tpu.memory_space<vmem_shared>>, %arg18: memref<10240x16xf32, #tpu.memory_space<vmem_shared>>, %arg19: memref<!tpu.dma_semaphore, #tpu.memory_space<semaphore_mem>>, %arg20: memref<!tpu.dma_semaphore, #tpu.memory_space<semaphore_mem>>) attributes {dimension_semantics = [#tpu.dimension_semantics<core_parallel>, #tpu.dimension_semantics<subcore_parallel>], iteration_bounds = array<i64: 2, 16>, scalar_prefetch = 0 : i64, scratch_operands = 14 : i64, tpu.core_type = #tpu.core_type<sc_vector_subcore>, window_params = [{transform_indices = #map}, {transform_indices = #map}, {transform_indices = #map}, {transform_indices = #map1}, {transform_indices = #map}]} {
    %mul3A = arith.constant 2 : i32
    %mul3A_0 = arith.muli %arg1, %mul3A : i32
    %add3A = arith.addi %mul3A_0, %arg0 : i32
    %broadcast_in_dim3A = arith.constant 0.000000e+00 : f32
    %broadcast_in_dim3A_1 = vector.broadcast %broadcast_in_dim3A : f32 to vector<16xf32>
    %broadcast_in_dim3A_2 = arith.constant 1.000000e+00 : f32
    %broadcast_in_dim3A_3 = vector.broadcast %broadcast_in_dim3A_2 : f32 to vector<16xf32>
    %mul3A_4 = arith.constant 80 : i32
    %mul3A_5 = arith.muli %arg1, %mul3A_4 : i32
    %dma_start3A = arith.constant 0 : i32
    %dma_start3A_6 = tpu.memref_slice %arg4[%mul3A_5, %dma_start3A] : memref<1280x128xi32, #tpu.memory_space<hbm>> -> memref<80x128xi32, #tpu.memory_space<hbm>>
    %dma_start3A_7 = arith.constant 0 : i32
    %dma_start3A_8 = tpu.memref_slice %arg4[%mul3A_5, %dma_start3A_7] : memref<1280x128xi32, #tpu.memory_space<hbm>> -> memref<80x128xi32, #tpu.memory_space<hbm>>
    tpu.enqueue_dma source(%dma_start3A_8 : memref<80x128xi32, #tpu.memory_space<hbm>>) target(%arg7 : memref<80x128xi32, #tpu.memory_space<vmem>>) target_semaphore(%arg19 : memref<!tpu.dma_semaphore, #tpu.memory_space<semaphore_mem>>)
    %mul3A_9 = arith.constant 40 : i32
    %mul3A_10 = arith.muli %add3A, %mul3A_9 : i32
    %dma_start3A_11 = arith.constant 0 : i32
    %dma_start3A_12 = tpu.memref_slice %arg3[%mul3A_10, %dma_start3A_11] : memref<1280x128xi32, #tpu.memory_space<hbm>> -> memref<40x128xi32, #tpu.memory_space<hbm>>
    %dma_start3A_13 = arith.constant 0 : i32
    %dma_start3A_14 = tpu.memref_slice %arg3[%mul3A_10, %dma_start3A_13] : memref<1280x128xi32, #tpu.memory_space<hbm>> -> memref<40x128xi32, #tpu.memory_space<hbm>>
    tpu.enqueue_dma source(%dma_start3A_14 : memref<40x128xi32, #tpu.memory_space<hbm>>) target(%arg14 : memref<40x128xi32, #tpu.memory_space<vmem>>) target_semaphore(%arg19 : memref<!tpu.dma_semaphore, #tpu.memory_space<semaphore_mem>>)
    %mul3A_15 = arith.constant 40 : i32
    %mul3A_16 = arith.muli %add3A, %mul3A_15 : i32
    %dma_start3A_17 = arith.constant 0 : i32
    %dma_start3A_18 = tpu.memref_slice %arg4[%mul3A_16, %dma_start3A_17] : memref<1280x128xi32, #tpu.memory_space<hbm>> -> memref<40x128xi32, #tpu.memory_space<hbm>>
    %dma_start3A_19 = arith.constant 0 : i32
    %dma_start3A_20 = tpu.memref_slice %arg4[%mul3A_16, %dma_start3A_19] : memref<1280x128xi32, #tpu.memory_space<hbm>> -> memref<40x128xi32, #tpu.memory_space<hbm>>
    tpu.enqueue_dma source(%dma_start3A_20 : memref<40x128xi32, #tpu.memory_space<hbm>>) target(%arg15 : memref<40x128xi32, #tpu.memory_space<vmem>>) target_semaphore(%arg19 : memref<!tpu.dma_semaphore, #tpu.memory_space<semaphore_mem>>)
    %mul3A_21 = arith.constant 640 : i32
    %mul3A_22 = arith.muli %arg1, %mul3A_21 : i32
    %dma_start3A_23 = arith.constant 0 : i32
    %dma_start3A_24 = tpu.memref_slice %arg2[%mul3A_22, %dma_start3A_23] : memref<10240x16xf32, #tpu.memory_space<hbm>> -> memref<640x16xf32, #tpu.memory_space<hbm>>
    %dma_start3A_25 = arith.constant 0 : i32
    %dma_start3A_26 = tpu.memref_slice %arg2[%mul3A_22, %dma_start3A_25] : memref<10240x16xf32, #tpu.memory_space<hbm>> -> memref<640x16xf32, #tpu.memory_space<hbm>>
    tpu.enqueue_dma source(%dma_start3A_26 : memref<640x16xf32, #tpu.memory_space<hbm>>) target(%arg11 : memref<640x16xf32, #tpu.memory_space<vmem>>) target_semaphore(%arg19 : memref<!tpu.dma_semaphore, #tpu.memory_space<semaphore_mem>>)
    %scan3A = arith.constant 0 : i32
    %scan3A_27 = arith.constant 0 : i32
    %scan3A_28 = arith.constant 640 : i32
    %scan3A_29 = arith.addi %scan3A_27, %scan3A_28 : i32
    %scan3A_30 = arith.constant 1 : i32
    %scan3A_31 = scf.for %scan3A_144 = %scan3A_27 to %scan3A_29 step %scan3A_30 iter_args(%scan3A_145 = %scan3A) -> (i32)  : i32 {
      %swap3A = arith.index_cast %scan3A_144 : i32 to index
      %swap3A_146 = arith.constant 0 : index
      %swap3A_147 = tpu.vector_load %arg8[%swap3A, %swap3A_146] {strides = array<i32>} : memref<640x16xf32, #tpu.memory_space<vmem>>, vector<16xf32>,
      tpu.vector_store %arg8[%swap3A, %swap3A_146], %broadcast_in_dim3A_1 {strides = array<i32>} : memref<640x16xf32, #tpu.memory_space<vmem>>, vector<16xf32>,
      %scan3A_148 = arith.constant 0 : i32
      scf.yield %scan3A_148 : i32
    }
    %scan3A_32 = arith.constant 640 : i32
    %mul3A_33 = arith.constant 80 : i32
    %mul3A_34 = arith.muli %arg1, %mul3A_33 : i32
    %dma_wait3A = arith.constant 0 : i32
    %dma_wait3A_35 = tpu.memref_slice %arg4[%mul3A_34, %dma_wait3A] : memref<1280x128xi32, #tpu.memory_space<hbm>> -> memref<80x128xi32, #tpu.memory_space<hbm>>
    %dma_wait3A_36 = arith.constant 0 : i32
    %dma_wait3A_37 = tpu.memref_slice %arg4[%mul3A_34, %dma_wait3A_36] : memref<1280x128xi32, #tpu.memory_space<hbm>> -> memref<80x128xi32, #tpu.memory_space<hbm>>
    tpu.wait_dma2 semaphore(%arg19 : memref<!tpu.dma_semaphore, #tpu.memory_space<semaphore_mem>>) src(%dma_wait3A_37 : memref<80x128xi32, #tpu.memory_space<hbm>>) dst(%arg7 : memref<80x128xi32, #tpu.memory_space<vmem>>)
    %mul3A_38 = arith.constant 40 : i32
    %mul3A_39 = arith.muli %add3A, %mul3A_38 : i32
    %dma_wait3A_40 = arith.constant 0 : i32
    %dma_wait3A_41 = tpu.memref_slice %arg3[%mul3A_39, %dma_wait3A_40] : memref<1280x128xi32, #tpu.memory_space<hbm>> -> memref<40x128xi32, #tpu.memory_space<hbm>>
    %dma_wait3A_42 = arith.constant 0 : i32
    %dma_wait3A_43 = tpu.memref_slice %arg3[%mul3A_39, %dma_wait3A_42] : memref<1280x128xi32, #tpu.memory_space<hbm>> -> memref<40x128xi32, #tpu.memory_space<hbm>>
    tpu.wait_dma2 semaphore(%arg19 : memref<!tpu.dma_semaphore, #tpu.memory_space<semaphore_mem>>) src(%dma_wait3A_43 : memref<40x128xi32, #tpu.memory_space<hbm>>) dst(%arg14 : memref<40x128xi32, #tpu.memory_space<vmem>>)
    %mul3A_44 = arith.constant 40 : i32
    %mul3A_45 = arith.muli %add3A, %mul3A_44 : i32
    %dma_wait3A_46 = arith.constant 0 : i32
    %dma_wait3A_47 = tpu.memref_slice %arg4[%mul3A_45, %dma_wait3A_46] : memref<1280x128xi32, #tpu.memory_space<hbm>> -> memref<40x128xi32, #tpu.memory_space<hbm>>
    %dma_wait3A_48 = arith.constant 0 : i32
    %dma_wait3A_49 = tpu.memref_slice %arg4[%mul3A_45, %dma_wait3A_48] : memref<1280x128xi32, #tpu.memory_space<hbm>> -> memref<40x128xi32, #tpu.memory_space<hbm>>
    tpu.wait_dma2 semaphore(%arg19 : memref<!tpu.dma_semaphore, #tpu.memory_space<semaphore_mem>>) src(%dma_wait3A_49 : memref<40x128xi32, #tpu.memory_space<hbm>>) dst(%arg15 : memref<40x128xi32, #tpu.memory_space<vmem>>)
    %mul3A_50 = arith.constant 640 : i32
    %mul3A_51 = arith.muli %arg1, %mul3A_50 : i32
    %dma_wait3A_52 = arith.constant 0 : i32
    %dma_wait3A_53 = tpu.memref_slice %arg2[%mul3A_51, %dma_wait3A_52] : memref<10240x16xf32, #tpu.memory_space<hbm>> -> memref<640x16xf32, #tpu.memory_space<hbm>>
    %dma_wait3A_54 = arith.constant 0 : i32
    %dma_wait3A_55 = tpu.memref_slice %arg2[%mul3A_51, %dma_wait3A_54] : memref<10240x16xf32, #tpu.memory_space<hbm>> -> memref<640x16xf32, #tpu.memory_space<hbm>>
    tpu.wait_dma2 semaphore(%arg19 : memref<!tpu.dma_semaphore, #tpu.memory_space<semaphore_mem>>) src(%dma_wait3A_55 : memref<640x16xf32, #tpu.memory_space<hbm>>) dst(%arg11 : memref<640x16xf32, #tpu.memory_space<vmem>>)
    %scan3A_56 = arith.constant 0 : i32
    %scan3A_57 = arith.constant 0 : i32
    %scan3A_58 = arith.constant 80 : i32
    %scan3A_59 = arith.addi %scan3A_57, %scan3A_58 : i32
    %scan3A_60 = arith.constant 1 : i32
    %scan3A_61 = scf.for %scan3A_144 = %scan3A_57 to %scan3A_59 step %scan3A_60 iter_args(%scan3A_145 = %scan3A_56) -> (i32)  : i32 {
      %scan3A_146 = arith.constant 0 : i32
      %scan3A_147 = arith.constant 0 : i32
      %scan3A_148 = arith.constant 8 : i32
      %scan3A_149 = arith.addi %scan3A_147, %scan3A_148 : i32
      %scan3A_150 = arith.constant 1 : i32
      %scan3A_151 = scf.for %scan3A_154 = %scan3A_147 to %scan3A_149 step %scan3A_150 iter_args(%scan3A_155 = %scan3A_146) -> (i32)  : i32 {
        %mul3A_156 = arith.constant 16 : i32
        %mul3A_157 = arith.muli %scan3A_154, %mul3A_156 : i32
        %get3A = arith.index_cast %scan3A_144 : i32 to index
        %get3A_158 = arith.index_cast %mul3A_157 : i32 to index
        %get3A_159 = tpu.vector_load %arg7[%get3A, %get3A_158] {strides = array<i32>} : memref<80x128xi32, #tpu.memory_space<vmem>>, vector<16xi32>,
        %shift_right_arithmetic3A = arith.constant 4 : i32
        %shift_right_arithmetic3A_160 = vector.broadcast %shift_right_arithmetic3A : i32 to vector<16xi32>
        %shift_right_arithmetic3A_161 = arith.shrsi %get3A_159, %shift_right_arithmetic3A_160 : vector<16xi32>
        %and3A = arith.constant 15 : i32
        %and3A_162 = vector.broadcast %and3A : i32 to vector<16xi32>
        %and3A_163 = arith.andi %get3A_159, %and3A_162 : vector<16xi32>
        tpu.vector_store_idx %arg8[%shift_right_arithmetic3A_161, %and3A_163], %broadcast_in_dim3A_3 {add = true} : memref<640x16xf32, #tpu.memory_space<vmem>>[vector<16xi32>, vector<16xi32>], vector<16xf32>,
        %scan3A_164 = arith.constant 0 : i32
        scf.yield %scan3A_164 : i32
      }
      %scan3A_152 = arith.constant 8 : i32
      %scan3A_153 = arith.constant 0 : i32
      scf.yield %scan3A_153 : i32
    }
    %scan3A_62 = arith.constant 80 : i32
    %mul3A_63 = arith.constant 640 : i32
    %mul3A_64 = arith.muli %arg1, %mul3A_63 : i32
    "tpu.region"() ({
      %run_scoped3A = tpu.sem_alloc : memref<!tpu.dma_semaphore, #tpu.memory_space<semaphore_mem>>
      %dma_start3A_144 = arith.constant 0 : i32
      %dma_start3A_145 = tpu.memref_slice %arg17[%mul3A_64, %dma_start3A_144] : memref<10240x16xf32, #tpu.memory_space<vmem_shared>> -> memref<640x16xf32, #tpu.memory_space<vmem_shared>>
      %dma_start3A_146 = arith.constant 0 : i32
      %dma_start3A_147 = tpu.memref_slice %arg17[%mul3A_64, %dma_start3A_146] : memref<10240x16xf32, #tpu.memory_space<vmem_shared>> -> memref<640x16xf32, #tpu.memory_space<vmem_shared>>
      tpu.enqueue_dma source(%arg8 : memref<640x16xf32, #tpu.memory_space<vmem>>) target(%dma_start3A_147 : memref<640x16xf32, #tpu.memory_space<vmem_shared>>) target_semaphore(%run_scoped3A : memref<!tpu.dma_semaphore, #tpu.memory_space<semaphore_mem>>)
      %dma_wait3A_148 = arith.constant 0 : i32
      %dma_wait3A_149 = tpu.memref_slice %arg17[%mul3A_64, %dma_wait3A_148] : memref<10240x16xf32, #tpu.memory_space<vmem_shared>> -> memref<640x16xf32, #tpu.memory_space<vmem_shared>>
      %dma_wait3A_150 = arith.constant 0 : i32
      %dma_wait3A_151 = tpu.memref_slice %arg17[%mul3A_64, %dma_wait3A_150] : memref<10240x16xf32, #tpu.memory_space<vmem_shared>> -> memref<640x16xf32, #tpu.memory_space<vmem_shared>>
      tpu.wait_dma2 semaphore(%run_scoped3A : memref<!tpu.dma_semaphore, #tpu.memory_space<semaphore_mem>>) src(%arg8 : memref<640x16xf32, #tpu.memory_space<vmem>>) dst(%dma_wait3A_151 : memref<640x16xf32, #tpu.memory_space<vmem_shared>>)
      tpu.yield
    }) : () -> ()
    %barrier3A = arith.constant 0 : index
    tpu.barrier barrier_id(%barrier3A)
    %scan3A_65 = arith.constant 0 : i32
    %scan3A_66 = arith.constant 0 : i32
    %scan3A_67 = arith.constant 16 : i32
    %scan3A_68 = arith.addi %scan3A_66, %scan3A_67 : i32
    %scan3A_69 = arith.constant 1 : i32
    %scan3A_70 = scf.for %scan3A_144 = %scan3A_66 to %scan3A_68 step %scan3A_69 iter_args(%scan3A_145 = %scan3A_65) -> (i32)  : i32 {
      %mul3A_146 = arith.constant 640 : i32
      %mul3A_147 = arith.muli %scan3A_144, %mul3A_146 : i32
      %mul3A_148 = arith.constant 40 : i32
      %mul3A_149 = arith.muli %arg1, %mul3A_148 : i32
      %add3A_150 = arith.addi %mul3A_147, %mul3A_149 : i32
      %mul3A_151 = arith.constant 40 : i32
      %mul3A_152 = arith.muli %scan3A_144, %mul3A_151 : i32
      %dma_start3A_153 = arith.constant 0 : i32
      %dma_start3A_154 = tpu.memref_slice %arg9[%mul3A_152, %dma_start3A_153] : memref<640x16xf32, #tpu.memory_space<vmem>> -> memref<40x16xf32, #tpu.memory_space<vmem>>
      %dma_start3A_155 = arith.constant 0 : i32
      %dma_start3A_156 = tpu.memref_slice %arg17[%add3A_150, %dma_start3A_155] : memref<10240x16xf32, #tpu.memory_space<vmem_shared>> -> memref<40x16xf32, #tpu.memory_space<vmem_shared>>
      %dma_start3A_157 = arith.constant 0 : i32
      %dma_start3A_158 = tpu.memref_slice %arg9[%mul3A_152, %dma_start3A_157] : memref<640x16xf32, #tpu.memory_space<vmem>> -> memref<40x16xf32, #tpu.memory_space<vmem>>
      %dma_start3A_159 = arith.constant 0 : i32
      %dma_start3A_160 = tpu.memref_slice %arg17[%add3A_150, %dma_start3A_159] : memref<10240x16xf32, #tpu.memory_space<vmem_shared>> -> memref<40x16xf32, #tpu.memory_space<vmem_shared>>
      tpu.enqueue_dma source(%dma_start3A_160 : memref<40x16xf32, #tpu.memory_space<vmem_shared>>) target(%dma_start3A_158 : memref<40x16xf32, #tpu.memory_space<vmem>>) target_semaphore(%arg19 : memref<!tpu.dma_semaphore, #tpu.memory_space<semaphore_mem>>)
      %scan3A_161 = arith.constant 0 : i32
      scf.yield %scan3A_161 : i32
    }
    %scan3A_71 = arith.constant 16 : i32
    %scan3A_72 = arith.constant 0 : i32
    %scan3A_73 = arith.constant 0 : i32
    %scan3A_74 = arith.constant 16 : i32
    %scan3A_75 = arith.addi %scan3A_73, %scan3A_74 : i32
    %scan3A_76 = arith.constant 1 : i32
    %scan3A_77 = scf.for %scan3A_144 = %scan3A_73 to %scan3A_75 step %scan3A_76 iter_args(%scan3A_145 = %scan3A_72) -> (i32)  : i32 {
      %mul3A_146 = arith.constant 640 : i32
      %mul3A_147 = arith.muli %scan3A_144, %mul3A_146 : i32
      %mul3A_148 = arith.constant 40 : i32
      %mul3A_149 = arith.muli %arg1, %mul3A_148 : i32
      %add3A_150 = arith.addi %mul3A_147, %mul3A_149 : i32
      %mul3A_151 = arith.constant 40 : i32
      %mul3A_152 = arith.muli %scan3A_144, %mul3A_151 : i32
      %dma_wait3A_153 = arith.constant 0 : i32
      %dma_wait3A_154 = tpu.memref_slice %arg9[%mul3A_152, %dma_wait3A_153] : memref<640x16xf32, #tpu.memory_space<vmem>> -> memref<40x16xf32, #tpu.memory_space<vmem>>
      %dma_wait3A_155 = arith.constant 0 : i32
      %dma_wait3A_156 = tpu.memref_slice %arg17[%add3A_150, %dma_wait3A_155] : memref<10240x16xf32, #tpu.memory_space<vmem_shared>> -> memref<40x16xf32, #tpu.memory_space<vmem_shared>>
      %dma_wait3A_157 = arith.constant 0 : i32
      %dma_wait3A_158 = tpu.memref_slice %arg9[%mul3A_152, %dma_wait3A_157] : memref<640x16xf32, #tpu.memory_space<vmem>> -> memref<40x16xf32, #tpu.memory_space<vmem>>
      %dma_wait3A_159 = arith.constant 0 : i32
      %dma_wait3A_160 = tpu.memref_slice %arg17[%add3A_150, %dma_wait3A_159] : memref<10240x16xf32, #tpu.memory_space<vmem_shared>> -> memref<40x16xf32, #tpu.memory_space<vmem_shared>>
      tpu.wait_dma2 semaphore(%arg19 : memref<!tpu.dma_semaphore, #tpu.memory_space<semaphore_mem>>) src(%dma_wait3A_160 : memref<40x16xf32, #tpu.memory_space<vmem_shared>>) dst(%dma_wait3A_158 : memref<40x16xf32, #tpu.memory_space<vmem>>)
      %scan3A_161 = arith.constant 0 : i32
      scf.yield %scan3A_161 : i32
    }
    %scan3A_78 = arith.constant 16 : i32
    %barrier3A_79 = arith.constant 0 : index
    tpu.barrier barrier_id(%barrier3A_79)
    %scan3A_80 = arith.constant 0 : i32
    %scan3A_81 = arith.constant 0 : i32
    %scan3A_82 = arith.constant 40 : i32
    %scan3A_83 = arith.addi %scan3A_81, %scan3A_82 : i32
    %scan3A_84 = arith.constant 1 : i32
    %scan3A_85 = scf.for %scan3A_144 = %scan3A_81 to %scan3A_83 step %scan3A_84 iter_args(%scan3A_145 = %scan3A_80) -> (i32)  : i32 {
      %scan3A_146 = arith.constant 0 : i32
      %scan3A_147 = arith.constant 16 : i32
      %scan3A_148 = arith.addi %scan3A_146, %scan3A_147 : i32
      %scan3A_149 = arith.constant 1 : i32
      %scan3A_150 = scf.for %scan3A_181 = %scan3A_146 to %scan3A_148 step %scan3A_149 iter_args(%scan3A_182 = %broadcast_in_dim3A_3) -> (vector<16xf32>)  : i32 {
        %mul3A_183 = arith.constant 40 : i32
        %mul3A_184 = arith.muli %scan3A_181, %mul3A_183 : i32
        %add3A_185 = arith.addi %mul3A_184, %scan3A_144 : i32
        %get3A = arith.index_cast %add3A_185 : i32 to index
        %get3A_186 = arith.constant 0 : index
        %get3A_187 = tpu.vector_load %arg9[%get3A, %get3A_186] {strides = array<i32>} : memref<640x16xf32, #tpu.memory_space<vmem>>, vector<16xf32>,
        %add3A_188 = arith.addf %scan3A_182, %get3A_187 : vector<16xf32>
        scf.yield %add3A_188 : vector<16xf32>
      }
      %scan3A_151 = arith.constant 16 : i32
      %bitcast3A = vector.bitcast %scan3A_150 : vector<16xf32> to vector<16xi32>
      %shift_right_arithmetic3A = arith.constant 1 : i32
      %shift_right_arithmetic3A_152 = vector.broadcast %shift_right_arithmetic3A : i32 to vector<16xi32>
      %shift_right_arithmetic3A_153 = arith.shrsi %bitcast3A, %shift_right_arithmetic3A_152 : vector<16xi32>
      %sub3A = arith.constant 1597463007 : i32
      %sub3A_154 = vector.broadcast %sub3A : i32 to vector<16xi32>
      %sub3A_155 = arith.subi %sub3A_154, %shift_right_arithmetic3A_153 : vector<16xi32>
      %bitcast3A_156 = vector.bitcast %sub3A_155 : vector<16xi32> to vector<16xf32>
      %mul3A_157 = arith.constant 5.000000e-01 : f32
      %mul3A_158 = vector.broadcast %mul3A_157 : f32 to vector<16xf32>
      %mul3A_159 = arith.mulf %scan3A_150, %mul3A_158 : vector<16xf32>
      %mul3A_160 = arith.mulf %mul3A_159, %bitcast3A_156 : vector<16xf32>
      %mul3A_161 = arith.mulf %mul3A_160, %bitcast3A_156 : vector<16xf32>
      %sub3A_162 = arith.constant 1.500000e+00 : f32
      %sub3A_163 = vector.broadcast %sub3A_162 : f32 to vector<16xf32>
      %sub3A_164 = arith.subf %sub3A_163, %mul3A_161 : vector<16xf32>
      %mul3A_165 = arith.mulf %bitcast3A_156, %sub3A_164 : vector<16xf32>
      %mul3A_166 = arith.mulf %mul3A_159, %mul3A_165 : vector<16xf32>
      %mul3A_167 = arith.mulf %mul3A_166, %mul3A_165 : vector<16xf32>
      %sub3A_168 = arith.constant 1.500000e+00 : f32
      %sub3A_169 = vector.broadcast %sub3A_168 : f32 to vector<16xf32>
      %sub3A_170 = arith.subf %sub3A_169, %mul3A_167 : vector<16xf32>
      %mul3A_171 = arith.mulf %mul3A_165, %sub3A_170 : vector<16xf32>
      %mul3A_172 = arith.mulf %mul3A_159, %mul3A_171 : vector<16xf32>
      %mul3A_173 = arith.mulf %mul3A_172, %mul3A_171 : vector<16xf32>
      %sub3A_174 = arith.constant 1.500000e+00 : f32
      %sub3A_175 = vector.broadcast %sub3A_174 : f32 to vector<16xf32>
      %sub3A_176 = arith.subf %sub3A_175, %mul3A_173 : vector<16xf32>
      %mul3A_177 = arith.mulf %mul3A_171, %sub3A_176 : vector<16xf32>
      %swap3A = arith.index_cast %scan3A_144 : i32 to index
      %swap3A_178 = arith.constant 0 : index
      %swap3A_179 = tpu.vector_load %arg10[%swap3A, %swap3A_178] {strides = array<i32>} : memref<40x16xf32, #tpu.memory_space<vmem>>, vector<16xf32>,
      tpu.vector_store %arg10[%swap3A, %swap3A_178], %mul3A_177 {strides = array<i32>} : memref<40x16xf32, #tpu.memory_space<vmem>>, vector<16xf32>,
      %scan3A_180 = arith.constant 0 : i32
      scf.yield %scan3A_180 : i32
    }
    %scan3A_86 = arith.constant 40 : i32
    %scan3A_87 = arith.constant 0 : i32
    %scan3A_88 = arith.constant 0 : i32
    %scan3A_89 = arith.constant 40 : i32
    %scan3A_90 = arith.addi %scan3A_88, %scan3A_89 : i32
    %scan3A_91 = arith.constant 1 : i32
    %scan3A_92 = scf.for %scan3A_144 = %scan3A_88 to %scan3A_90 step %scan3A_91 iter_args(%scan3A_145 = %scan3A_87) -> (i32)  : i32 {
      %get3A = arith.index_cast %scan3A_144 : i32 to index
      %get3A_146 = arith.constant 0 : index
      %get3A_147 = tpu.vector_load %arg10[%get3A, %get3A_146] {strides = array<i32>} : memref<40x16xf32, #tpu.memory_space<vmem>>, vector<16xf32>,
      %mul3A_148 = arith.constant 16 : i32
      %mul3A_149 = arith.muli %scan3A_144, %mul3A_148 : i32
      %add3A_150 = arith.constant 0 : i32
      %add3A_151 = arith.addi %mul3A_149, %add3A_150 : i32
      %slice3A = vector.extract_strided_slice %get3A_147 {offsets = [0], sizes = [1], strides = [1]} : vector<16xf32> to vector<1xf32>
      %squeeze3A = vector.extract %slice3A[0] : f32 from vector<1xf32>
      %broadcast_in_dim3A_152 = vector.broadcast %squeeze3A : f32 to vector<16xf32>
      %swap3A = arith.index_cast %add3A_151 : i32 to index
      %swap3A_153 = arith.constant 0 : index
      %swap3A_154 = tpu.vector_load %arg12[%swap3A, %swap3A_153] {strides = array<i32>} : memref<640x16xf32, #tpu.memory_space<vmem>>, vector<16xf32>,
      tpu.vector_store %arg12[%swap3A, %swap3A_153], %broadcast_in_dim3A_152 {strides = array<i32>} : memref<640x16xf32, #tpu.memory_space<vmem>>, vector<16xf32>,
      %get3A_155 = arith.index_cast %add3A_151 : i32 to index
      %get3A_156 = arith.constant 0 : index
      %get3A_157 = tpu.vector_load %arg11[%get3A_155, %get3A_156] {strides = array<i32>} : memref<640x16xf32, #tpu.memory_space<vmem>>, vector<16xf32>,
      %mul3A_158 = arith.mulf %get3A_157, %broadcast_in_dim3A_152 : vector<16xf32>
      %swap3A_159 = arith.index_cast %add3A_151 : i32 to index
      %swap3A_160 = arith.constant 0 : index
      %swap3A_161 = tpu.vector_load %arg11[%swap3A_159, %swap3A_160] {strides = array<i32>} : memref<640x16xf32, #tpu.memory_space<vmem>>, vector<16xf32>,
      tpu.vector_store %arg11[%swap3A_159, %swap3A_160], %mul3A_158 {strides = array<i32>} : memref<640x16xf32, #tpu.memory_space<vmem>>, vector<16xf32>,
      %mul3A_162 = arith.constant 16 : i32
      %mul3A_163 = arith.muli %scan3A_144, %mul3A_162 : i32
      %add3A_164 = arith.constant 1 : i32
      %add3A_165 = arith.addi %mul3A_163, %add3A_164 : i32
      %slice3A_166 = vector.extract_strided_slice %get3A_147 {offsets = [1], sizes = [1], strides = [1]} : vector<16xf32> to vector<1xf32>
      %squeeze3A_167 = vector.extract %slice3A_166[0] : f32 from vector<1xf32>
      %broadcast_in_dim3A_168 = vector.broadcast %squeeze3A_167 : f32 to vector<16xf32>
      %swap3A_169 = arith.index_cast %add3A_165 : i32 to index
      %swap3A_170 = arith.constant 0 : index
      %swap3A_171 = tpu.vector_load %arg12[%swap3A_169, %swap3A_170] {strides = array<i32>} : memref<640x16xf32, #tpu.memory_space<vmem>>, vector<16xf32>,
      tpu.vector_store %arg12[%swap3A_169, %swap3A_170], %broadcast_in_dim3A_168 {strides = array<i32>} : memref<640x16xf32, #tpu.memory_space<vmem>>, vector<16xf32>,
      %get3A_172 = arith.index_cast %add3A_165 : i32 to index
      %get3A_173 = arith.constant 0 : index
      %get3A_174 = tpu.vector_load %arg11[%get3A_172, %get3A_173] {strides = array<i32>} : memref<640x16xf32, #tpu.memory_space<vmem>>, vector<16xf32>,
      %mul3A_175 = arith.mulf %get3A_174, %broadcast_in_dim3A_168 : vector<16xf32>
      %swap3A_176 = arith.index_cast %add3A_165 : i32 to index
      %swap3A_177 = arith.constant 0 : index
      %swap3A_178 = tpu.vector_load %arg11[%swap3A_176, %swap3A_177] {strides = array<i32>} : memref<640x16xf32, #tpu.memory_space<vmem>>, vector<16xf32>,
      tpu.vector_store %arg11[%swap3A_176, %swap3A_177], %mul3A_175 {strides = array<i32>} : memref<640x16xf32, #tpu.memory_space<vmem>>, vector<16xf32>,
      %mul3A_179 = arith.constant 16 : i32
      %mul3A_180 = arith.muli %scan3A_144, %mul3A_179 : i32
      %add3A_181 = arith.constant 2 : i32
      %add3A_182 = arith.addi %mul3A_180, %add3A_181 : i32
      %slice3A_183 = vector.extract_strided_slice %get3A_147 {offsets = [2], sizes = [1], strides = [1]} : vector<16xf32> to vector<1xf32>
      %squeeze3A_184 = vector.extract %slice3A_183[0] : f32 from vector<1xf32>
      %broadcast_in_dim3A_185 = vector.broadcast %squeeze3A_184 : f32 to vector<16xf32>
      %swap3A_186 = arith.index_cast %add3A_182 : i32 to index
      %swap3A_187 = arith.constant 0 : index
      %swap3A_188 = tpu.vector_load %arg12[%swap3A_186, %swap3A_187] {strides = array<i32>} : memref<640x16xf32, #tpu.memory_space<vmem>>, vector<16xf32>,
      tpu.vector_store %arg12[%swap3A_186, %swap3A_187], %broadcast_in_dim3A_185 {strides = array<i32>} : memref<640x16xf32, #tpu.memory_space<vmem>>, vector<16xf32>,
      %get3A_189 = arith.index_cast %add3A_182 : i32 to index
      %get3A_190 = arith.constant 0 : index
      %get3A_191 = tpu.vector_load %arg11[%get3A_189, %get3A_190] {strides = array<i32>} : memref<640x16xf32, #tpu.memory_space<vmem>>, vector<16xf32>,
      %mul3A_192 = arith.mulf %get3A_191, %broadcast_in_dim3A_185 : vector<16xf32>
      %swap3A_193 = arith.index_cast %add3A_182 : i32 to index
      %swap3A_194 = arith.constant 0 : index
      %swap3A_195 = tpu.vector_load %arg11[%swap3A_193, %swap3A_194] {strides = array<i32>} : memref<640x16xf32, #tpu.memory_space<vmem>>, vector<16xf32>,
      tpu.vector_store %arg11[%swap3A_193, %swap3A_194], %mul3A_192 {strides = array<i32>} : memref<640x16xf32, #tpu.memory_space<vmem>>, vector<16xf32>,
      %mul3A_196 = arith.constant 16 : i32
      %mul3A_197 = arith.muli %scan3A_144, %mul3A_196 : i32
      %add3A_198 = arith.constant 3 : i32
      %add3A_199 = arith.addi %mul3A_197, %add3A_198 : i32
      %slice3A_200 = vector.extract_strided_slice %get3A_147 {offsets = [3], sizes = [1], strides = [1]} : vector<16xf32> to vector<1xf32>
      %squeeze3A_201 = vector.extract %slice3A_200[0] : f32 from vector<1xf32>
      %broadcast_in_dim3A_202 = vector.broadcast %squeeze3A_201 : f32 to vector<16xf32>
      %swap3A_203 = arith.index_cast %add3A_199 : i32 to index
      %swap3A_204 = arith.constant 0 : index
      %swap3A_205 = tpu.vector_load %arg12[%swap3A_203, %swap3A_204] {strides = array<i32>} : memref<640x16xf32, #tpu.memory_space<vmem>>, vector<16xf32>,
      tpu.vector_store %arg12[%swap3A_203, %swap3A_204], %broadcast_in_dim3A_202 {strides = array<i32>} : memref<640x16xf32, #tpu.memory_space<vmem>>, vector<16xf32>,
      %get3A_206 = arith.index_cast %add3A_199 : i32 to index
      %get3A_207 = arith.constant 0 : index
      %get3A_208 = tpu.vector_load %arg11[%get3A_206, %get3A_207] {strides = array<i32>} : memref<640x16xf32, #tpu.memory_space<vmem>>, vector<16xf32>,
      %mul3A_209 = arith.mulf %get3A_208, %broadcast_in_dim3A_202 : vector<16xf32>
      %swap3A_210 = arith.index_cast %add3A_199 : i32 to index
      %swap3A_211 = arith.constant 0 : index
      %swap3A_212 = tpu.vector_load %arg11[%swap3A_210, %swap3A_211] {strides = array<i32>} : memref<640x16xf32, #tpu.memory_space<vmem>>, vector<16xf32>,
      tpu.vector_store %arg11[%swap3A_210, %swap3A_211], %mul3A_209 {strides = array<i32>} : memref<640x16xf32, #tpu.memory_space<vmem>>, vector<16xf32>,
      %mul3A_213 = arith.constant 16 : i32
      %mul3A_214 = arith.muli %scan3A_144, %mul3A_213 : i32
      %add3A_215 = arith.constant 4 : i32
      %add3A_216 = arith.addi %mul3A_214, %add3A_215 : i32
      %slice3A_217 = vector.extract_strided_slice %get3A_147 {offsets = [4], sizes = [1], strides = [1]} : vector<16xf32> to vector<1xf32>
      %squeeze3A_218 = vector.extract %slice3A_217[0] : f32 from vector<1xf32>
      %broadcast_in_dim3A_219 = vector.broadcast %squeeze3A_218 : f32 to vector<16xf32>
      %swap3A_220 = arith.index_cast %add3A_216 : i32 to index
      %swap3A_221 = arith.constant 0 : index
      %swap3A_222 = tpu.vector_load %arg12[%swap3A_220, %swap3A_221] {strides = array<i32>} : memref<640x16xf32, #tpu.memory_space<vmem>>, vector<16xf32>,
      tpu.vector_store %arg12[%swap3A_220, %swap3A_221], %broadcast_in_dim3A_219 {strides = array<i32>} : memref<640x16xf32, #tpu.memory_space<vmem>>, vector<16xf32>,
      %get3A_223 = arith.index_cast %add3A_216 : i32 to index
      %get3A_224 = arith.constant 0 : index
      %get3A_225 = tpu.vector_load %arg11[%get3A_223, %get3A_224] {strides = array<i32>} : memref<640x16xf32, #tpu.memory_space<vmem>>, vector<16xf32>,
      %mul3A_226 = arith.mulf %get3A_225, %broadcast_in_dim3A_219 : vector<16xf32>
      %swap3A_227 = arith.index_cast %add3A_216 : i32 to index
      %swap3A_228 = arith.constant 0 : index
      %swap3A_229 = tpu.vector_load %arg11[%swap3A_227, %swap3A_228] {strides = array<i32>} : memref<640x16xf32, #tpu.memory_space<vmem>>, vector<16xf32>,
      tpu.vector_store %arg11[%swap3A_227, %swap3A_228], %mul3A_226 {strides = array<i32>} : memref<640x16xf32, #tpu.memory_space<vmem>>, vector<16xf32>,
      %mul3A_230 = arith.constant 16 : i32
      %mul3A_231 = arith.muli %scan3A_144, %mul3A_230 : i32
      %add3A_232 = arith.constant 5 : i32
      %add3A_233 = arith.addi %mul3A_231, %add3A_232 : i32
      %slice3A_234 = vector.extract_strided_slice %get3A_147 {offsets = [5], sizes = [1], strides = [1]} : vector<16xf32> to vector<1xf32>
      %squeeze3A_235 = vector.extract %slice3A_234[0] : f32 from vector<1xf32>
      %broadcast_in_dim3A_236 = vector.broadcast %squeeze3A_235 : f32 to vector<16xf32>
      %swap3A_237 = arith.index_cast %add3A_233 : i32 to index
      %swap3A_238 = arith.constant 0 : index
      %swap3A_239 = tpu.vector_load %arg12[%swap3A_237, %swap3A_238] {strides = array<i32>} : memref<640x16xf32, #tpu.memory_space<vmem>>, vector<16xf32>,
      tpu.vector_store %arg12[%swap3A_237, %swap3A_238], %broadcast_in_dim3A_236 {strides = array<i32>} : memref<640x16xf32, #tpu.memory_space<vmem>>, vector<16xf32>,
      %get3A_240 = arith.index_cast %add3A_233 : i32 to index
      %get3A_241 = arith.constant 0 : index
      %get3A_242 = tpu.vector_load %arg11[%get3A_240, %get3A_241] {strides = array<i32>} : memref<640x16xf32, #tpu.memory_space<vmem>>, vector<16xf32>,
      %mul3A_243 = arith.mulf %get3A_242, %broadcast_in_dim3A_236 : vector<16xf32>
      %swap3A_244 = arith.index_cast %add3A_233 : i32 to index
      %swap3A_245 = arith.constant 0 : index
      %swap3A_246 = tpu.vector_load %arg11[%swap3A_244, %swap3A_245] {strides = array<i32>} : memref<640x16xf32, #tpu.memory_space<vmem>>, vector<16xf32>,
      tpu.vector_store %arg11[%swap3A_244, %swap3A_245], %mul3A_243 {strides = array<i32>} : memref<640x16xf32, #tpu.memory_space<vmem>>, vector<16xf32>,
      %mul3A_247 = arith.constant 16 : i32
      %mul3A_248 = arith.muli %scan3A_144, %mul3A_247 : i32
      %add3A_249 = arith.constant 6 : i32
      %add3A_250 = arith.addi %mul3A_248, %add3A_249 : i32
      %slice3A_251 = vector.extract_strided_slice %get3A_147 {offsets = [6], sizes = [1], strides = [1]} : vector<16xf32> to vector<1xf32>
      %squeeze3A_252 = vector.extract %slice3A_251[0] : f32 from vector<1xf32>
      %broadcast_in_dim3A_253 = vector.broadcast %squeeze3A_252 : f32 to vector<16xf32>
      %swap3A_254 = arith.index_cast %add3A_250 : i32 to index
      %swap3A_255 = arith.constant 0 : index
      %swap3A_256 = tpu.vector_load %arg12[%swap3A_254, %swap3A_255] {strides = array<i32>} : memref<640x16xf32, #tpu.memory_space<vmem>>, vector<16xf32>,
      tpu.vector_store %arg12[%swap3A_254, %swap3A_255], %broadcast_in_dim3A_253 {strides = array<i32>} : memref<640x16xf32, #tpu.memory_space<vmem>>, vector<16xf32>,
      %get3A_257 = arith.index_cast %add3A_250 : i32 to index
      %get3A_258 = arith.constant 0 : index
      %get3A_259 = tpu.vector_load %arg11[%get3A_257, %get3A_258] {strides = array<i32>} : memref<640x16xf32, #tpu.memory_space<vmem>>, vector<16xf32>,
      %mul3A_260 = arith.mulf %get3A_259, %broadcast_in_dim3A_253 : vector<16xf32>
      %swap3A_261 = arith.index_cast %add3A_250 : i32 to index
      %swap3A_262 = arith.constant 0 : index
      %swap3A_263 = tpu.vector_load %arg11[%swap3A_261, %swap3A_262] {strides = array<i32>} : memref<640x16xf32, #tpu.memory_space<vmem>>, vector<16xf32>,
      tpu.vector_store %arg11[%swap3A_261, %swap3A_262], %mul3A_260 {strides = array<i32>} : memref<640x16xf32, #tpu.memory_space<vmem>>, vector<16xf32>,
      %mul3A_264 = arith.constant 16 : i32
      %mul3A_265 = arith.muli %scan3A_144, %mul3A_264 : i32
      %add3A_266 = arith.constant 7 : i32
      %add3A_267 = arith.addi %mul3A_265, %add3A_266 : i32
      %slice3A_268 = vector.extract_strided_slice %get3A_147 {offsets = [7], sizes = [1], strides = [1]} : vector<16xf32> to vector<1xf32>
      %squeeze3A_269 = vector.extract %slice3A_268[0] : f32 from vector<1xf32>
      %broadcast_in_dim3A_270 = vector.broadcast %squeeze3A_269 : f32 to vector<16xf32>
      %swap3A_271 = arith.index_cast %add3A_267 : i32 to index
      %swap3A_272 = arith.constant 0 : index
      %swap3A_273 = tpu.vector_load %arg12[%swap3A_271, %swap3A_272] {strides = array<i32>} : memref<640x16xf32, #tpu.memory_space<vmem>>, vector<16xf32>,
      tpu.vector_store %arg12[%swap3A_271, %swap3A_272], %broadcast_in_dim3A_270 {strides = array<i32>} : memref<640x16xf32, #tpu.memory_space<vmem>>, vector<16xf32>,
      %get3A_274 = arith.index_cast %add3A_267 : i32 to index
      %get3A_275 = arith.constant 0 : index
      %get3A_276 = tpu.vector_load %arg11[%get3A_274, %get3A_275] {strides = array<i32>} : memref<640x16xf32, #tpu.memory_space<vmem>>, vector<16xf32>,
      %mul3A_277 = arith.mulf %get3A_276, %broadcast_in_dim3A_270 : vector<16xf32>
      %swap3A_278 = arith.index_cast %add3A_267 : i32 to index
      %swap3A_279 = arith.constant 0 : index
      %swap3A_280 = tpu.vector_load %arg11[%swap3A_278, %swap3A_279] {strides = array<i32>} : memref<640x16xf32, #tpu.memory_space<vmem>>, vector<16xf32>,
      tpu.vector_store %arg11[%swap3A_278, %swap3A_279], %mul3A_277 {strides = array<i32>} : memref<640x16xf32, #tpu.memory_space<vmem>>, vector<16xf32>,
      %mul3A_281 = arith.constant 16 : i32
      %mul3A_282 = arith.muli %scan3A_144, %mul3A_281 : i32
      %add3A_283 = arith.constant 8 : i32
      %add3A_284 = arith.addi %mul3A_282, %add3A_283 : i32
      %slice3A_285 = vector.extract_strided_slice %get3A_147 {offsets = [8], sizes = [1], strides = [1]} : vector<16xf32> to vector<1xf32>
      %squeeze3A_286 = vector.extract %slice3A_285[0] : f32 from vector<1xf32>
      %broadcast_in_dim3A_287 = vector.broadcast %squeeze3A_286 : f32 to vector<16xf32>
      %swap3A_288 = arith.index_cast %add3A_284 : i32 to index
      %swap3A_289 = arith.constant 0 : index
      %swap3A_290 = tpu.vector_load %arg12[%swap3A_288, %swap3A_289] {strides = array<i32>} : memref<640x16xf32, #tpu.memory_space<vmem>>, vector<16xf32>,
      tpu.vector_store %arg12[%swap3A_288, %swap3A_289], %broadcast_in_dim3A_287 {strides = array<i32>} : memref<640x16xf32, #tpu.memory_space<vmem>>, vector<16xf32>,
      %get3A_291 = arith.index_cast %add3A_284 : i32 to index
      %get3A_292 = arith.constant 0 : index
      %get3A_293 = tpu.vector_load %arg11[%get3A_291, %get3A_292] {strides = array<i32>} : memref<640x16xf32, #tpu.memory_space<vmem>>, vector<16xf32>,
      %mul3A_294 = arith.mulf %get3A_293, %broadcast_in_dim3A_287 : vector<16xf32>
      %swap3A_295 = arith.index_cast %add3A_284 : i32 to index
      %swap3A_296 = arith.constant 0 : index
      %swap3A_297 = tpu.vector_load %arg11[%swap3A_295, %swap3A_296] {strides = array<i32>} : memref<640x16xf32, #tpu.memory_space<vmem>>, vector<16xf32>,
      tpu.vector_store %arg11[%swap3A_295, %swap3A_296], %mul3A_294 {strides = array<i32>} : memref<640x16xf32, #tpu.memory_space<vmem>>, vector<16xf32>,
      %mul3A_298 = arith.constant 16 : i32
      %mul3A_299 = arith.muli %scan3A_144, %mul3A_298 : i32
      %add3A_300 = arith.constant 9 : i32
      %add3A_301 = arith.addi %mul3A_299, %add3A_300 : i32
      %slice3A_302 = vector.extract_strided_slice %get3A_147 {offsets = [9], sizes = [1], strides = [1]} : vector<16xf32> to vector<1xf32>
      %squeeze3A_303 = vector.extract %slice3A_302[0] : f32 from vector<1xf32>
      %broadcast_in_dim3A_304 = vector.broadcast %squeeze3A_303 : f32 to vector<16xf32>
      %swap3A_305 = arith.index_cast %add3A_301 : i32 to index
      %swap3A_306 = arith.constant 0 : index
      %swap3A_307 = tpu.vector_load %arg12[%swap3A_305, %swap3A_306] {strides = array<i32>} : memref<640x16xf32, #tpu.memory_space<vmem>>, vector<16xf32>,
      tpu.vector_store %arg12[%swap3A_305, %swap3A_306], %broadcast_in_dim3A_304 {strides = array<i32>} : memref<640x16xf32, #tpu.memory_space<vmem>>, vector<16xf32>,
      %get3A_308 = arith.index_cast %add3A_301 : i32 to index
      %get3A_309 = arith.constant 0 : index
      %get3A_310 = tpu.vector_load %arg11[%get3A_308, %get3A_309] {strides = array<i32>} : memref<640x16xf32, #tpu.memory_space<vmem>>, vector<16xf32>,
      %mul3A_311 = arith.mulf %get3A_310, %broadcast_in_dim3A_304 : vector<16xf32>
      %swap3A_312 = arith.index_cast %add3A_301 : i32 to index
      %swap3A_313 = arith.constant 0 : index
      %swap3A_314 = tpu.vector_load %arg11[%swap3A_312, %swap3A_313] {strides = array<i32>} : memref<640x16xf32, #tpu.memory_space<vmem>>, vector<16xf32>,
      tpu.vector_store %arg11[%swap3A_312, %swap3A_313], %mul3A_311 {strides = array<i32>} : memref<640x16xf32, #tpu.memory_space<vmem>>, vector<16xf32>,
      %mul3A_315 = arith.constant 16 : i32
      %mul3A_316 = arith.muli %scan3A_144, %mul3A_315 : i32
      %add3A_317 = arith.constant 10 : i32
      %add3A_318 = arith.addi %mul3A_316, %add3A_317 : i32
      %slice3A_319 = vector.extract_strided_slice %get3A_147 {offsets = [10], sizes = [1], strides = [1]} : vector<16xf32> to vector<1xf32>
      %squeeze3A_320 = vector.extract %slice3A_319[0] : f32 from vector<1xf32>
      %broadcast_in_dim3A_321 = vector.broadcast %squeeze3A_320 : f32 to vector<16xf32>
      %swap3A_322 = arith.index_cast %add3A_318 : i32 to index
      %swap3A_323 = arith.constant 0 : index
      %swap3A_324 = tpu.vector_load %arg12[%swap3A_322, %swap3A_323] {strides = array<i32>} : memref<640x16xf32, #tpu.memory_space<vmem>>, vector<16xf32>,
      tpu.vector_store %arg12[%swap3A_322, %swap3A_323], %broadcast_in_dim3A_321 {strides = array<i32>} : memref<640x16xf32, #tpu.memory_space<vmem>>, vector<16xf32>,
      %get3A_325 = arith.index_cast %add3A_318 : i32 to index
      %get3A_326 = arith.constant 0 : index
      %get3A_327 = tpu.vector_load %arg11[%get3A_325, %get3A_326] {strides = array<i32>} : memref<640x16xf32, #tpu.memory_space<vmem>>, vector<16xf32>,
      %mul3A_328 = arith.mulf %get3A_327, %broadcast_in_dim3A_321 : vector<16xf32>
      %swap3A_329 = arith.index_cast %add3A_318 : i32 to index
      %swap3A_330 = arith.constant 0 : index
      %swap3A_331 = tpu.vector_load %arg11[%swap3A_329, %swap3A_330] {strides = array<i32>} : memref<640x16xf32, #tpu.memory_space<vmem>>, vector<16xf32>,
      tpu.vector_store %arg11[%swap3A_329, %swap3A_330], %mul3A_328 {strides = array<i32>} : memref<640x16xf32, #tpu.memory_space<vmem>>, vector<16xf32>,
      %mul3A_332 = arith.constant 16 : i32
      %mul3A_333 = arith.muli %scan3A_144, %mul3A_332 : i32
      %add3A_334 = arith.constant 11 : i32
      %add3A_335 = arith.addi %mul3A_333, %add3A_334 : i32
      %slice3A_336 = vector.extract_strided_slice %get3A_147 {offsets = [11], sizes = [1], strides = [1]} : vector<16xf32> to vector<1xf32>
      %squeeze3A_337 = vector.extract %slice3A_336[0] : f32 from vector<1xf32>
      %broadcast_in_dim3A_338 = vector.broadcast %squeeze3A_337 : f32 to vector<16xf32>
      %swap3A_339 = arith.index_cast %add3A_335 : i32 to index
      %swap3A_340 = arith.constant 0 : index
      %swap3A_341 = tpu.vector_load %arg12[%swap3A_339, %swap3A_340] {strides = array<i32>} : memref<640x16xf32, #tpu.memory_space<vmem>>, vector<16xf32>,
      tpu.vector_store %arg12[%swap3A_339, %swap3A_340], %broadcast_in_dim3A_338 {strides = array<i32>} : memref<640x16xf32, #tpu.memory_space<vmem>>, vector<16xf32>,
      %get3A_342 = arith.index_cast %add3A_335 : i32 to index
      %get3A_343 = arith.constant 0 : index
      %get3A_344 = tpu.vector_load %arg11[%get3A_342, %get3A_343] {strides = array<i32>} : memref<640x16xf32, #tpu.memory_space<vmem>>, vector<16xf32>,
      %mul3A_345 = arith.mulf %get3A_344, %broadcast_in_dim3A_338 : vector<16xf32>
      %swap3A_346 = arith.index_cast %add3A_335 : i32 to index
      %swap3A_347 = arith.constant 0 : index
      %swap3A_348 = tpu.vector_load %arg11[%swap3A_346, %swap3A_347] {strides = array<i32>} : memref<640x16xf32, #tpu.memory_space<vmem>>, vector<16xf32>,
      tpu.vector_store %arg11[%swap3A_346, %swap3A_347], %mul3A_345 {strides = array<i32>} : memref<640x16xf32, #tpu.memory_space<vmem>>, vector<16xf32>,
      %mul3A_349 = arith.constant 16 : i32
      %mul3A_350 = arith.muli %scan3A_144, %mul3A_349 : i32
      %add3A_351 = arith.constant 12 : i32
      %add3A_352 = arith.addi %mul3A_350, %add3A_351 : i32
      %slice3A_353 = vector.extract_strided_slice %get3A_147 {offsets = [12], sizes = [1], strides = [1]} : vector<16xf32> to vector<1xf32>
      %squeeze3A_354 = vector.extract %slice3A_353[0] : f32 from vector<1xf32>
      %broadcast_in_dim3A_355 = vector.broadcast %squeeze3A_354 : f32 to vector<16xf32>
      %swap3A_356 = arith.index_cast %add3A_352 : i32 to index
      %swap3A_357 = arith.constant 0 : index
      %swap3A_358 = tpu.vector_load %arg12[%swap3A_356, %swap3A_357] {strides = array<i32>} : memref<640x16xf32, #tpu.memory_space<vmem>>, vector<16xf32>,
      tpu.vector_store %arg12[%swap3A_356, %swap3A_357], %broadcast_in_dim3A_355 {strides = array<i32>} : memref<640x16xf32, #tpu.memory_space<vmem>>, vector<16xf32>,
      %get3A_359 = arith.index_cast %add3A_352 : i32 to index
      %get3A_360 = arith.constant 0 : index
      %get3A_361 = tpu.vector_load %arg11[%get3A_359, %get3A_360] {strides = array<i32>} : memref<640x16xf32, #tpu.memory_space<vmem>>, vector<16xf32>,
      %mul3A_362 = arith.mulf %get3A_361, %broadcast_in_dim3A_355 : vector<16xf32>
      %swap3A_363 = arith.index_cast %add3A_352 : i32 to index
      %swap3A_364 = arith.constant 0 : index
      %swap3A_365 = tpu.vector_load %arg11[%swap3A_363, %swap3A_364] {strides = array<i32>} : memref<640x16xf32, #tpu.memory_space<vmem>>, vector<16xf32>,
      tpu.vector_store %arg11[%swap3A_363, %swap3A_364], %mul3A_362 {strides = array<i32>} : memref<640x16xf32, #tpu.memory_space<vmem>>, vector<16xf32>,
      %mul3A_366 = arith.constant 16 : i32
      %mul3A_367 = arith.muli %scan3A_144, %mul3A_366 : i32
      %add3A_368 = arith.constant 13 : i32
      %add3A_369 = arith.addi %mul3A_367, %add3A_368 : i32
      %slice3A_370 = vector.extract_strided_slice %get3A_147 {offsets = [13], sizes = [1], strides = [1]} : vector<16xf32> to vector<1xf32>
      %squeeze3A_371 = vector.extract %slice3A_370[0] : f32 from vector<1xf32>
      %broadcast_in_dim3A_372 = vector.broadcast %squeeze3A_371 : f32 to vector<16xf32>
      %swap3A_373 = arith.index_cast %add3A_369 : i32 to index
      %swap3A_374 = arith.constant 0 : index
      %swap3A_375 = tpu.vector_load %arg12[%swap3A_373, %swap3A_374] {strides = array<i32>} : memref<640x16xf32, #tpu.memory_space<vmem>>, vector<16xf32>,
      tpu.vector_store %arg12[%swap3A_373, %swap3A_374], %broadcast_in_dim3A_372 {strides = array<i32>} : memref<640x16xf32, #tpu.memory_space<vmem>>, vector<16xf32>,
      %get3A_376 = arith.index_cast %add3A_369 : i32 to index
      %get3A_377 = arith.constant 0 : index
      %get3A_378 = tpu.vector_load %arg11[%get3A_376, %get3A_377] {strides = array<i32>} : memref<640x16xf32, #tpu.memory_space<vmem>>, vector<16xf32>,
      %mul3A_379 = arith.mulf %get3A_378, %broadcast_in_dim3A_372 : vector<16xf32>
      %swap3A_380 = arith.index_cast %add3A_369 : i32 to index
      %swap3A_381 = arith.constant 0 : index
      %swap3A_382 = tpu.vector_load %arg11[%swap3A_380, %swap3A_381] {strides = array<i32>} : memref<640x16xf32, #tpu.memory_space<vmem>>, vector<16xf32>,
      tpu.vector_store %arg11[%swap3A_380, %swap3A_381], %mul3A_379 {strides = array<i32>} : memref<640x16xf32, #tpu.memory_space<vmem>>, vector<16xf32>,
      %mul3A_383 = arith.constant 16 : i32
      %mul3A_384 = arith.muli %scan3A_144, %mul3A_383 : i32
      %add3A_385 = arith.constant 14 : i32
      %add3A_386 = arith.addi %mul3A_384, %add3A_385 : i32
      %slice3A_387 = vector.extract_strided_slice %get3A_147 {offsets = [14], sizes = [1], strides = [1]} : vector<16xf32> to vector<1xf32>
      %squeeze3A_388 = vector.extract %slice3A_387[0] : f32 from vector<1xf32>
      %broadcast_in_dim3A_389 = vector.broadcast %squeeze3A_388 : f32 to vector<16xf32>
      %swap3A_390 = arith.index_cast %add3A_386 : i32 to index
      %swap3A_391 = arith.constant 0 : index
      %swap3A_392 = tpu.vector_load %arg12[%swap3A_390, %swap3A_391] {strides = array<i32>} : memref<640x16xf32, #tpu.memory_space<vmem>>, vector<16xf32>,
      tpu.vector_store %arg12[%swap3A_390, %swap3A_391], %broadcast_in_dim3A_389 {strides = array<i32>} : memref<640x16xf32, #tpu.memory_space<vmem>>, vector<16xf32>,
      %get3A_393 = arith.index_cast %add3A_386 : i32 to index
      %get3A_394 = arith.constant 0 : index
      %get3A_395 = tpu.vector_load %arg11[%get3A_393, %get3A_394] {strides = array<i32>} : memref<640x16xf32, #tpu.memory_space<vmem>>, vector<16xf32>,
      %mul3A_396 = arith.mulf %get3A_395, %broadcast_in_dim3A_389 : vector<16xf32>
      %swap3A_397 = arith.index_cast %add3A_386 : i32 to index
      %swap3A_398 = arith.constant 0 : index
      %swap3A_399 = tpu.vector_load %arg11[%swap3A_397, %swap3A_398] {strides = array<i32>} : memref<640x16xf32, #tpu.memory_space<vmem>>, vector<16xf32>,
      tpu.vector_store %arg11[%swap3A_397, %swap3A_398], %mul3A_396 {strides = array<i32>} : memref<640x16xf32, #tpu.memory_space<vmem>>, vector<16xf32>,
      %mul3A_400 = arith.constant 16 : i32
      %mul3A_401 = arith.muli %scan3A_144, %mul3A_400 : i32
      %add3A_402 = arith.constant 15 : i32
      %add3A_403 = arith.addi %mul3A_401, %add3A_402 : i32
      %slice3A_404 = vector.extract_strided_slice %get3A_147 {offsets = [15], sizes = [1], strides = [1]} : vector<16xf32> to vector<1xf32>
      %squeeze3A_405 = vector.extract %slice3A_404[0] : f32 from vector<1xf32>
      %broadcast_in_dim3A_406 = vector.broadcast %squeeze3A_405 : f32 to vector<16xf32>
      %swap3A_407 = arith.index_cast %add3A_403 : i32 to index
      %swap3A_408 = arith.constant 0 : index
      %swap3A_409 = tpu.vector_load %arg12[%swap3A_407, %swap3A_408] {strides = array<i32>} : memref<640x16xf32, #tpu.memory_space<vmem>>, vector<16xf32>,
      tpu.vector_store %arg12[%swap3A_407, %swap3A_408], %broadcast_in_dim3A_406 {strides = array<i32>} : memref<640x16xf32, #tpu.memory_space<vmem>>, vector<16xf32>,
      %get3A_410 = arith.index_cast %add3A_403 : i32 to index
      %get3A_411 = arith.constant 0 : index
      %get3A_412 = tpu.vector_load %arg11[%get3A_410, %get3A_411] {strides = array<i32>} : memref<640x16xf32, #tpu.memory_space<vmem>>, vector<16xf32>,
      %mul3A_413 = arith.mulf %get3A_412, %broadcast_in_dim3A_406 : vector<16xf32>
      %swap3A_414 = arith.index_cast %add3A_403 : i32 to index
      %swap3A_415 = arith.constant 0 : index
      %swap3A_416 = tpu.vector_load %arg11[%swap3A_414, %swap3A_415] {strides = array<i32>} : memref<640x16xf32, #tpu.memory_space<vmem>>, vector<16xf32>,
      tpu.vector_store %arg11[%swap3A_414, %swap3A_415], %mul3A_413 {strides = array<i32>} : memref<640x16xf32, #tpu.memory_space<vmem>>, vector<16xf32>,
      %scan3A_417 = arith.constant 0 : i32
      scf.yield %scan3A_417 : i32
    }
    %scan3A_93 = arith.constant 40 : i32
    %eq3A = arith.constant 0 : i32
    %eq3A_94 = arith.cmpi eq, %arg0, %eq3A : i32
    %convert_element_type3A = arith.extui %eq3A_94 : i1 to i32
    %cond3A = arith.constant 0 : i32
    %cond3A_95 = arith.cmpi ne, %convert_element_type3A, %cond3A : i32
    scf.if %cond3A_95 {
      %mul3A_144 = arith.constant 640 : i32
      %mul3A_145 = arith.muli %arg1, %mul3A_144 : i32
      "tpu.region"() ({
        %run_scoped3A = tpu.sem_alloc : memref<!tpu.dma_semaphore, #tpu.memory_space<semaphore_mem>>
        %dma_start3A_146 = arith.constant 0 : i32
        %dma_start3A_147 = tpu.memref_slice %arg6[%mul3A_145, %dma_start3A_146] : memref<10240x16xf32, #tpu.memory_space<hbm>> -> memref<640x16xf32, #tpu.memory_space<hbm>>
        %dma_start3A_148 = arith.constant 0 : i32
        %dma_start3A_149 = tpu.memref_slice %arg6[%mul3A_145, %dma_start3A_148] : memref<10240x16xf32, #tpu.memory_space<hbm>> -> memref<640x16xf32, #tpu.memory_space<hbm>>
        tpu.enqueue_dma source(%arg12 : memref<640x16xf32, #tpu.memory_space<vmem>>) target(%dma_start3A_149 : memref<640x16xf32, #tpu.memory_space<hbm>>) target_semaphore(%run_scoped3A : memref<!tpu.dma_semaphore, #tpu.memory_space<semaphore_mem>>)
        %dma_wait3A_150 = arith.constant 0 : i32
        %dma_wait3A_151 = tpu.memref_slice %arg6[%mul3A_145, %dma_wait3A_150] : memref<10240x16xf32, #tpu.memory_space<hbm>> -> memref<640x16xf32, #tpu.memory_space<hbm>>
        %dma_wait3A_152 = arith.constant 0 : i32
        %dma_wait3A_153 = tpu.memref_slice %arg6[%mul3A_145, %dma_wait3A_152] : memref<10240x16xf32, #tpu.memory_space<hbm>> -> memref<640x16xf32, #tpu.memory_space<hbm>>
        tpu.wait_dma2 semaphore(%run_scoped3A : memref<!tpu.dma_semaphore, #tpu.memory_space<semaphore_mem>>) src(%arg12 : memref<640x16xf32, #tpu.memory_space<vmem>>) dst(%dma_wait3A_153 : memref<640x16xf32, #tpu.memory_space<hbm>>)
        tpu.yield
      }) : () -> ()
    } else {
    }
    %mul3A_96 = arith.constant 640 : i32
    %mul3A_97 = arith.muli %arg1, %mul3A_96 : i32
    "tpu.region"() ({
      %run_scoped3A = tpu.sem_alloc : memref<!tpu.dma_semaphore, #tpu.memory_space<semaphore_mem>>
      %dma_start3A_144 = arith.constant 0 : i32
      %dma_start3A_145 = tpu.memref_slice %arg17[%mul3A_97, %dma_start3A_144] : memref<10240x16xf32, #tpu.memory_space<vmem_shared>> -> memref<640x16xf32, #tpu.memory_space<vmem_shared>>
      %dma_start3A_146 = arith.constant 0 : i32
      %dma_start3A_147 = tpu.memref_slice %arg17[%mul3A_97, %dma_start3A_146] : memref<10240x16xf32, #tpu.memory_space<vmem_shared>> -> memref<640x16xf32, #tpu.memory_space<vmem_shared>>
      tpu.enqueue_dma source(%arg11 : memref<640x16xf32, #tpu.memory_space<vmem>>) target(%dma_start3A_147 : memref<640x16xf32, #tpu.memory_space<vmem_shared>>) target_semaphore(%run_scoped3A : memref<!tpu.dma_semaphore, #tpu.memory_space<semaphore_mem>>)
      %dma_wait3A_148 = arith.constant 0 : i32
      %dma_wait3A_149 = tpu.memref_slice %arg17[%mul3A_97, %dma_wait3A_148] : memref<10240x16xf32, #tpu.memory_space<vmem_shared>> -> memref<640x16xf32, #tpu.memory_space<vmem_shared>>
      %dma_wait3A_150 = arith.constant 0 : i32
      %dma_wait3A_151 = tpu.memref_slice %arg17[%mul3A_97, %dma_wait3A_150] : memref<10240x16xf32, #tpu.memory_space<vmem_shared>> -> memref<640x16xf32, #tpu.memory_space<vmem_shared>>
      tpu.wait_dma2 semaphore(%run_scoped3A : memref<!tpu.dma_semaphore, #tpu.memory_space<semaphore_mem>>) src(%arg11 : memref<640x16xf32, #tpu.memory_space<vmem>>) dst(%dma_wait3A_151 : memref<640x16xf32, #tpu.memory_space<vmem_shared>>)
      tpu.yield
    }) : () -> ()
    %scan3A_98 = arith.constant 0 : i32
    %scan3A_99 = arith.constant 0 : i32
    %scan3A_100 = arith.constant 640 : i32
    %scan3A_101 = arith.addi %scan3A_99, %scan3A_100 : i32
    %scan3A_102 = arith.constant 1 : i32
    %scan3A_103 = scf.for %scan3A_144 = %scan3A_99 to %scan3A_101 step %scan3A_102 iter_args(%scan3A_145 = %scan3A_98) -> (i32)  : i32 {
      %swap3A = arith.index_cast %scan3A_144 : i32 to index
      %swap3A_146 = arith.constant 0 : index
      %swap3A_147 = tpu.vector_load %arg13[%swap3A, %swap3A_146] {strides = array<i32>} : memref<640x16xf32, #tpu.memory_space<vmem>>, vector<16xf32>,
      tpu.vector_store %arg13[%swap3A, %swap3A_146], %broadcast_in_dim3A_1 {strides = array<i32>} : memref<640x16xf32, #tpu.memory_space<vmem>>, vector<16xf32>,
      %scan3A_148 = arith.constant 0 : i32
      scf.yield %scan3A_148 : i32
    }
    %scan3A_104 = arith.constant 640 : i32
    %mul3A_105 = arith.constant 640 : i32
    %mul3A_106 = arith.muli %arg1, %mul3A_105 : i32
    "tpu.region"() ({
      %run_scoped3A = tpu.sem_alloc : memref<!tpu.dma_semaphore, #tpu.memory_space<semaphore_mem>>
      %dma_start3A_144 = arith.constant 0 : i32
      %dma_start3A_145 = tpu.memref_slice %arg18[%mul3A_106, %dma_start3A_144] : memref<10240x16xf32, #tpu.memory_space<vmem_shared>> -> memref<640x16xf32, #tpu.memory_space<vmem_shared>>
      %dma_start3A_146 = arith.constant 0 : i32
      %dma_start3A_147 = tpu.memref_slice %arg18[%mul3A_106, %dma_start3A_146] : memref<10240x16xf32, #tpu.memory_space<vmem_shared>> -> memref<640x16xf32, #tpu.memory_space<vmem_shared>>
      tpu.enqueue_dma source(%arg13 : memref<640x16xf32, #tpu.memory_space<vmem>>) target(%dma_start3A_147 : memref<640x16xf32, #tpu.memory_space<vmem_shared>>) target_semaphore(%run_scoped3A : memref<!tpu.dma_semaphore, #tpu.memory_space<semaphore_mem>>)
      %dma_wait3A_148 = arith.constant 0 : i32
      %dma_wait3A_149 = tpu.memref_slice %arg18[%mul3A_106, %dma_wait3A_148] : memref<10240x16xf32, #tpu.memory_space<vmem_shared>> -> memref<640x16xf32, #tpu.memory_space<vmem_shared>>
      %dma_wait3A_150 = arith.constant 0 : i32
      %dma_wait3A_151 = tpu.memref_slice %arg18[%mul3A_106, %dma_wait3A_150] : memref<10240x16xf32, #tpu.memory_space<vmem_shared>> -> memref<640x16xf32, #tpu.memory_space<vmem_shared>>
      tpu.wait_dma2 semaphore(%run_scoped3A : memref<!tpu.dma_semaphore, #tpu.memory_space<semaphore_mem>>) src(%arg13 : memref<640x16xf32, #tpu.memory_space<vmem>>) dst(%dma_wait3A_151 : memref<640x16xf32, #tpu.memory_space<vmem_shared>>)
      tpu.yield
    }) : () -> ()
    %barrier3A_107 = arith.constant 0 : index
    tpu.barrier barrier_id(%barrier3A_107)
    %scan3A_108 = arith.constant 0 : i32
    %scan3A_109 = arith.constant 0 : i32
    %scan3A_110 = arith.constant 10 : i32
    %scan3A_111 = arith.addi %scan3A_109, %scan3A_110 : i32
    %scan3A_112 = arith.constant 1 : i32
    %scan3A_113 = scf.for %scan3A_144 = %scan3A_109 to %scan3A_111 step %scan3A_112 iter_args(%scan3A_145 = %scan3A_108) -> (i32)  : i32 {
      %rem3A = arith.constant 16 : i32
      %rem3A_146 = arith.remsi %scan3A_144, %rem3A : i32
      %mul3A_147 = arith.constant 128 : i32
      %mul3A_148 = arith.muli %rem3A_146, %mul3A_147 : i32
      %dma_start3A_149 = arith.constant 0 : i32
      %dma_start3A_150 = tpu.memref_slice %arg16[%mul3A_148, %dma_start3A_149] : memref<2048x16xf32, #tpu.memory_space<vmem>> -> memref<128x16xf32, #tpu.memory_space<vmem>>
      %dma_start3A_151 = arith.constant 0 : i32
      %dma_start3A_152 = tpu.memref_slice %arg14[%scan3A_144, %dma_start3A_151] : memref<40x128xi32, #tpu.memory_space<vmem>> -> memref<1x128xi32, #tpu.memory_space<vmem>>
      %dma_start3A_153 = tpu.memref_squeeze %dma_start3A_152 : memref<1x128xi32, #tpu.memory_space<vmem>> -> memref<128xi32, #tpu.memory_space<vmem>>
      %dma_start3A_154 = arith.constant 0 : i32
      %dma_start3A_155 = arith.constant 0 : i32
      %dma_start3A_156 = tpu.memref_slice %arg17[%dma_start3A_154, %dma_start3A_155] : memref<10240x16xf32, #tpu.memory_space<vmem_shared>> -> memref<10240x16xf32, #tpu.memory_space<vmem_shared>>
      tpu.enqueue_indirect_dma source(%dma_start3A_156 : memref<10240x16xf32, #tpu.memory_space<vmem_shared>>) target(%dma_start3A_150 : memref<128x16xf32, #tpu.memory_space<vmem>>) offsets(%dma_start3A_153 : memref<128xi32, #tpu.memory_space<vmem>>) semaphore(%arg19 : memref<!tpu.dma_semaphore, #tpu.memory_space<semaphore_mem>>)
      %scan3A_157 = arith.constant 0 : i32
      scf.yield %scan3A_157 : i32
    }
    %scan3A_114 = arith.constant 10 : i32
    %scan3A_115 = arith.constant 0 : i32
    %scan3A_116 = arith.constant 0 : i32
    %scan3A_117 = arith.constant 40 : i32
    %scan3A_118 = arith.addi %scan3A_116, %scan3A_117 : i32
    %scan3A_119 = arith.constant 1 : i32
    %scan3A_120 = scf.for %scan3A_144 = %scan3A_116 to %scan3A_118 step %scan3A_119 iter_args(%scan3A_145 = %scan3A_115) -> (i32)  : i32 {
      %ge3A = arith.constant 6 : i32
      %ge3A_146 = arith.cmpi sge, %scan3A_144, %ge3A : i32
      %convert_element_type3A_147 = arith.extui %ge3A_146 : i1 to i32
      %cond3A_148 = arith.constant 0 : i32
      %cond3A_149 = arith.cmpi ne, %convert_element_type3A_147, %cond3A_148 : i32
      scf.if %cond3A_149 {
        %sub3A = arith.constant 6 : i32
        %sub3A_180 = arith.subi %scan3A_144, %sub3A : i32
        %rem3A_181 = arith.constant 16 : i32
        %rem3A_182 = arith.remsi %sub3A_180, %rem3A_181 : i32
        %mul3A_183 = arith.constant 128 : i32
        %mul3A_184 = arith.muli %rem3A_182, %mul3A_183 : i32
        %dma_wait3A_185 = arith.constant 0 : i32
        %dma_wait3A_186 = tpu.memref_slice %arg16[%mul3A_184, %dma_wait3A_185] : memref<2048x16xf32, #tpu.memory_space<vmem>> -> memref<128x16xf32, #tpu.memory_space<vmem>>
        %dma_wait3A_187 = arith.constant 0 : i32
        %dma_wait3A_188 = tpu.memref_slice %arg15[%sub3A_180, %dma_wait3A_187] : memref<40x128xi32, #tpu.memory_space<vmem>> -> memref<1x128xi32, #tpu.memory_space<vmem>>
        %dma_wait3A_189 = tpu.memref_squeeze %dma_wait3A_188 : memref<1x128xi32, #tpu.memory_space<vmem>> -> memref<128xi32, #tpu.memory_space<vmem>>
        %dma_wait3A_190 = arith.constant 0 : i32
        %dma_wait3A_191 = arith.constant 0 : i32
        %dma_wait3A_192 = tpu.memref_slice %arg18[%dma_wait3A_190, %dma_wait3A_191] : memref<10240x16xf32, #tpu.memory_space<vmem_shared>> -> memref<10240x16xf32, #tpu.memory_space<vmem_shared>>
        tpu.wait_indirect_dma semaphore(%arg20 : memref<!tpu.dma_semaphore, #tpu.memory_space<semaphore_mem>>) src(%dma_wait3A_186 : memref<128x16xf32, #tpu.memory_space<vmem>>) dst(%dma_wait3A_192 : memref<10240x16xf32, #tpu.memory_space<vmem_shared>>)
      } else {
      }
      %add3A_150 = arith.constant 10 : i32
      %add3A_151 = arith.addi %scan3A_144, %add3A_150 : i32
      %lt3A = arith.constant 40 : i32
      %lt3A_152 = arith.cmpi slt, %add3A_151, %lt3A : i32
      %convert_element_type3A_153 = arith.extui %lt3A_152 : i1 to i32
      %cond3A_154 = arith.constant 0 : i32
      %cond3A_155 = arith.cmpi ne, %convert_element_type3A_153, %cond3A_154 : i32
      scf.if %cond3A_155 {
        %add3A_180 = arith.constant 10 : i32
        %add3A_181 = arith.addi %scan3A_144, %add3A_180 : i32
        %rem3A_182 = arith.constant 16 : i32
        %rem3A_183 = arith.remsi %add3A_181, %rem3A_182 : i32
        %mul3A_184 = arith.constant 128 : i32
        %mul3A_185 = arith.muli %rem3A_183, %mul3A_184 : i32
        %dma_start3A_186 = arith.constant 0 : i32
        %dma_start3A_187 = tpu.memref_slice %arg16[%mul3A_185, %dma_start3A_186] : memref<2048x16xf32, #tpu.memory_space<vmem>> -> memref<128x16xf32, #tpu.memory_space<vmem>>
        %dma_start3A_188 = arith.constant 0 : i32
        %dma_start3A_189 = tpu.memref_slice %arg14[%add3A_181, %dma_start3A_188] : memref<40x128xi32, #tpu.memory_space<vmem>> -> memref<1x128xi32, #tpu.memory_space<vmem>>
        %dma_start3A_190 = tpu.memref_squeeze %dma_start3A_189 : memref<1x128xi32, #tpu.memory_space<vmem>> -> memref<128xi32, #tpu.memory_space<vmem>>
        %dma_start3A_191 = arith.constant 0 : i32
        %dma_start3A_192 = arith.constant 0 : i32
        %dma_start3A_193 = tpu.memref_slice %arg17[%dma_start3A_191, %dma_start3A_192] : memref<10240x16xf32, #tpu.memory_space<vmem_shared>> -> memref<10240x16xf32, #tpu.memory_space<vmem_shared>>
        tpu.enqueue_indirect_dma source(%dma_start3A_193 : memref<10240x16xf32, #tpu.memory_space<vmem_shared>>) target(%dma_start3A_187 : memref<128x16xf32, #tpu.memory_space<vmem>>) offsets(%dma_start3A_190 : memref<128xi32, #tpu.memory_space<vmem>>) semaphore(%arg19 : memref<!tpu.dma_semaphore, #tpu.memory_space<semaphore_mem>>)
      } else {
      }
      %rem3A = arith.constant 16 : i32
      %rem3A_156 = arith.remsi %scan3A_144, %rem3A : i32
      %mul3A_157 = arith.constant 128 : i32
      %mul3A_158 = arith.muli %rem3A_156, %mul3A_157 : i32
      %dma_wait3A_159 = arith.constant 0 : i32
      %dma_wait3A_160 = tpu.memref_slice %arg16[%mul3A_158, %dma_wait3A_159] : memref<2048x16xf32, #tpu.memory_space<vmem>> -> memref<128x16xf32, #tpu.memory_space<vmem>>
      %dma_wait3A_161 = arith.constant 0 : i32
      %dma_wait3A_162 = tpu.memref_slice %arg14[%scan3A_144, %dma_wait3A_161] : memref<40x128xi32, #tpu.memory_space<vmem>> -> memref<1x128xi32, #tpu.memory_space<vmem>>
      %dma_wait3A_163 = tpu.memref_squeeze %dma_wait3A_162 : memref<1x128xi32, #tpu.memory_space<vmem>> -> memref<128xi32, #tpu.memory_space<vmem>>
      %dma_wait3A_164 = arith.constant 0 : i32
      %dma_wait3A_165 = arith.constant 0 : i32
      %dma_wait3A_166 = tpu.memref_slice %arg17[%dma_wait3A_164, %dma_wait3A_165] : memref<10240x16xf32, #tpu.memory_space<vmem_shared>> -> memref<10240x16xf32, #tpu.memory_space<vmem_shared>>
      tpu.wait_indirect_dma semaphore(%arg19 : memref<!tpu.dma_semaphore, #tpu.memory_space<semaphore_mem>>) src(%dma_wait3A_166 : memref<10240x16xf32, #tpu.memory_space<vmem_shared>>) dst(%dma_wait3A_160 : memref<128x16xf32, #tpu.memory_space<vmem>>)
      %rem3A_167 = arith.constant 16 : i32
      %rem3A_168 = arith.remsi %scan3A_144, %rem3A_167 : i32
      %mul3A_169 = arith.constant 128 : i32
      %mul3A_170 = arith.muli %rem3A_168, %mul3A_169 : i32
      %dma_start3A_171 = arith.constant 0 : i32
      %dma_start3A_172 = tpu.memref_slice %arg16[%mul3A_170, %dma_start3A_171] : memref<2048x16xf32, #tpu.memory_space<vmem>> -> memref<128x16xf32, #tpu.memory_space<vmem>>
      %dma_start3A_173 = arith.constant 0 : i32
      %dma_start3A_174 = tpu.memref_slice %arg15[%scan3A_144, %dma_start3A_173] : memref<40x128xi32, #tpu.memory_space<vmem>> -> memref<1x128xi32, #tpu.memory_space<vmem>>
      %dma_start3A_175 = tpu.memref_squeeze %dma_start3A_174 : memref<1x128xi32, #tpu.memory_space<vmem>> -> memref<128xi32, #tpu.memory_space<vmem>>
      %dma_start3A_176 = arith.constant 0 : i32
      %dma_start3A_177 = arith.constant 0 : i32
      %dma_start3A_178 = tpu.memref_slice %arg18[%dma_start3A_176, %dma_start3A_177] : memref<10240x16xf32, #tpu.memory_space<vmem_shared>> -> memref<10240x16xf32, #tpu.memory_space<vmem_shared>>
      tpu.enqueue_indirect_dma source(%dma_start3A_172 : memref<128x16xf32, #tpu.memory_space<vmem>>) target(%dma_start3A_178 : memref<10240x16xf32, #tpu.memory_space<vmem_shared>>) offsets(%dma_start3A_175 : memref<128xi32, #tpu.memory_space<vmem>>) semaphore(%arg20 : memref<!tpu.dma_semaphore, #tpu.memory_space<semaphore_mem>>) {add = true}
      %scan3A_179 = arith.constant 0 : i32
      scf.yield %scan3A_179 : i32
    }
    %scan3A_121 = arith.constant 40 : i32
    %scan3A_122 = arith.constant 0 : i32
    %scan3A_123 = arith.constant 34 : i32
    %scan3A_124 = arith.constant 6 : i32
    %scan3A_125 = arith.addi %scan3A_123, %scan3A_124 : i32
    %scan3A_126 = arith.constant 1 : i32
    %scan3A_127 = scf.for %scan3A_144 = %scan3A_123 to %scan3A_125 step %scan3A_126 iter_args(%scan3A_145 = %scan3A_122) -> (i32)  : i32 {
      %rem3A = arith.constant 16 : i32
      %rem3A_146 = arith.remsi %scan3A_144, %rem3A : i32
      %mul3A_147 = arith.constant 128 : i32
      %mul3A_148 = arith.muli %rem3A_146, %mul3A_147 : i32
      %dma_wait3A_149 = arith.constant 0 : i32
      %dma_wait3A_150 = tpu.memref_slice %arg16[%mul3A_148, %dma_wait3A_149] : memref<2048x16xf32, #tpu.memory_space<vmem>> -> memref<128x16xf32, #tpu.memory_space<vmem>>
      %dma_wait3A_151 = arith.constant 0 : i32
      %dma_wait3A_152 = tpu.memref_slice %arg15[%scan3A_144, %dma_wait3A_151] : memref<40x128xi32, #tpu.memory_space<vmem>> -> memref<1x128xi32, #tpu.memory_space<vmem>>
      %dma_wait3A_153 = tpu.memref_squeeze %dma_wait3A_152 : memref<1x128xi32, #tpu.memory_space<vmem>> -> memref<128xi32, #tpu.memory_space<vmem>>
      %dma_wait3A_154 = arith.constant 0 : i32
      %dma_wait3A_155 = arith.constant 0 : i32
      %dma_wait3A_156 = tpu.memref_slice %arg18[%dma_wait3A_154, %dma_wait3A_155] : memref<10240x16xf32, #tpu.memory_space<vmem_shared>> -> memref<10240x16xf32, #tpu.memory_space<vmem_shared>>
      tpu.wait_indirect_dma semaphore(%arg20 : memref<!tpu.dma_semaphore, #tpu.memory_space<semaphore_mem>>) src(%dma_wait3A_150 : memref<128x16xf32, #tpu.memory_space<vmem>>) dst(%dma_wait3A_156 : memref<10240x16xf32, #tpu.memory_space<vmem_shared>>)
      %scan3A_157 = arith.constant 0 : i32
      scf.yield %scan3A_157 : i32
    }
    %scan3A_128 = arith.constant 6 : i32
    %barrier3A_129 = arith.constant 0 : index
    tpu.barrier barrier_id(%barrier3A_129)
    %mul3A_130 = arith.constant 640 : i32
    %mul3A_131 = arith.muli %arg1, %mul3A_130 : i32
    "tpu.region"() ({
      %run_scoped3A = tpu.sem_alloc : memref<!tpu.dma_semaphore, #tpu.memory_space<semaphore_mem>>
      %dma_start3A_144 = arith.constant 0 : i32
      %dma_start3A_145 = tpu.memref_slice %arg18[%mul3A_131, %dma_start3A_144] : memref<10240x16xf32, #tpu.memory_space<vmem_shared>> -> memref<640x16xf32, #tpu.memory_space<vmem_shared>>
      %dma_start3A_146 = arith.constant 0 : i32
      %dma_start3A_147 = tpu.memref_slice %arg18[%mul3A_131, %dma_start3A_146] : memref<10240x16xf32, #tpu.memory_space<vmem_shared>> -> memref<640x16xf32, #tpu.memory_space<vmem_shared>>
      tpu.enqueue_dma source(%dma_start3A_147 : memref<640x16xf32, #tpu.memory_space<vmem_shared>>) target(%arg13 : memref<640x16xf32, #tpu.memory_space<vmem>>) target_semaphore(%run_scoped3A : memref<!tpu.dma_semaphore, #tpu.memory_space<semaphore_mem>>)
      %dma_wait3A_148 = arith.constant 0 : i32
      %dma_wait3A_149 = tpu.memref_slice %arg18[%mul3A_131, %dma_wait3A_148] : memref<10240x16xf32, #tpu.memory_space<vmem_shared>> -> memref<640x16xf32, #tpu.memory_space<vmem_shared>>
      %dma_wait3A_150 = arith.constant 0 : i32
      %dma_wait3A_151 = tpu.memref_slice %arg18[%mul3A_131, %dma_wait3A_150] : memref<10240x16xf32, #tpu.memory_space<vmem_shared>> -> memref<640x16xf32, #tpu.memory_space<vmem_shared>>
      tpu.wait_dma2 semaphore(%run_scoped3A : memref<!tpu.dma_semaphore, #tpu.memory_space<semaphore_mem>>) src(%dma_wait3A_151 : memref<640x16xf32, #tpu.memory_space<vmem_shared>>) dst(%arg13 : memref<640x16xf32, #tpu.memory_space<vmem>>)
      tpu.yield
    }) : () -> ()
    %eq3A_132 = arith.constant 0 : i32
    %eq3A_133 = arith.cmpi eq, %arg0, %eq3A_132 : i32
    %convert_element_type3A_134 = arith.extui %eq3A_133 : i1 to i32
    %cond3A_135 = arith.constant 0 : i32
    %cond3A_136 = arith.cmpi ne, %convert_element_type3A_134, %cond3A_135 : i32
    scf.if %cond3A_136 {
      %scan3A_144 = arith.constant 0 : i32
      %scan3A_145 = arith.constant 0 : i32
      %scan3A_146 = arith.constant 640 : i32
      %scan3A_147 = arith.addi %scan3A_145, %scan3A_146 : i32
      %scan3A_148 = arith.constant 1 : i32
      %scan3A_149 = scf.for %scan3A_151 = %scan3A_145 to %scan3A_147 step %scan3A_148 iter_args(%scan3A_152 = %scan3A_144) -> (i32)  : i32 {
        %get3A = arith.index_cast %scan3A_151 : i32 to index
        %get3A_153 = arith.constant 0 : index
        %get3A_154 = tpu.vector_load %arg12[%get3A, %get3A_153] {strides = array<i32>} : memref<640x16xf32, #tpu.memory_space<vmem>>, vector<16xf32>,
        %get3A_155 = arith.index_cast %scan3A_151 : i32 to index
        %get3A_156 = arith.constant 0 : index
        %get3A_157 = tpu.vector_load %arg13[%get3A_155, %get3A_156] {strides = array<i32>} : memref<640x16xf32, #tpu.memory_space<vmem>>, vector<16xf32>,
        %mul3A_158 = arith.mulf %get3A_154, %get3A_157 : vector<16xf32>
        %swap3A = arith.index_cast %scan3A_151 : i32 to index
        %swap3A_159 = arith.constant 0 : index
        %swap3A_160 = tpu.vector_load %arg13[%swap3A, %swap3A_159] {strides = array<i32>} : memref<640x16xf32, #tpu.memory_space<vmem>>, vector<16xf32>,
        tpu.vector_store %arg13[%swap3A, %swap3A_159], %mul3A_158 {strides = array<i32>} : memref<640x16xf32, #tpu.memory_space<vmem>>, vector<16xf32>,
        %scan3A_161 = arith.constant 0 : i32
        scf.yield %scan3A_161 : i32
      }
      %scan3A_150 = arith.constant 640 : i32
    } else {
    }
    %eq3A_137 = arith.constant 1 : i32
    %eq3A_138 = arith.cmpi eq, %arg0, %eq3A_137 : i32
    %convert_element_type3A_139 = arith.extui %eq3A_138 : i1 to i32
    %cond3A_140 = arith.constant 0 : i32
    %cond3A_141 = arith.cmpi ne, %convert_element_type3A_139, %cond3A_140 : i32
    scf.if %cond3A_141 {
      %scan3A_144 = arith.constant 0 : i32
      %scan3A_145 = arith.constant 0 : i32
      %scan3A_146 = arith.constant 640 : i32
      %scan3A_147 = arith.addi %scan3A_145, %scan3A_146 : i32
      %scan3A_148 = arith.constant 1 : i32
      %scan3A_149 = scf.for %scan3A_151 = %scan3A_145 to %scan3A_147 step %scan3A_148 iter_args(%scan3A_152 = %scan3A_144) -> (i32)  : i32 {
        %get3A = arith.index_cast %scan3A_151 : i32 to index
        %get3A_153 = arith.constant 0 : index
        %get3A_154 = tpu.vector_load %arg12[%get3A, %get3A_153] {strides = array<i32>} : memref<640x16xf32, #tpu.memory_space<vmem>>, vector<16xf32>,
        %get3A_155 = arith.index_cast %scan3A_151 : i32 to index
        %get3A_156 = arith.constant 0 : index
        %get3A_157 = tpu.vector_load %arg13[%get3A_155, %get3A_156] {strides = array<i32>} : memref<640x16xf32, #tpu.memory_space<vmem>>, vector<16xf32>,
        %get3A_158 = arith.index_cast %scan3A_151 : i32 to index
        %get3A_159 = arith.constant 0 : index
        %get3A_160 = tpu.vector_load %arg11[%get3A_158, %get3A_159] {strides = array<i32>} : memref<640x16xf32, #tpu.memory_space<vmem>>, vector<16xf32>,
        %add3A_161 = arith.addf %get3A_157, %get3A_160 : vector<16xf32>
        %mul3A_162 = arith.mulf %get3A_154, %add3A_161 : vector<16xf32>
        %swap3A = arith.index_cast %scan3A_151 : i32 to index
        %swap3A_163 = arith.constant 0 : index
        %swap3A_164 = tpu.vector_load %arg13[%swap3A, %swap3A_163] {strides = array<i32>} : memref<640x16xf32, #tpu.memory_space<vmem>>, vector<16xf32>,
        tpu.vector_store %arg13[%swap3A, %swap3A_163], %mul3A_162 {strides = array<i32>} : memref<640x16xf32, #tpu.memory_space<vmem>>, vector<16xf32>,
        %scan3A_165 = arith.constant 0 : i32
        scf.yield %scan3A_165 : i32
      }
      %scan3A_150 = arith.constant 640 : i32
    } else {
    }
    %mul3A_142 = arith.constant 640 : i32
    %mul3A_143 = arith.muli %arg1, %mul3A_142 : i32
    "tpu.region"() ({
      %run_scoped3A = tpu.sem_alloc : memref<!tpu.dma_semaphore, #tpu.memory_space<semaphore_mem>>
      %dma_start3A_144 = arith.constant 0 : i32
      %dma_start3A_145 = arith.constant 0 : i32
      %dma_start3A_146 = tpu.memref_slice %arg5[%arg0, %dma_start3A_144, %dma_start3A_145] : memref<2x10240x16xf32, #tpu.memory_space<hbm>> -> memref<1x10240x16xf32, #tpu.memory_space<hbm>>
      %dma_start3A_147 = tpu.memref_squeeze %dma_start3A_146 : memref<1x10240x16xf32, #tpu.memory_space<hbm>> -> memref<10240x16xf32, #tpu.memory_space<hbm>>
      %dma_start3A_148 = arith.constant 0 : i32
      %dma_start3A_149 = tpu.memref_slice %dma_start3A_147[%mul3A_143, %dma_start3A_148] : memref<10240x16xf32, #tpu.memory_space<hbm>> -> memref<640x16xf32, #tpu.memory_space<hbm>>
      %dma_start3A_150 = arith.constant 0 : i32
      %dma_start3A_151 = arith.constant 0 : i32
      %dma_start3A_152 = tpu.memref_slice %arg5[%arg0, %dma_start3A_150, %dma_start3A_151] : memref<2x10240x16xf32, #tpu.memory_space<hbm>> -> memref<1x10240x16xf32, #tpu.memory_space<hbm>>
      %dma_start3A_153 = tpu.memref_squeeze %dma_start3A_152 : memref<1x10240x16xf32, #tpu.memory_space<hbm>> -> memref<10240x16xf32, #tpu.memory_space<hbm>>
      %dma_start3A_154 = arith.constant 0 : i32
      %dma_start3A_155 = tpu.memref_slice %dma_start3A_153[%mul3A_143, %dma_start3A_154] : memref<10240x16xf32, #tpu.memory_space<hbm>> -> memref<640x16xf32, #tpu.memory_space<hbm>>
      tpu.enqueue_dma source(%arg13 : memref<640x16xf32, #tpu.memory_space<vmem>>) target(%dma_start3A_155 : memref<640x16xf32, #tpu.memory_space<hbm>>) target_semaphore(%run_scoped3A : memref<!tpu.dma_semaphore, #tpu.memory_space<semaphore_mem>>)
      %dma_wait3A_156 = arith.constant 0 : i32
      %dma_wait3A_157 = arith.constant 0 : i32
      %dma_wait3A_158 = tpu.memref_slice %arg5[%arg0, %dma_wait3A_156, %dma_wait3A_157] : memref<2x10240x16xf32, #tpu.memory_space<hbm>> -> memref<1x10240x16xf32, #tpu.memory_space<hbm>>
      %dma_wait3A_159 = tpu.memref_squeeze %dma_wait3A_158 : memref<1x10240x16xf32, #tpu.memory_space<hbm>> -> memref<10240x16xf32, #tpu.memory_space<hbm>>
      %dma_wait3A_160 = arith.constant 0 : i32
      %dma_wait3A_161 = tpu.memref_slice %dma_wait3A_159[%mul3A_143, %dma_wait3A_160] : memref<10240x16xf32, #tpu.memory_space<hbm>> -> memref<640x16xf32, #tpu.memory_space<hbm>>
      %dma_wait3A_162 = arith.constant 0 : i32
      %dma_wait3A_163 = arith.constant 0 : i32
      %dma_wait3A_164 = tpu.memref_slice %arg5[%arg0, %dma_wait3A_162, %dma_wait3A_163] : memref<2x10240x16xf32, #tpu.memory_space<hbm>> -> memref<1x10240x16xf32, #tpu.memory_space<hbm>>
      %dma_wait3A_165 = tpu.memref_squeeze %dma_wait3A_164 : memref<1x10240x16xf32, #tpu.memory_space<hbm>> -> memref<10240x16xf32, #tpu.memory_space<hbm>>
      %dma_wait3A_166 = arith.constant 0 : i32
      %dma_wait3A_167 = tpu.memref_slice %dma_wait3A_165[%mul3A_143, %dma_wait3A_166] : memref<10240x16xf32, #tpu.memory_space<hbm>> -> memref<640x16xf32, #tpu.memory_space<hbm>>
      tpu.wait_dma2 semaphore(%run_scoped3A : memref<!tpu.dma_semaphore, #tpu.memory_space<semaphore_mem>>) src(%arg13 : memref<640x16xf32, #tpu.memory_space<vmem>>) dst(%dma_wait3A_167 : memref<640x16xf32, #tpu.memory_space<hbm>>)
      tpu.yield
    }) : () -> ()
    return
  }
}

module attributes {stable_mosaic.version = 14 : i64} {
  func.func @_mm1_body(%arg0: i32, %arg1: memref<1024x256xf32, #tpu.memory_space<vmem>>, %arg2: memref<256x16xf32, #tpu.memory_space<vmem>>, %arg3: memref<1024x16xf32, #tpu.memory_space<vmem>>) attributes {dimension_semantics = [#tpu.dimension_semantics<arbitrary>], iteration_bounds = array<i64: 10>, scalar_prefetch = 0 : i64, scratch_operands = 0 : i64, tpu.core_type = #tpu.core_type<tc>, window_params = [{transform_indices = @transform_0, window_bounds = array<i64: 1024, 256>}, {pipeline_mode = #tpu.pipeline_mode<synchronous>, transform_indices = @transform_1, window_bounds = array<i64: 256, 16>}, {transform_indices = @transform_2, window_bounds = array<i64: 1024, 16>}]} {
    %get3A = arith.constant 0 : index
    %get3A_0 = arith.constant 0 : index
    %get3A_1 = vector.load %arg1[%get3A, %get3A_0] : memref<1024x256xf32, #tpu.memory_space<vmem>>, vector<1024x256xf32>
    %get3A_2 = arith.constant 0 : index
    %get3A_3 = arith.constant 0 : index
    %get3A_4 = vector.load %arg2[%get3A_2, %get3A_3] : memref<256x16xf32, #tpu.memory_space<vmem>>, vector<256x16xf32>
    %dot_general3A = arith.constant dense<0.000000e+00> : vector<1024x16xf32>
    %dot_general3A_5 = tpu.matmul %get3A_1, %get3A_4, %dot_general3A {dimension_numbers = #tpu.dot_dimension_numbers<[1], [0], [0], [1], [0, 0, 1, 1], [], []>, transpose_lhs_hint = false} : vector<1024x256xf32>, vector<256x16xf32>, vector<1024x16xf32> -> vector<1024x16xf32>
    %swap3A = arith.constant 0 : index
    %swap3A_6 = arith.constant 0 : index
    %swap3A_7 = vector.load %arg3[%swap3A, %swap3A_6] : memref<1024x16xf32, #tpu.memory_space<vmem>>, vector<1024x16xf32>
    tpu.vector_store %arg3[%swap3A, %swap3A_6], %dot_general3A_5 {strides = array<i32>} : memref<1024x16xf32, #tpu.memory_space<vmem>>, vector<1024x16xf32>,
    return
  }
  func.func @transform_0(%arg0: i32) -> (i32, i32) {
    %c0_i32 = arith.constant 0 : i32
    %c0_i32_0 = arith.constant 0 : i32
    return %arg0, %c0_i32 : i32, i32
  }
  func.func @transform_1(%arg0: i32) -> (i32, i32) {
    %c0_i32 = arith.constant 0 : i32
    %c0_i32_0 = arith.constant 0 : i32
    %c0_i32_1 = arith.constant 0 : i32
    return %c0_i32, %c0_i32_0 : i32, i32
  }
  func.func @transform_2(%arg0: i32) -> (i32, i32) {
    %c0_i32 = arith.constant 0 : i32
    %c0_i32_0 = arith.constant 0 : i32
    return %arg0, %c0_i32 : i32, i32
  }
}

module attributes {stable_mosaic.version = 14 : i64} {
  func.func @_fin_body(%arg0: i32, %arg1: memref<2x1024x16xf32, #tpu.memory_space<vmem>>, %arg2: memref<16x256xf32, #tpu.memory_space<vmem>>, %arg3: memref<1x256xf32, #tpu.memory_space<vmem>>, %arg4: memref<1024x256xf32, #tpu.memory_space<vmem>>) attributes {dimension_semantics = [#tpu.dimension_semantics<arbitrary>], iteration_bounds = array<i64: 10>, scalar_prefetch = 0 : i64, scratch_operands = 0 : i64, tpu.core_type = #tpu.core_type<tc>, window_params = [{transform_indices = @transform_0, window_bounds = array<i64: 2, 1024, 16>}, {pipeline_mode = #tpu.pipeline_mode<synchronous>, transform_indices = @transform_1, window_bounds = array<i64: 16, 256>}, {pipeline_mode = #tpu.pipeline_mode<synchronous>, transform_indices = @transform_2, window_bounds = array<i64: 1, 256>}, {transform_indices = @transform_3, window_bounds = array<i64: 1024, 256>}]} {
    %get3A = arith.constant 0 : index
    %get3A_0 = arith.constant 0 : index
    %get3A_1 = arith.constant 0 : index
    %get3A_2 = vector.load %arg1[%get3A, %get3A_0, %get3A_1] : memref<2x1024x16xf32, #tpu.memory_space<vmem>>, vector<1x1024x16xf32>
    %get3A_3 = vector.shape_cast %get3A_2 : vector<1x1024x16xf32> to vector<1024x16xf32>
    %get3A_4 = arith.constant 1 : index
    %get3A_5 = arith.constant 0 : index
    %get3A_6 = arith.constant 0 : index
    %get3A_7 = vector.load %arg1[%get3A_4, %get3A_5, %get3A_6] : memref<2x1024x16xf32, #tpu.memory_space<vmem>>, vector<1x1024x16xf32>
    %get3A_8 = vector.shape_cast %get3A_7 : vector<1x1024x16xf32> to vector<1024x16xf32>
    %add3A = arith.addf %get3A_3, %get3A_8 : vector<1024x16xf32>
    %get3A_9 = arith.constant 0 : index
    %get3A_10 = arith.constant 0 : index
    %get3A_11 = vector.load %arg2[%get3A_9, %get3A_10] : memref<16x256xf32, #tpu.memory_space<vmem>>, vector<16x256xf32>
    %dot_general3A = arith.constant dense<0.000000e+00> : vector<1024x256xf32>
    %dot_general3A_12 = tpu.matmul %add3A, %get3A_11, %dot_general3A {dimension_numbers = #tpu.dot_dimension_numbers<[1], [0], [0], [1], [0, 0, 1, 1], [], []>, transpose_lhs_hint = false} : vector<1024x16xf32>, vector<16x256xf32>, vector<1024x256xf32> -> vector<1024x256xf32>
    %get3A_13 = arith.constant 0 : index
    %get3A_14 = arith.constant 0 : index
    %get3A_15 = vector.load %arg3[%get3A_13, %get3A_14] : memref<1x256xf32, #tpu.memory_space<vmem>>, vector<1x256xf32>
    %add3A_16 = vector.broadcast %get3A_15 : vector<1x256xf32> to vector<1024x256xf32>
    %add3A_17 = arith.addf %dot_general3A_12, %add3A_16 : vector<1024x256xf32>
    %reduce_max3A = arith.constant dense<0xFF800000> : vector<1024xf32>
    %reduce_max3A_18 = vector.multi_reduction <maximumf>, %add3A_17, %reduce_max3A [1] : vector<1024x256xf32> to vector<1024xf32>
    %broadcast_in_dim3A = vector.shape_cast %reduce_max3A_18 : vector<1024xf32> to vector<1024x1xf32>
    %sub3A = vector.broadcast %broadcast_in_dim3A : vector<1024x1xf32> to vector<1024x256xf32>
    %sub3A_19 = arith.subf %add3A_17, %sub3A : vector<1024x256xf32>
    %exp3A = math.exp %sub3A_19 : vector<1024x256xf32>
    %reduce_sum3A = arith.constant dense<0.000000e+00> : vector<1024xf32>
    %reduce_sum3A_20 = vector.multi_reduction <add>, %exp3A, %reduce_sum3A [1] : vector<1024x256xf32> to vector<1024xf32>
    %broadcast_in_dim3A_21 = vector.shape_cast %reduce_sum3A_20 : vector<1024xf32> to vector<1024x1xf32>
    %log3A = math.log %broadcast_in_dim3A_21 : vector<1024x1xf32>
    %add3A_22 = arith.addf %log3A, %broadcast_in_dim3A : vector<1024x1xf32>
    %sub3A_23 = vector.broadcast %add3A_22 : vector<1024x1xf32> to vector<1024x256xf32>
    %sub3A_24 = arith.subf %add3A_17, %sub3A_23 : vector<1024x256xf32>
    %swap3A = arith.constant 0 : index
    %swap3A_25 = arith.constant 0 : index
    %swap3A_26 = vector.load %arg4[%swap3A, %swap3A_25] : memref<1024x256xf32, #tpu.memory_space<vmem>>, vector<1024x256xf32>
    tpu.vector_store %arg4[%swap3A, %swap3A_25], %sub3A_24 {strides = array<i32>} : memref<1024x256xf32, #tpu.memory_space<vmem>>, vector<1024x256xf32>,
    return
  }
  func.func @transform_0(%arg0: i32) -> (i32, i32, i32) {
    %c0_i32 = arith.constant 0 : i32
    %c0_i32_0 = arith.constant 0 : i32
    %c0_i32_1 = arith.constant 0 : i32
    return %c0_i32, %arg0, %c0_i32_0 : i32, i32, i32
  }
  func.func @transform_1(%arg0: i32) -> (i32, i32) {
    %c0_i32 = arith.constant 0 : i32
    %c0_i32_0 = arith.constant 0 : i32
    %c0_i32_1 = arith.constant 0 : i32
    return %c0_i32, %c0_i32_0 : i32, i32
  }
  func.func @transform_2(%arg0: i32) -> (i32, i32) {
    %c0_i32 = arith.constant 0 : i32
    %c0_i32_0 = arith.constant 0 : i32
    %c0_i32_1 = arith.constant 0 : i32
    return %c0_i32, %c0_i32_0 : i32, i32
  }
  func.func @transform_3(%arg0: i32) -> (i32, i32) {
    %c0_i32 = arith.constant 0 : i32
    %c0_i32_0 = arith.constant 0 : i32
    return %arg0, %c0_i32 : i32, i32
  }
}

</mosaic_0001>

<sc_bundles>
// kernel: kernel.6.cloned.1.call-start
scs
__scs_entry_jumppad:
0x0: {  	(pc) =	sbr.rel $0x88, $3  }
0x1: {  	(tag) =	ssettag $0x0;
	lr =	simm.s32 $0x1  }
0x2: {  	[smem:$0x3F9B] =	sst lr;
	_ =	strace $0xD0000000  }
0x3: {  	_ = 	snop  }
0x4: {  	_ = 	snop  }
0x5: {  	_ = 	snop  }
0x6: {  	_ = 	snop  }
0x7: {  	_ = 	snop  }
__scs_overlays_trampoline_lowered:
0x8: {  	[smem:$0x3FAA] =	sst s0  }
0x9: {  	[smem:$0x3FAB] =	sst s1  }
0xa: {  	[smem:$0x3FAC] =	sst s2  }
0xb: {  	[smem:$0x3FAD] =	sst s3  }
0xc: {  	[smem:$0x3FAE] =	sst s4  }
0xd: {  	[smem:$0x3FAF] =	sst s5  }
0xe: {  	[smem:$0x3FB0] =	sst s6  }
0xf: {  	[smem:$0x3FB1] =	sst s7  }
0x10: {  	[smem:$0x3FB2] =	sst s8  }
0x11: {  	[smem:$0x3FB3] =	sst s9;
	s0 =	simm.s32 @!p0 $0x0  }
0x12: {  	s1 =	sld [smem:$0x3F99];
	s0 =	simm.s32 @p0 $0x1  }
0x13: {  	[smem:$0x3FB4] =	sst s0;
	s0 =	simm.s32 @!p1 $0x0  }
0x14: {  	s2 =	sld [smem:$0x3F98];
	s0 =	simm.s32 @p1 $0x1  }
0x15: {  	[smem:$0x3FB5] =	sst s0;
	s0 =	simm.s32 @!p2 $0x0  }
0x16: {  	s3 =	sld [smem:$0x3FDB];
	s0 =	simm.s32 @p2 $0x1  }
0x17: {  	s4 =	simm.s32 $0x1BF5;
	[smem:$0x3FB7] =	sst s0  }
0x18: {  	s0 =	sld [smem:$0x3F9A];
	_ =	swait.ge [sflag:s4], $0x0  }
0x19: {  	s7 =	sld [smem:$0x3F9B]  }
0x1a: {  	s8 =	sadd.s32 $0xFFFFE003, lr  }
0x1b: {  	s9 =	sadd.s32 $0xFFFFFEF7, lr;
	s5 =	simm.s32 $0xFFFFFFFF;
	p2 =	slt.u32 s8, $0xFFFFF086  }
0x1c: {  	p1 =	slt.u32 s9, $0xF7A;
	s5 =	simm.s32 @!p2 $0x0  }
0x1d: {  	s5 =	simm.s32 @p1 $0x1;
	p0 =	seq.s32 s7, s2  }
0x1e: {  	s7 =	smul.u32 @!p0 $0xF7A, s2;
	p2 =	seq.s32 @!p0 s5, $0x0  }
0x1f: {  	s9 =	smul.u32 $0xF7A, s1;
	s8 =	simm.s32 @!p0 $0x1BF5;
	p2 =	por !p2, p0  }
0x20: {  	[sflag:s8] =	ssyncset.s32 @!p0 $0xFFFFF086;
	s6 =	sadd.s32 @!p0 s3, s7;
	s7 =	simm.s32 @!p0 $0x108  }
0x21: {  	s3 =	sadd.s32 s3, s9;
	s6 =	sadd.s32 @!p0 $0x88, s6;
	s7 =	simm.s32 @p2 $0x1082  }
0x22: {  	[simem:s7], [sflag:s8] =	dma.local @!p0 [hbm:s6], $0xF7A  }
0x23: {  	s9 =	sor.u32 $0xD0000000, s2;
	s6 =	simm.s32 $0x108;
	_ =	swait.ge @!p0 [sflag:s8], $0x0  }
0x24: {  	s3 =	sadd.s32 $0x88, s3;
	s6 =	simm.s32 @!p1 $0x1082;
	[sflag:s4] =	ssyncset.s32 $0xFFFFF086  }
0x25: {  	[simem:s6], [sflag:s4] =	dma.local [hbm:s3], $0xF7A  }
0x26: {  	[smem:$0x3F9B] =	sst s1;
	(tag) =	ssettag s2;
	_ =	strace s9  }
0x27: {  	s1 =	sld [smem:$0x3FAB]  }
0x28: {  	s2 =	sld [smem:$0x3FAC]  }
0x29: {  	s4 =	sld [smem:$0x3FAE]  }
0x2a: {  	p0 =	seq.s32 s5, $0x0;
	s5 =	sld [smem:$0x3FAF]  }
0x2b: {  	s6 =	sld [smem:$0x3FB0]  }
0x2c: {  	s7 =	sld [smem:$0x3FB1]  }
0x2d: {  	s3 =	simm.s32 $0x108;
	s8 =	sld [smem:$0x3FB2]  }
0x2e: {  	s3 =	simm.s32 @!p0 $0x1082;
	s9 =	sld [smem:$0x3FB3]  }
0x2f: {  	lr =	sadd.s32 s0, s3;
	s0 =	sld [smem:$0x3FAA]  }
0x30: {  	s3 =	sld [smem:$0x3FAD]  }
0x31: {  	[smem:$0x3FB6] =	sst s10  }
0x32: {  	s10 =	sld [smem:$0x3FB4];
	_ =	sdelay $0x3  }
0x33: {  	p0 =	seq.s32 s10, $0x1;
	s10 =	sld [smem:$0x3FB6];
	_ =	sdelay $0x3  }
0x34: {  	[smem:$0x3FB6] =	sst s10  }
0x35: {  	s10 =	sld [smem:$0x3FB5];
	_ =	sdelay $0x3  }
0x36: {  	p1 =	seq.s32 s10, $0x1;
	s10 =	sld [smem:$0x3FB6];
	_ =	sdelay $0x3  }
0x37: {  	[smem:$0x3FB6] =	sst s10  }
0x38: {  	s10 =	sld [smem:$0x3FB7]  }
0x39: {  	_ = 	snop;
	(pc) =	sbr.ind lr, $3  }
0x3a: {  	_ = 	snop  }
0x3b: {  	_ = 	snop  }
0x3c: {  	p2 =	seq.s32 s10, $0x1;
	s10 =	sld [smem:$0x3FB6]  }
0x3d: {  	_ =	shalt  }
0x3e: {  	_ =	shalt  }
0x3f: {  	_ =	shalt  }
0x40: {  	_ =	shalt  }
0x41: {  	_ =	shalt  }
0x42: {  	_ =	shalt  }
0x43: {  	_ =	shalt  }
0x44: {  	_ =	shalt  }
0x45: {  	_ =	shalt  }
0x46: {  	_ =	shalt  }
0x47: {  	_ =	shalt  }
0x48: {  	_ =	shalt  }
0x49: {  	_ =	shalt  }
0x4a: {  	_ =	shalt  }
0x4b: {  	_ =	shalt  }
0x4c: {  	_ =	shalt  }
0x4d: {  	_ =	shalt  }
0x4e: {  	_ =	shalt  }
0x4f: {  	_ =	shalt  }
0x50: {  	_ =	shalt  }
0x51: {  	_ =	shalt  }
0x52: {  	_ =	shalt  }
0x53: {  	_ =	shalt  }
0x54: {  	_ =	shalt  }
0x55: {  	_ =	shalt  }
0x56: {  	_ =	shalt  }
0x57: {  	_ =	shalt  }
0x58: {  	_ =	shalt  }
0x59: {  	_ =	shalt  }
0x5a: {  	_ =	shalt  }
0x5b: {  	_ =	shalt  }
0x5c: {  	_ =	shalt  }
0x5d: {  	_ =	shalt  }
0x5e: {  	_ =	shalt  }
0x5f: {  	_ =	shalt  }
0x60: {  	_ =	shalt  }
0x61: {  	_ =	shalt  }
0x62: {  	_ =	shalt  }
0x63: {  	_ =	shalt  }
0x64: {  	_ =	shalt  }
0x65: {  	_ =	shalt  }
0x66: {  	_ =	shalt  }
0x67: {  	_ =	shalt  }
0x68: {  	_ =	shalt  }
0x69: {  	_ =	shalt  }
0x6a: {  	_ =	shalt  }
0x6b: {  	_ =	shalt  }
0x6c: {  	_ =	shalt  }
0x6d: {  	_ =	shalt  }
0x6e: {  	_ =	shalt  }
0x6f: {  	_ =	shalt  }
0x70: {  	_ =	shalt  }
0x71: {  	_ =	shalt  }
0x72: {  	_ =	shalt  }
0x73: {  	_ =	shalt  }
0x74: {  	_ =	shalt  }
0x75: {  	_ =	shalt  }
0x76: {  	_ =	shalt  }
0x77: {  	_ =	shalt  }
0x78: {  	_ =	shalt  }
0x79: {  	_ =	shalt  }
0x7a: {  	_ =	shalt  }
0x7b: {  	_ =	shalt  }
0x7c: {  	_ =	shalt  }
0x7d: {  	_ =	shalt  }
0x7e: {  	_ =	shalt  }
0x7f: {  	_ =	shalt  }
0x80: {  	_ =	shalt  }
0x81: {  	_ =	shalt  }
0x82: {  	_ =	shalt  }
0x83: {  	_ =	shalt  }
0x84: {  	_ =	shalt  }
0x85: {  	_ =	shalt  }
0x86: {  	_ =	shalt  }
0x87: {  	_ =	shalt  }
.Lfunc_end0:
.L_simem_size_0:
called_computation_lowered:
.L_overlay_start_0:
0x88: {  	s2 =	sld [smem:$0x3FD9]  }
0x89: {  	s3 =	sld [smem:$0x3FFE];
	_ =	sdelay $0x1  }
0x8a: {  	s1 =	srdreg.scid  }
0x8b: {  	s0 =	sand.u32 $0x1, s1  }
0x8c: {  	s17 =	sshll.u32 s0, $0xA;
	s2 =	sadd.s32 s3, s2  }
0x8d: {  	s2 =	sadd.s32 s2, s17  }
0x8e: {  	[smem:$0x3FC2] =	sst s2  }
0x8f: {  	_ = 	snop  }
0x90: {  	s2 =	sld [smem:$0x3FD0];
	(tm) =	ssettm $0x1  }
0x91: {  	s18 =	sld [smem:$0x3FFB];
	_ =	sdelay $0x3  }
0x92: {  	_ =	strace s18  }
0x93: {  	s3 =	sld [smem:$0x3FFC];
	_ =	sdelay $0x3  }
0x94: {  	_ =	strace s3  }
0x95: {  	s3 =	sld [smem:$0x3FFD];
	_ =	sdelay $0x3  }
0x96: {  	_ =	strace s3  }
0x97: {  	_ =	strace $0x8FFFFFFF  }
0x98: {  	s19 =	sld [smem:$0x3FDB];
	_ =	sdelay $0x1  }
0x99: {  	s4 =	simm.s32 $_scs_section_size  }
0x9a: {  	s5 =	simm.s32 $_size__tile_overlayer_lowered;
	s6 =	simm.s32 $_tile_overlayer_lowered  }
0x9b: {  	s22 =	simm.s32 $0x1BFF;
	s21 =	sshll.u32 s6, $0x1;
	s3 =	sadd.s32 s4, s19  }
0x9c: {  	s7 =	simm.s32 $0x0;
	s20 =	sshll.u32 s5, $0x1;
	s5 =	sadd.s32 s21, s3  }
0x9d: {  	[timem:s7], [sflag:s22] =	dma.local [hbm:s5], s20  }
0x9e: {  	_ =	swait.ge [sflag:s22], s20  }
0x9f: {  	s4 =	ssub.s32 $0x0, s20;
	[sflag:s22] =	ssyncset.done $0x0  }
0xa0: {  	[sflag:s22] =	ssyncadd.s32 s4;
	_ =	sdelay $0x1  }
0xa1: {  	s23 =	simm.s32 $0x1B8B  }
0xa2: {  	_ =	swait.ge [sflag:s23], $0x1  }
0xa3: {  	[sflag:s23] =	ssyncset.done $0x0  }
0xa4: {  	s25 =	simm.s32 $0x1B8E;
	s24 =	sld [smem:$0x3FFE];
	[sflag:s23] =	ssyncadd.s32 $0xFFFFFFFF  }
0xa5: {  	s26 =	simm.s32 $execute0_lowered;
	[smem:$0x3FD2] =	sst s25  }
0xa6: {  	s5 =	sshll.u32 s26, $0x1;
	_ =	strace $0x80000046;
	[dreg:$0x1] =	wrdreg $0xFFFFFFFF  }
0xa7: {  	s28 =	simm.s32 $_size_execute0_lowered;
	s3 =	sadd.s32 s3, s5;
	[dreg:$0x0] =	wrdreg $0x0  }
0xa8: {  	s5 =	sshll.u32 s28, $0x1;
	[dreg:$0x2] =	wrdreg s3  }
0xa9: {  	[dreg:$0x3] =	wrdreg s5  }
0xaa: {  	[dreg:$0x4] =	wrdreg $0xC0  }
0xab: {  	_ =	task [dreg:s7], $0x5FFFF  }
0xac: {  	[dreg:$0x1] =	wrdreg $0xFFFFFFFF  }
0xad: {  	[dreg:$0x0] =	wrdreg $0x60  }
0xae: {  	[dreg:$0x2] =	wrdreg s2  }
0xaf: {  	[dreg:$0x3] =	wrdreg s24  }
0xb0: {  	[dreg:$0x4] =	wrdreg $0x19A800  }
0xb1: {  	[dreg:$0x5] =	wrdreg $0x1C2800  }
0xb2: {  	[dreg:$0x6] =	wrdreg $0x9  }
0xb3: {  	_ =	task.clear_ibuf [dreg:s7], $0x7FFFF;
	_ =	strace $0x90000046  }
0xb4: {  	s29 =	simm.s32 $0x9;
	_ =	strace $0x80000048  }
0xb5: {  	_ =	swait.ge [sflag:s29], $0x1  }
0xb6: {  	[sflag:s29] =	ssyncadd.s32 $0xFFFFFFFF  }
0xb7: {  	_ =	strace $0x90000048  }
0xb8: {  	_ =	sfence  }
0xb9: {  	s30 =	sld [smem:$0x0];
	_ =	sdelay $0x2  }
0xba: {  	s31 =	sshll.u32 s1, $0xD;
	s1 =	sshrl.u32 s1, $0x2  }
0xbb: {  	s3 =	sand.u32 $0x4000, s31;
	s1 =	sadd.s32 s1, s30  }
0xbc: {  	s0 =	sor.u32 s3, s0;
	s1 =	sshll.u32 s1, $0x11  }
0xbd: {  	s0 =	sor.u32 s1, s0  }
0xbe: {  	s0 =	sadd.s32 $0x8F2B, s0  }
0xbf: {  	[sflag:s0] =	ssyncadd.remote.s32 $0x1  }
0xc0: {  	_ =	sfence.sel $0xFFFF  }
0xc1: {  	[dreg:$0x0] =	wrdreg $0xFFFFFFFF;
	(pc) =	sbr.abs _section_cstart, $3  }
0xc2: {  	[dreg:$0x1] =	wrdreg $0xFFFFFFFF  }
0xc3: {  	_ =	task.clear_ibuf [dreg:s7], $0x2FFFF;
	_ =	strace $0x9FFFFFFF  }
0xc4: {  	(tm) =	ssettm $0x7FFFFFFF  }
0xc5: {  	_ =	shalt  }
tec
execute0_lowered:
.L_overlay_start_1:
0x0: {  	(tag) =	ssettag $0x1  }
0x1: {  	s0 =	rddreg [dreg:$0x0]  }
0x2: {  	s1 =	rddreg [dreg:$0x1]  }
0x3: {  	s2 =	rddreg [dreg:$0x2];
	s4 =	srdreg.scid  }
0x4: {  	s15 =	stileid.u32;
	s3 =	rddreg [dreg:$0x3]  }
0x5: {  	s5 =	sand.u32 $0x1, s4;
	s6 =	sshll.u32 s15, $0x1;
	s7 =	smul.u32 $0x2800, s15  }
0x6: {  	s4 =	simm.s32 $0x0;
	s9 =	sadd.s32 $0xA00, s1;
	s12 =	smul.u32 $0x500, s15  }
0x7: {  	s16 =	smul.u32 $0xA00, s15;
	s6 =	sor.u32 s5, s6;
	[smem:$0x7FF] =	sst s4  }
0x8: {  	s10 =	smul.u32 $0x5000, s5;
	s11 =	ssub.s32 $0x2, s5;
	p0 =	sne.s32 s5, $0x0  }
0x9: {  	s5 =	simm.s32 $0x2800;
	s6 =	smul.u32 $0x280, s6;
	_ =	strace $0x80000047  }
0xa: {  	s13 =	sshrl.u32 s7, $0x3;
	s14 =	sshrl.u32 s11, $0x1;
	s12 =	sadd.s32 s9, s12  }
0xb: {  	s18 =	sshrl.u32 s16, $0x2;
	s10 =	sadd.s32 s10, s1;
	s14 =	ssub.s32 s11, s14  }
0xc: {  	[dreg:$0x5] =	wrdreg s12;
	s0 =	sadd.s32 s0, s13;
	s11 =	sadd.s32 s7, s3  }
0xd: {  	s12 =	sadd.s32 s18, s2;
	s8 =	sadd.s32 s6, s1;
	s1 =	sadd.s32 s13, s1  }
0xe: {  	s6 =	sadd.s32 s9, s6;
	[dreg:$0x8] =	wrdreg s0;
	s9 =	sadd.s32 s7, s2  }
0xf: {  	s19 =	sadd.s32 $0xAA00, s10;
	s21 =	smax.u32 s14, $0x1;
	s22 =	sadd.s32 $0x2800, s12  }
0x10: {  	s23 =	sadd.s32 $0x5000, s12;
	s24 =	sadd.s32 $0x7800, s12;
	[dreg:$0x7] =	wrdreg s6  }
0x11: {  	s25 =	sadd.s32 $0xA000, s12;
	s26 =	sadd.s32 $0xC800, s12;
	[dreg:$0xa] =	wrdreg s21  }
0x12: {  	s31 =	sadd.s32 $0xF000, s12;
	s20 =	sadd.s32 $0x11800, s12;
	[dreg:$0xb] =	wrdreg s22  }
0x13: {  	s28 =	sadd.s32 $0x20800, s12;
	s29 =	sadd.s32 $0x23000, s12;
	[dreg:$0xc] =	wrdreg s23  }
0x14: {  	s30 =	sadd.s32 $0x25800, s12;
	s0 =	simm.s32 $0x7A80;
	[dreg:$0xd] =	wrdreg s24  }
0x15: {  	s7 =	simm.s32 $0xCA80;
	s10 =	simm.s32 $0x2;
	[dreg:$0xe] =	wrdreg s25  }
0x16: {  	s8 =	sadd.s32 $0x5A00, s8;
	s17 =	sadd.s32 $0x14A00, s1;
	[dreg:$0xf] =	wrdreg s26  }
.Ltmp0:
0x17: {  	[dreg:$0x10] =	wrdreg s31;
	s21 =	sadd.s32 $0x14000, s12;
	(pc) =	sbr.rel .LBB2_1-.Ltmp0, $4  }
0x18: {  	s22 =	sadd.s32 $0x16800, s12;
	s23 =	sadd.s32 $0x19000, s12;
	s24 =	sadd.s32 s13, s19  }
0x19: {  	s25 =	sadd.s32 $0x1B800, s12;
	s26 =	sadd.s32 $0x1E000, s12;
	s19 =	simm.s32 $0xF280  }
0x1a: {  	s1 =	simm.s32 $0x1;
	s6 =	simm.s32 $0x3;
	[dreg:$0x6] =	wrdreg s8  }
0x1b: {  	v0 =	vimm.f32 $0.0e+00;
	v1 =	vimm.f32 $1.000000000e+00;
	s13 =	simm.s32 $0x0;
	[dreg:$0x9] =	wrdreg s17;
	s8 =	simm.s32 $0x80  }
.LBB2_19:
0x1c: {  	v3 =	vld [tilespmem:s14+$0xCA80];
	_ =	sdelay $0x1  }
0x1d: {  	v4 =	vld [tilespmem:s14+$0xA280];
	_ =	sdelay $0x2  }
0x1e: {  	v2 =	vadd.f32 v2, v3;
	_ =	sdelay $0x1  }
0x1f: {  	v2 =	vmul.f32 v2, v4;
	_ =	sdelay $0x1  }
0x20: {  	[tilespmem:s14+$0xCA80] =	vst v2  }
.LBB2_20:
0x21: {  	[hbm4b:s24+s4] =	stream.linear.scatter [tilespmem:s7], [sflag:$0x3], $0x2800, $0x38;
	[tilespmem:$0x1EA80] =	vst v63  }
0x22: {  	_ =	swait.ge [sflag:s6], $0x2800  }
0x23: {  	s13 =	sadd.s32 $0x1, s13;
	s14 =	rddreg [dreg:$0xa]  }
0x24: {  	p1 =	sne.s32 s13, s14  }
.Ltmp1:
0x25: {  	_ = 	snop;
	(pc) =	sbr.rel @!p1 .LBB2_21-.Ltmp1, $3  }
0x26: {  	_ =	sdelay $0x1  }
0x27: {  	[sflag:s6] =	ssyncset.done $0x0  }
0x28: {  	[sflag:s6] =	ssyncadd.s32 $0xFFFFD800  }
.LBB2_1:
0x29: {  	s14 =	rddreg [dreg:$0x5]  }
0x2a: {  	[tilespmem:s4], [sflag:$0x1] =	stream.linear.gather [hbm4b:s14+s4], $0x2800, $0x38;
	[tilespmem:$0x1EA80] =	vst v63  }
0x2b: {  	s18 =	rddreg [dreg:$0x6]  }
0x2c: {  	[tilespmem:s19], [sflag:$0x1] =	stream.linear.gather [hbm4b:s18+s4], $0x1400, $0x38;
	[tilespmem:$0x1EA80] =	vst v63  }
0x2d: {  	s15 =	simm.s32 $0x10680;
	s19 =	rddreg [dreg:$0x7]  }
0x2e: {  	[tilespmem:s15], [sflag:$0x1] =	stream.linear.gather [hbm4b:s19+s4], $0x1400, $0x38;
	[tilespmem:$0x1EA80] =	vst v63  }
0x2f: {  	s31 =	rddreg [dreg:$0x8];
	s14 =	simm.s32 $0x40;
	s15 =	simm.s32 $0x0  }
0x30: {  	[tilespmem:s0], [sflag:$0x1] =	stream.linear.gather [hbm4b:s31+s4], $0x2800, $0x38;
	[tilespmem:$0x1EA80] =	vst v63  }
.LBB2_2:
0x31: {  	p1 =	sne.s32 s14, $0x9FC0;
	[tilespmem:s15+$0x2800] =	vst v0;
	s15 =	smov.u32 s14;
	s14 =	sadd.s32 $0x40, s14  }
.Ltmp2:
0x32: {  	(pc) =	sbr.rel @p1 .LBB2_2-.Ltmp2, $2  }
0x33: {  	_ =	sdelay $0x2  }
0x34: {  	s15 =	sshra.s32 s15, $0x2  }
0x35: {  	[tilespmem:s15+$0x2800] =	vst v0  }
0x36: {  	_ =	swait.ge [sflag:s1], $0x2800  }
0x37: {  	[sflag:s1] =	ssyncset.done $0x0  }
0x38: {  	[sflag:s1] =	ssyncadd.s32 $0xFFFFD800  }
0x39: {  	_ =	swait.ge [sflag:s1], $0x1400  }
0x3a: {  	[sflag:s1] =	ssyncset.done $0x0  }
0x3b: {  	[sflag:s1] =	ssyncadd.s32 $0xFFFFEC00  }
0x3c: {  	_ =	swait.ge [sflag:s1], $0x1400  }
0x3d: {  	[sflag:s1] =	ssyncset.done $0x0  }
0x3e: {  	[sflag:s1] =	ssyncadd.s32 $0xFFFFEC00  }
0x3f: {  	_ =	swait.ge [sflag:s1], $0x2800  }
0x40: {  	[sflag:s1] =	ssyncset.done $0x0  }
0x41: {  	s14 =	simm.s32 $0x1C0;
	[sflag:s1] =	ssyncadd.s32 $0xFFFFD800  }
.LBB2_4:
0x42: {  	s15 =	sshra.s32 s14, $0x2  }
0x43: {  	v2 =	vld [tilespmem:s15+$0xFFFFFF90];
	_ =	sdelay $0x7  }
0x44: {  	[tilespmem:v2+s5+$0x0] =	vst.idx.add.f32.msk $0xffff, v1  }
0x45: {  	v2 =	vld [tilespmem:s15+$0xFFFFFFA0];
	_ =	sdelay $0x7  }
0x46: {  	[tilespmem:v2+s5+$0x0] =	vst.idx.add.f32.msk $0xffff, v1  }
0x47: {  	v2 =	vld [tilespmem:s15+$0xFFFFFFB0];
	_ =	sdelay $0x7  }
0x48: {  	[tilespmem:v2+s5+$0x0] =	vst.idx.add.f32.msk $0xffff, v1  }
0x49: {  	v2 =	vld [tilespmem:s15+$0xFFFFFFC0];
	_ =	sdelay $0x7  }
0x4a: {  	[tilespmem:v2+s5+$0x0] =	vst.idx.add.f32.msk $0xffff, v1  }
0x4b: {  	v2 =	vld [tilespmem:s15+$0xFFFFFFD0];
	_ =	sdelay $0x7  }
0x4c: {  	[tilespmem:v2+s5+$0x0] =	vst.idx.add.f32.msk $0xffff, v1  }
0x4d: {  	v2 =	vld [tilespmem:s15+$0xFFFFFFE0];
	_ =	sdelay $0x7  }
0x4e: {  	[tilespmem:v2+s5+$0x0] =	vst.idx.add.f32.msk $0xffff, v1  }
0x4f: {  	v2 =	vld [tilespmem:s15+$0xFFFFFFF0];
	_ =	sdelay $0x7  }
0x50: {  	[tilespmem:v2+s5+$0x0] =	vst.idx.add.f32.msk $0xffff, v1  }
0x51: {  	v2 =	vld [tilespmem:s15+$0x0];
	_ =	sdelay $0x2  }
0x52: {  	p1 =	sne.s32 s14, $0x9FC0  }
.Ltmp3:
0x53: {  	_ = 	snop;
	(pc) =	sbr.rel @p1 .LBB2_4-.Ltmp3, $2  }
0x54: {  	_ =	sdelay $0x2  }
0x55: {  	s14 =	sadd.s32 $0x200, s14;
	[tilespmem:v2+s5+$0x0] =	vst.idx.add.f32.msk $0xffff, v1  }
0x56: {  	[spmem:s9] =	stream.linear.scatter [tilespmem:s5], [sflag:$0x3], $0x2800, $0x38;
	[tilespmem:$0x1EA80] =	vst v63  }
0x57: {  	_ =	swait.ge [sflag:s6], $0x2800  }
0x58: {  	[sflag:s6] =	ssyncset.done $0x0  }
0x59: {  	[sflag:s6] =	ssyncadd.s32 $0xFFFFD800  }
0x5a: {  	s14 =	simm.s32 $0x5000;
	[bflag:$0x0] =	sbarrier.arrive $0xFFFF  }
0x5b: {  	[tilespmem:s14], [sflag:$0x1] =	stream.linear.gather [spmem:s12], $0x280, $0x38;
	[tilespmem:$0x1EA80] =	vst v63  }
0x5c: {  	s15 =	simm.s32 $0x5280;
	s17 =	rddreg [dreg:$0xb]  }
0x5d: {  	[tilespmem:s15], [sflag:$0x1] =	stream.linear.gather [spmem:s17], $0x280, $0x38;
	[tilespmem:$0x1EA80] =	vst v63  }
0x5e: {  	s19 =	simm.s32 $0x5500;
	s18 =	rddreg [dreg:$0xc]  }
0x5f: {  	[tilespmem:s19], [sflag:$0x1] =	stream.linear.gather [spmem:s18], $0x280, $0x38;
	[tilespmem:$0x1EA80] =	vst v63  }
0x60: {  	s16 =	rddreg [dreg:$0xd];
	s17 =	simm.s32 $0x5780  }
0x61: {  	[tilespmem:s17], [sflag:$0x1] =	stream.linear.gather [spmem:s16], $0x280, $0x38;
	[tilespmem:$0x1EA80] =	vst v63  }
0x62: {  	s18 =	rddreg [dreg:$0xe];
	s19 =	simm.s32 $0x5A00  }
0x63: {  	[tilespmem:s19], [sflag:$0x1] =	stream.linear.gather [spmem:s18], $0x280, $0x38;
	[tilespmem:$0x1EA80] =	vst v63  }
0x64: {  	s16 =	rddreg [dreg:$0xf];
	s17 =	simm.s32 $0x5C80  }
0x65: {  	[tilespmem:s17], [sflag:$0x1] =	stream.linear.gather [spmem:s16], $0x280, $0x38;
	[tilespmem:$0x1EA80] =	vst v63  }
0x66: {  	s18 =	rddreg [dreg:$0x10];
	s19 =	simm.s32 $0x5F00  }
0x67: {  	[tilespmem:s19], [sflag:$0x1] =	stream.linear.gather [spmem:s18], $0x280, $0x38;
	[tilespmem:$0x1EA80] =	vst v63  }
0x68: {  	s16 =	simm.s32 $0x6180  }
0x69: {  	[tilespmem:s16], [sflag:$0x1] =	stream.linear.gather [spmem:s20], $0x280, $0x38;
	[tilespmem:$0x1EA80] =	vst v63  }
0x6a: {  	s17 =	simm.s32 $0x6400  }
0x6b: {  	[tilespmem:s17], [sflag:$0x1] =	stream.linear.gather [spmem:s21], $0x280, $0x38;
	[tilespmem:$0x1EA80] =	vst v63  }
0x6c: {  	s18 =	simm.s32 $0x6680  }
0x6d: {  	[tilespmem:s18], [sflag:$0x1] =	stream.linear.gather [spmem:s22], $0x280, $0x38;
	[tilespmem:$0x1EA80] =	vst v63  }
0x6e: {  	s19 =	simm.s32 $0x6900  }
0x6f: {  	[tilespmem:s19], [sflag:$0x1] =	stream.linear.gather [spmem:s23], $0x280, $0x38;
	[tilespmem:$0x1EA80] =	vst v63  }
0x70: {  	s15 =	simm.s32 $0x6B80  }
0x71: {  	[tilespmem:s15], [sflag:$0x1] =	stream.linear.gather [spmem:s25], $0x280, $0x38;
	[tilespmem:$0x1EA80] =	vst v63  }
0x72: {  	s16 =	simm.s32 $0x6E00  }
0x73: {  	[tilespmem:s16], [sflag:$0x1] =	stream.linear.gather [spmem:s26], $0x280, $0x38;
	[tilespmem:$0x1EA80] =	vst v63  }
0x74: {  	s17 =	simm.s32 $0x7080  }
0x75: {  	[tilespmem:s17], [sflag:$0x1] =	stream.linear.gather [spmem:s28], $0x280, $0x38;
	[tilespmem:$0x1EA80] =	vst v63  }
0x76: {  	s18 =	simm.s32 $0x7300  }
0x77: {  	[tilespmem:s18], [sflag:$0x1] =	stream.linear.gather [spmem:s29], $0x280, $0x38;
	[tilespmem:$0x1EA80] =	vst v63  }
0x78: {  	s19 =	simm.s32 $0x7580  }
0x79: {  	[tilespmem:s19], [sflag:$0x1] =	stream.linear.gather [spmem:s30], $0x280, $0x38;
	[tilespmem:$0x1EA80] =	vst v63  }
0x7a: {  	_ =	swait.ge [sflag:s1], $0x280  }
0x7b: {  	[sflag:s1] =	ssyncset.done $0x0  }
0x7c: {  	[sflag:s1] =	ssyncadd.s32 $0xFFFFFD80  }
0x7d: {  	_ =	swait.ge [sflag:s1], $0x280  }
0x7e: {  	[sflag:s1] =	ssyncset.done $0x0  }
0x7f: {  	[sflag:s1] =	ssyncadd.s32 $0xFFFFFD80  }
0x80: {  	_ =	swait.ge [sflag:s1], $0x280  }
0x81: {  	[sflag:s1] =	ssyncset.done $0x0  }
0x82: {  	[sflag:s1] =	ssyncadd.s32 $0xFFFFFD80  }
0x83: {  	_ =	swait.ge [sflag:s1], $0x280  }
0x84: {  	[sflag:s1] =	ssyncset.done $0x0  }
0x85: {  	[sflag:s1] =	ssyncadd.s32 $0xFFFFFD80  }
0x86: {  	_ =	swait.ge [sflag:s1], $0x280  }
0x87: {  	[sflag:s1] =	ssyncset.done $0x0  }
0x88: {  	[sflag:s1] =	ssyncadd.s32 $0xFFFFFD80  }
0x89: {  	_ =	swait.ge [sflag:s1], $0x280  }
0x8a: {  	[sflag:s1] =	ssyncset.done $0x0  }
0x8b: {  	[sflag:s1] =	ssyncadd.s32 $0xFFFFFD80  }
0x8c: {  	_ =	swait.ge [sflag:s1], $0x280  }
0x8d: {  	[sflag:s1] =	ssyncset.done $0x0  }
0x8e: {  	[sflag:s1] =	ssyncadd.s32 $0xFFFFFD80  }
0x8f: {  	_ =	swait.ge [sflag:s1], $0x280  }
0x90: {  	[sflag:s1] =	ssyncset.done $0x0  }
0x91: {  	[sflag:s1] =	ssyncadd.s32 $0xFFFFFD80  }
0x92: {  	_ =	swait.ge [sflag:s1], $0x280  }
0x93: {  	[sflag:s1] =	ssyncset.done $0x0  }
0x94: {  	[sflag:s1] =	ssyncadd.s32 $0xFFFFFD80  }
0x95: {  	_ =	swait.ge [sflag:s1], $0x280  }
0x96: {  	[sflag:s1] =	ssyncset.done $0x0  }
0x97: {  	[sflag:s1] =	ssyncadd.s32 $0xFFFFFD80  }
0x98: {  	_ =	swait.ge [sflag:s1], $0x280  }
0x99: {  	[sflag:s1] =	ssyncset.done $0x0  }
0x9a: {  	[sflag:s1] =	ssyncadd.s32 $0xFFFFFD80  }
0x9b: {  	_ =	swait.ge [sflag:s1], $0x280  }
0x9c: {  	[sflag:s1] =	ssyncset.done $0x0  }
0x9d: {  	[sflag:s1] =	ssyncadd.s32 $0xFFFFFD80  }
0x9e: {  	_ =	swait.ge [sflag:s1], $0x280  }
0x9f: {  	[sflag:s1] =	ssyncset.done $0x0  }
0xa0: {  	[sflag:s1] =	ssyncadd.s32 $0xFFFFFD80  }
0xa1: {  	_ =	swait.ge [sflag:s1], $0x280  }
0xa2: {  	[sflag:s1] =	ssyncset.done $0x0  }
0xa3: {  	[sflag:s1] =	ssyncadd.s32 $0xFFFFFD80  }
0xa4: {  	_ =	swait.ge [sflag:s1], $0x280  }
0xa5: {  	[sflag:s1] =	ssyncset.done $0x0  }
0xa6: {  	[sflag:s1] =	ssyncadd.s32 $0xFFFFFD80  }
0xa7: {  	_ =	swait.ge [sflag:s1], $0x280  }
0xa8: {  	[sflag:s1] =	ssyncset.done $0x0  }
0xa9: {  	[sflag:s1] =	ssyncadd.s32 $0xFFFFFD80  }
0xaa: {  	s14 =	simm.s32 $0x0;
	[bflag:$0x0] =	sbarrier.arrive $0xFFFF  }
0xab: {  	v2 =	vld [tilespmem:s14+$0x5000];
	_ =	sdelay $0x1  }
0xac: {  	v3 =	vld [tilespmem:s14+$0x5280];
	_ =	sdelay $0x1  }
0xad: {  	v4 =	vld [tilespmem:s14+$0x5500]  }
0xae: {  	v2 =	vadd.f32 $1.000000000e+00, v2  }
0xaf: {  	v5 =	vld [tilespmem:s14+$0x5780]  }
0xb0: {  	v2 =	vadd.f32 v3, v2  }
0xb1: {  	v3 =	vld [tilespmem:s14+$0x5A00]  }
0xb2: {  	v2 =	vadd.f32 v4, v2  }
0xb3: {  	v4 =	vld [tilespmem:s14+$0x5C80]  }
0xb4: {  	v2 =	vadd.f32 v5, v2  }
0xb5: {  	v5 =	vld [tilespmem:s14+$0x5F00]  }
0xb6: {  	v6 =	vld [tilespmem:s14+$0x6400];
	v2 =	vadd.f32 v3, v2  }
0xb7: {  	v3 =	vld [tilespmem:s14+$0x6180]  }
0xb8: {  	s15 =	simm.s32 $0x10;
	v7 =	vld [tilespmem:s14+$0x6680];
	v2 =	vadd.f32 v4, v2  }
0xb9: {  	v4 =	vld [tilespmem:s15+$0x5000]  }
0xba: {  	v8 =	vld [tilespmem:s14+$0x6900];
	v2 =	vadd.f32 v5, v2  }
0xbb: {  	v5 =	vld [tilespmem:s15+$0x5280]  }
0xbc: {  	v9 =	vld [tilespmem:s14+$0x6B80];
	v2 =	vadd.f32 v3, v2  }
0xbd: {  	v3 =	vld [tilespmem:s15+$0x5500]  }
0xbe: {  	v10 =	vld [tilespmem:s14+$0x7580];
	v4 =	vadd.f32 $1.000000000e+00, v4;
	v2 =	vadd.f32 v6, v2  }
0xbf: {  	v6 =	vld [tilespmem:s15+$0x5780]  }
0xc0: {  	v4 =	vadd.f32 v5, v4;
	v5 =	vld [tilespmem:s15+$0x5A00];
	v2 =	vadd.f32 v7, v2  }
0xc1: {  	v7 =	vld [tilespmem:s14+$0x6E00]  }
0xc2: {  	v3 =	vadd.f32 v3, v4;
	v4 =	vld [tilespmem:s15+$0x5C80];
	v2 =	vadd.f32 v8, v2  }
0xc3: {  	v8 =	vld [tilespmem:s14+$0x7080]  }
0xc4: {  	v3 =	vadd.f32 v6, v3;
	v6 =	vld [tilespmem:s15+$0x5F00];
	v2 =	vadd.f32 v9, v2  }
0xc5: {  	s16 =	simm.s32 $0x20;
	v9 =	vld [tilespmem:s14+$0x7300]  }
0xc6: {  	v11 =	vld [tilespmem:s16+$0x5780];
	v3 =	vadd.f32 v5, v3;
	v2 =	vadd.f32 v7, v2  }
0xc7: {  	v5 =	vld [tilespmem:s15+$0x6180]  }
0xc8: {  	v3 =	vadd.f32 v4, v3;
	v4 =	vld [tilespmem:s16+$0x5000];
	v2 =	vadd.f32 v8, v2  }
0xc9: {  	v7 =	vld [tilespmem:s15+$0x6400]  }
0xca: {  	v3 =	vadd.f32 v6, v3;
	v6 =	vld [tilespmem:s16+$0x5280];
	v2 =	vadd.f32 v9, v2  }
0xcb: {  	v8 =	vld [tilespmem:s15+$0x6680]  }
0xcc: {  	v3 =	vadd.f32 v5, v3;
	v5 =	vld [tilespmem:s16+$0x5500];
	v2 =	vadd.f32 v10, v2  }
0xcd: {  	v9 =	vld [tilespmem:s15+$0x6900];
	v4 =	vadd.f32 $1.000000000e+00, v4  }
0xce: {  	v13 =	vld [tilespmem:s15+$0x6E00];
	v7 =	vadd.f32 v7, v3;
	v12 =	vshra.s32 v2, $0x1;
	v3 =	vmul.f32 $5.000000000e-01, v2  }
0xcf: {  	v10 =	vld [tilespmem:s15+$0x6B80];
	v4 =	vadd.f32 v6, v4;
	v6 =	vsub.s32 $0x5F3759DF, v12  }
0xd0: {  	v7 =	vadd.f32 v8, v7;
	v8 =	vld [tilespmem:s16+$0x5A00];
	v12 =	vmul.f32 v6, v3  }
0xd1: {  	v14 =	vld [tilespmem:s16+$0x5C80];
	v4 =	vadd.f32 v5, v4  }
0xd2: {  	v2 =	vld [tilespmem:s15+$0x7580];
	v5 =	vadd.f32 v9, v7;
	v9 =	vmul.f32 v6, v12  }
0xd3: {  	v11 =	vadd.f32 v11, v4;
	v12 =	vld [tilespmem:s15+$0x7080]  }
0xd4: {  	v7 =	vld [tilespmem:s16+$0x5F00];
	v10 =	vadd.f32 v10, v5;
	v9 =	vsub.f32 $1.500000000e+00, v9  }
0xd5: {  	v4 =	vld [tilespmem:s15+$0x7300];
	v8 =	vadd.f32 v8, v11  }
0xd6: {  	s17 =	simm.s32 $0x30;
	v5 =	vld [tilespmem:s16+$0x6180];
	v13 =	vadd.f32 v13, v10;
	v9 =	vmul.f32 v6, v9  }
0xd7: {  	v11 =	vld [tilespmem:s17+$0x5000];
	v10 =	vadd.f32 v14, v8  }
0xd8: {  	s31 =	simm.s32 $0x0;
	s18 =	simm.s32 $0x100;
	v6 =	vld [tilespmem:s16+$0x6400];
	v8 =	vadd.f32 v12, v13;
	v12 =	vmul.f32 v9, v3  }
.LBB2_6:
0xd9: {  	p1 =	sne.s32 s18, $0x9C0;
	v7 =	vadd.f32 v7, v10;
	v10 =	vld [tilespmem:s16+$0x6680];
	s19 =	smov.u32 s16;
	s16 =	smov.u32 s17  }
0xda: {  	v13 =	vld [tilespmem:s16+$0x5280];
	v4 =	vadd.f32 v4, v8;
	v8 =	vmul.f32 v12, v9  }
0xdb: {  	v5 =	vadd.f32 v5, v7;
	v7 =	vld [tilespmem:s19+$0x6900]  }
0xdc: {  	v12 =	vld [tilespmem:s16+$0x5500];
	v2 =	vadd.f32 v2, v4;
	v4 =	vsub.f32 $1.500000000e+00, v8  }
0xdd: {  	v8 =	vadd.f32 $1.000000000e+00, v11;
	v5 =	vadd.f32 v6, v5;
	v6 =	vld [tilespmem:s19+$0x6B80]  }
0xde: {  	v11 =	vld [tilespmem:s16+$0x5780];
	v14 =	vshra.s32 v2, $0x1;
	v15 =	vmul.f32 $5.000000000e-01, v2;
	v16 =	vmul.f32 v4, v9  }
0xdf: {  	v4 =	vadd.f32 v13, v8;
	v5 =	vadd.f32 v10, v5;
	v2 =	vld [tilespmem:s19+$0x7580];
	v8 =	vsub.s32 $0x5F3759DF, v14  }
0xe0: {  	v9 =	vld [tilespmem:s16+$0x5A00];
	v10 =	vmul.f32 v8, v15;
	v13 =	vmul.f32 v16, v3;
	v3 =	vmov v15  }
0xe1: {  	v4 =	vadd.f32 v12, v4;
	v5 =	vadd.f32 v7, v5;
	v12 =	vld [tilespmem:s19+$0x6E00]  }
0xe2: {  	v14 =	vld [tilespmem:s16+$0x5C80];
	v10 =	vmul.f32 v8, v10;
	v13 =	vmul.f32 v13, v16  }
0xe3: {  	v4 =	vadd.f32 v11, v4;
	v6 =	vadd.f32 v6, v5;
	v15 =	vld [tilespmem:s19+$0x7080]  }
.Ltmp4:
0xe4: {  	v7 =	vld [tilespmem:s16+$0x5F00];
	v10 =	vsub.f32 $1.500000000e+00, v10;
	v11 =	vsub.f32 $1.500000000e+00, v13;
	(pc) =	sbr.rel @p1 .LBB2_6-.Ltmp4, $4  }
0xe5: {  	v13 =	vadd.f32 v9, v4;
	v4 =	vld [tilespmem:s19+$0x7300]  }
0xe6: {  	v5 =	vld [tilespmem:s16+$0x6180];
	v12 =	vadd.f32 v12, v6;
	v9 =	vmul.f32 v8, v10;
	v16 =	vmul.f32 v11, v16  }
0xe7: {  	s17 =	sshra.s32 s18, $0x2;
	v10 =	vadd.f32 v14, v13;
	v6 =	vld [tilespmem:s16+$0x6400]  }
0xe8: {  	s18 =	sadd.s32 $0x40, s18;
	v11 =	vld [tilespmem:s17+$0x5000];
	v8 =	vadd.f32 v15, v12;
	v12 =	vmul.f32 v9, v3;
	[tilespmem:s31+$0x7800] =	vst v16;
	s31 =	smov.u32 s15;
	s15 =	smov.u32 s19  }
0xe9: {  	_ = 	snop  }
0xea: {  	v13 =	vld [tilespmem:s17+$0x5280]  }
0xeb: {  	v12 =	vmul.f32 v12, v9  }
0xec: {  	v15 =	vld [tilespmem:s17+$0x5500]  }
0xed: {  	v14 =	vld [tilespmem:s16+$0x6680];
	v12 =	vsub.f32 $1.500000000e+00, v12;
	v11 =	vadd.f32 $1.000000000e+00, v11  }
0xee: {  	v17 =	vld [tilespmem:s17+$0x5780]  }
0xef: {  	v16 =	vld [tilespmem:s16+$0x6900];
	v38 =	vmul.f32 v12, v9;
	v11 =	vadd.f32 v13, v11  }
0xf0: {  	v39 =	vld [tilespmem:s17+$0x5A00]  }
0xf1: {  	v18 =	vld [tilespmem:s16+$0x6B80];
	v3 =	vmul.f32 v38, v3;
	v11 =	vadd.f32 v15, v11  }
0xf2: {  	v41 =	vld [tilespmem:s17+$0x5C80]  }
0xf3: {  	v40 =	vld [tilespmem:s16+$0x7580];
	v3 =	vmul.f32 v3, v38;
	v11 =	vadd.f32 v17, v11  }
0xf4: {  	v42 =	vld [tilespmem:s17+$0x5F00]  }
0xf5: {  	v19 =	vld [tilespmem:s16+$0x6E00];
	v3 =	vsub.f32 $1.500000000e+00, v3;
	v11 =	vadd.f32 v39, v11  }
0xf6: {  	v43 =	vld [tilespmem:s17+$0x6180]  }
0xf7: {  	v20 =	vld [tilespmem:s16+$0x7080];
	v3 =	vmul.f32 v3, v38;
	v44 =	vadd.f32 v41, v11  }
0xf8: {  	v7 =	vadd.f32 v7, v10;
	v46 =	vld [tilespmem:s17+$0x6400]  }
0xf9: {  	v45 =	vld [tilespmem:s16+$0x7300];
	[tilespmem:s31+$0x7800] =	vst v3;
	v3 =	vadd.f32 v42, v44  }
0xfa: {  	v5 =	vadd.f32 v5, v7;
	v47 =	vld [tilespmem:s17+$0x6680]  }
0xfb: {  	v3 =	vadd.f32 v43, v3  }
0xfc: {  	v5 =	vadd.f32 v6, v5;
	v48 =	vld [tilespmem:s17+$0x6900]  }
0xfd: {  	v3 =	vadd.f32 v46, v3  }
0xfe: {  	v5 =	vadd.f32 v14, v5;
	v49 =	vld [tilespmem:s17+$0x6B80]  }
0xff: {  	v3 =	vadd.f32 v47, v3  }
0x100: {  	v5 =	vadd.f32 v16, v5;
	v50 =	vld [tilespmem:s17+$0x6E00]  }
0x101: {  	v3 =	vadd.f32 v48, v3  }
0x102: {  	v5 =	vadd.f32 v18, v5;
	v51 =	vld [tilespmem:s17+$0x7080]  }
0x103: {  	v3 =	vadd.f32 v49, v3  }
0x104: {  	v5 =	vadd.f32 v19, v5;
	v52 =	vld [tilespmem:s17+$0x7300]  }
0x105: {  	v3 =	vadd.f32 v50, v3  }
0x106: {  	v4 =	vadd.f32 v4, v8;
	v5 =	vadd.f32 v20, v5;
	v53 =	vld [tilespmem:s17+$0x7580]  }
0x107: {  	v3 =	vadd.f32 v51, v3  }
0x108: {  	v2 =	vadd.f32 v2, v4;
	v4 =	vadd.f32 v45, v5  }
0x109: {  	v3 =	vadd.f32 v52, v3  }
0x10a: {  	v5 =	vshra.s32 v2, $0x1;
	v2 =	vmul.f32 $5.000000000e-01, v2;
	v4 =	vadd.f32 v40, v4  }
0x10b: {  	v5 =	vsub.s32 $0x5F3759DF, v5;
	v3 =	vadd.f32 v53, v3  }
0x10c: {  	v54 =	vmul.f32 v5, v2;
	v55 =	vshra.s32 v4, $0x1;
	v4 =	vmul.f32 $5.000000000e-01, v4  }
0x10d: {  	v7 =	vsub.s32 $0x5F3759DF, v55;
	v56 =	vshra.s32 v3, $0x1;
	v3 =	vmul.f32 $5.000000000e-01, v3  }
0x10e: {  	v57 =	vmul.f32 v7, v4;
	v8 =	vsub.s32 $0x5F3759DF, v56  }
0x10f: {  	v6 =	vmul.f32 v5, v54;
	v58 =	vmul.f32 v8, v3  }
0x110: {  	v9 =	vmul.f32 v7, v57  }
0x111: {  	v6 =	vsub.f32 $1.500000000e+00, v6;
	v10 =	vmul.f32 v8, v58  }
0x112: {  	v9 =	vsub.f32 $1.500000000e+00, v9  }
0x113: {  	v5 =	vmul.f32 v5, v6;
	v59 =	vsub.f32 $1.500000000e+00, v10  }
0x114: {  	v7 =	vmul.f32 v7, v9  }
0x115: {  	v60 =	vmul.f32 v5, v2;
	v6 =	vmul.f32 v8, v59  }
0x116: {  	v61 =	vmul.f32 v7, v4  }
0x117: {  	v9 =	vmul.f32 v60, v5;
	v62 =	vmul.f32 v6, v3  }
0x118: {  	v8 =	vmul.f32 v61, v7  }
0x119: {  	v9 =	vsub.f32 $1.500000000e+00, v9;
	v10 =	vmul.f32 v62, v6  }
0x11a: {  	v8 =	vsub.f32 $1.500000000e+00, v8  }
0x11b: {  	v5 =	vmul.f32 v9, v5;
	v63 =	vsub.f32 $1.500000000e+00, v10  }
0x11c: {  	v7 =	vmul.f32 v8, v7  }
0x11d: {  	v2 =	vmul.f32 v5, v2;
	v6 =	vmul.f32 v63, v6  }
0x11e: {  	v4 =	vmul.f32 v7, v4  }
0x11f: {  	v2 =	vmul.f32 v2, v5;
	v3 =	vmul.f32 v6, v3  }
0x120: {  	v4 =	vmul.f32 v4, v7  }
0x121: {  	v2 =	vsub.f32 $1.500000000e+00, v2;
	v3 =	vmul.f32 v3, v6  }
0x122: {  	v4 =	vsub.f32 $1.500000000e+00, v4  }
0x123: {  	v2 =	vmul.f32 v2, v5;
	v3 =	vsub.f32 $1.500000000e+00, v3  }
0x124: {  	v4 =	vmul.f32 v4, v7  }
0x125: {  	[tilespmem:s15+$0x7800] =	vst v2;
	v2 =	vmul.f32 v3, v6  }
0x126: {  	[tilespmem:s16+$0x7800] =	vst v4  }
0x127: {  	[tilespmem:s17+$0x7800] =	vst v2  }
0x128: {  	s15 =	simm.s32 $0x7800;
	v3 =	vld [tilespmem:s14+$0x7AB0]  }
0x129: {  	s16 =	simm.s32 $0x400;
	v2 =	vld [tilespmem:s15+$0x0]  }
.LBB2_8:
0x12a: {  	p1 =	sne.s32 s16, $0x9C00;
	v4 =	vld [tilespmem:s14+$0x7A90]  }
0x12b: {  	v5 =	vld [tilespmem:s14+$0x7A80]  }
0x12c: {  	v6 =	vld [tilespmem:s14+$0x7AA0]  }
0x12d: {  	v7 =	vld [tilespmem:s14+$0x7AF0]  }
0x12e: {  	v8 =	vbroadcast v2, $0x0;
	v9 =	vbroadcast v2, $0x1;
	v10 =	vld [tilespmem:s14+$0x7AD0]  }
0x12f: {  	v11 =	vbroadcast v2, $0x2;
	v12 =	vbroadcast v2, $0x3;
	v13 =	vld [tilespmem:s14+$0x7AC0]  }
0x130: {  	[tilespmem:s14+$0xA280] =	vst v8;
	v5 =	vmul.f32 v5, v8;
	v4 =	vmul.f32 v4, v9;
	v8 =	vld [tilespmem:s14+$0x7AE0]  }
0x131: {  	v3 =	vmul.f32 v3, v12;
	[tilespmem:s14+$0xA290] =	vst v9;
	v6 =	vmul.f32 v6, v11;
	v9 =	vld [tilespmem:s14+$0x7B30]  }
0x132: {  	v14 =	vbroadcast v2, $0x5;
	[tilespmem:s14+$0x7A80] =	vst v5;
	v5 =	vbroadcast v2, $0x4;
	v15 =	vld [tilespmem:s14+$0x7B10]  }
0x133: {  	v16 =	vbroadcast v2, $0x7;
	[tilespmem:s14+$0x7A90] =	vst v4;
	v4 =	vbroadcast v2, $0x6;
	v17 =	vld [tilespmem:s14+$0x7B00]  }
0x134: {  	v10 =	vmul.f32 v10, v14;
	[tilespmem:s14+$0x7AA0] =	vst v6;
	v6 =	vmul.f32 v13, v5;
	v13 =	vld [tilespmem:s14+$0x7B20]  }
0x135: {  	v7 =	vmul.f32 v7, v16;
	[tilespmem:s14+$0x7AB0] =	vst v3;
	v3 =	vmul.f32 v8, v4;
	v8 =	vld [tilespmem:s14+$0x7B70]  }
0x136: {  	v18 =	vbroadcast v2, $0x9;
	[tilespmem:s14+$0x7AC0] =	vst v6;
	v6 =	vbroadcast v2, $0x8;
	v19 =	vld [tilespmem:s14+$0x7B50]  }
0x137: {  	v20 =	vbroadcast v2, $0xB;
	[tilespmem:s14+$0x7AD0] =	vst v10;
	v10 =	vbroadcast v2, $0xA;
	v21 =	vld [tilespmem:s14+$0x7B40]  }
0x138: {  	v15 =	vmul.f32 v15, v18;
	[tilespmem:s14+$0x7AE0] =	vst v3;
	v3 =	vmul.f32 v17, v6;
	v17 =	vld [tilespmem:s14+$0x7B60]  }
0x139: {  	v9 =	vmul.f32 v9, v20;
	[tilespmem:s14+$0x7AF0] =	vst v7;
	v7 =	vmul.f32 v13, v10  }
0x13a: {  	v13 =	vbroadcast v2, $0xD;
	[tilespmem:s14+$0x7B00] =	vst v3;
	v3 =	vbroadcast v2, $0xC  }
0x13b: {  	[tilespmem:s14+$0x7B10] =	vst v15;
	v15 =	vbroadcast v2, $0xE;
	v2 =	vbroadcast v2, $0xF  }
0x13c: {  	v19 =	vmul.f32 v19, v13;
	[tilespmem:s14+$0x7B20] =	vst v7;
	v7 =	vmul.f32 v21, v3  }
0x13d: {  	[tilespmem:s14+$0x7B30] =	vst v9;
	v9 =	vmul.f32 v17, v15;
	v8 =	vmul.f32 v8, v2  }
0x13e: {  	[tilespmem:s14+$0x7B40] =	vst v7  }
0x13f: {  	[tilespmem:s14+$0x7B50] =	vst v19  }
0x140: {  	[tilespmem:s14+$0x7B60] =	vst v9  }
0x141: {  	[tilespmem:s14+$0x7B70] =	vst v8  }
0x142: {  	[tilespmem:s14+$0xA2A0] =	vst v11  }
0x143: {  	[tilespmem:s14+$0xA2B0] =	vst v12  }
0x144: {  	[tilespmem:s14+$0xA2C0] =	vst v5  }
0x145: {  	[tilespmem:s14+$0xA2D0] =	vst v14  }
0x146: {  	[tilespmem:s14+$0xA2E0] =	vst v4  }
0x147: {  	[tilespmem:s14+$0xA2F0] =	vst v16  }
0x148: {  	[tilespmem:s14+$0xA300] =	vst v6  }
0x149: {  	[tilespmem:s14+$0xA310] =	vst v18  }
0x14a: {  	[tilespmem:s14+$0xA320] =	vst v10  }
0x14b: {  	[tilespmem:s14+$0xA330] =	vst v20  }
.Ltmp5:
0x14c: {  	[tilespmem:s14+$0xA340] =	vst v3;
	(pc) =	sbr.rel @p1 .LBB2_8-.Ltmp5, $4  }
0x14d: {  	[tilespmem:s14+$0xA350] =	vst v13  }
0x14e: {  	s17 =	sshra.s32 s16, $0x2;
	[tilespmem:s14+$0xA360] =	vst v15  }
0x14f: {  	s15 =	sadd.s32 $0x10, s15;
	v3 =	vld [tilespmem:s17+$0x7AB0];
	[tilespmem:s14+$0xA370] =	vst v2;
	s14 =	smov.u32 s17  }
0x150: {  	s16 =	sadd.s32 $0x400, s16;
	v2 =	vld [tilespmem:s15+$0x0]  }
0x151: {  	_ =	sdelay $0x3  }
0x152: {  	v8 =	vbroadcast v2, $0x0  }
0x153: {  	v11 =	vbroadcast v2, $0x1  }
0x154: {  	v13 =	vbroadcast v2, $0x2;
	[tilespmem:s14+$0xA280] =	vst v8  }
0x155: {  	v52 =	vbroadcast v2, $0x3;
	[tilespmem:s14+$0xA290] =	vst v11  }
0x156: {  	v14 =	vbroadcast v2, $0x4;
	[tilespmem:s14+$0xA2A0] =	vst v13  }
0x157: {  	v15 =	vbroadcast v2, $0x5;
	[tilespmem:s14+$0xA2B0] =	vst v52  }
0x158: {  	v16 =	vbroadcast v2, $0x6;
	[tilespmem:s14+$0xA2C0] =	vst v14  }
0x159: {  	v17 =	vbroadcast v2, $0x7;
	[tilespmem:s14+$0xA2D0] =	vst v15  }
0x15a: {  	v56 =	vbroadcast v2, $0x8;
	[tilespmem:s14+$0xA2E0] =	vst v16  }
0x15b: {  	v19 =	vbroadcast v2, $0x9;
	[tilespmem:s14+$0xA2F0] =	vst v17  }
0x15c: {  	v57 =	vbroadcast v2, $0xA;
	[tilespmem:s14+$0xA300] =	vst v56  }
0x15d: {  	v5 =	vld [tilespmem:s14+$0x7A80];
	v21 =	vbroadcast v2, $0xB;
	[tilespmem:s14+$0xA310] =	vst v19  }
0x15e: {  	v4 =	vld [tilespmem:s14+$0x7A90];
	v58 =	vbroadcast v2, $0xC;
	[tilespmem:s14+$0xA320] =	vst v57  }
0x15f: {  	v6 =	vld [tilespmem:s14+$0x7AA0];
	v60 =	vbroadcast v2, $0xD;
	[tilespmem:s14+$0xA330] =	vst v21  }
0x160: {  	v61 =	vbroadcast v2, $0xE;
	[tilespmem:s14+$0xA340] =	vst v58  }
0x161: {  	v10 =	vld [tilespmem:s14+$0x7AC0];
	v2 =	vbroadcast v2, $0xF;
	[tilespmem:s14+$0xA350] =	vst v60  }
0x162: {  	v9 =	vld [tilespmem:s14+$0x7AD0];
	v5 =	vmul.f32 v5, v8;
	[tilespmem:s14+$0xA360] =	vst v61  }
0x163: {  	v12 =	vld [tilespmem:s14+$0x7AE0];
	v4 =	vmul.f32 v4, v11;
	[tilespmem:s14+$0xA370] =	vst v2  }
0x164: {  	v7 =	vld [tilespmem:s14+$0x7AF0];
	v6 =	vmul.f32 v6, v13;
	[tilespmem:s14+$0x7A80] =	vst v5  }
0x165: {  	v50 =	vld [tilespmem:s14+$0x7B30];
	v3 =	vmul.f32 v3, v52;
	[tilespmem:s14+$0x7A90] =	vst v4  }
0x166: {  	v18 =	vld [tilespmem:s14+$0x7B40];
	v10 =	vmul.f32 v10, v14;
	[tilespmem:s14+$0x7AA0] =	vst v6  }
0x167: {  	v20 =	vld [tilespmem:s14+$0x7B60];
	v9 =	vmul.f32 v9, v15;
	[tilespmem:s14+$0x7AB0] =	vst v3  }
0x168: {  	v53 =	vld [tilespmem:s14+$0x7B00];
	v12 =	vmul.f32 v12, v16;
	[tilespmem:s14+$0x7AC0] =	vst v10  }
0x169: {  	v51 =	vld [tilespmem:s14+$0x7B10];
	v7 =	vmul.f32 v7, v17;
	[tilespmem:s14+$0x7AD0] =	vst v9  }
0x16a: {  	v54 =	vld [tilespmem:s14+$0x7B20];
	v59 =	vmul.f32 v50, v21;
	[tilespmem:s14+$0x7AE0] =	vst v12  }
0x16b: {  	v55 =	vld [tilespmem:s14+$0x7B50];
	v62 =	vmul.f32 v18, v58;
	[tilespmem:s14+$0x7AF0] =	vst v7  }
0x16c: {  	v63 =	vmul.f32 v20, v61;
	v3 =	vld [tilespmem:s14+$0x7B70];
	[tilespmem:s14+$0x7B30] =	vst v59  }
0x16d: {  	v4 =	vmul.f32 v53, v56;
	[tilespmem:s14+$0x7B40] =	vst v62  }
0x16e: {  	v5 =	vmul.f32 v51, v19;
	[tilespmem:s14+$0x7B60] =	vst v63  }
0x16f: {  	v6 =	vmul.f32 v54, v57;
	[tilespmem:s14+$0x7B00] =	vst v4  }
0x170: {  	v10 =	vmul.f32 v55, v60;
	[tilespmem:s14+$0x7B10] =	vst v5  }
0x171: {  	[tilespmem:s14+$0x7B20] =	vst v6;
	v3 =	vmul.f32 v3, v2  }
0x172: {  	[tilespmem:s14+$0x7B50] =	vst v10  }
0x173: {  	s15 =	simm.s32 @!p0 $0xA280;
	s16 =	rddreg [dreg:$0x9];
	[tilespmem:s14+$0x7B70] =	vst v3;
	s14 =	simm.s32 @!p0 $0x0  }
0x174: {  	[hbm4b:s16+s14] =	stream.linear.scatter @!p0 [tilespmem:s15], [sflag:$0x3], $0x2800, $0x38;
	[tilespmem:$0x1EA80] =	vst v63  }
0x175: {  	s14 =	simm.s32 @!p0 $0x3  }
0x176: {  	_ =	swait.ge @!p0 [sflag:s14], $0x2800  }
0x177: {  	[sflag:s14] =	ssyncset.done @!p0 $0x0  }
0x178: {  	[sflag:s14] =	ssyncadd.s32 @!p0 $0xFFFFD800  }
0x179: {  	[spmem:s9] =	stream.linear.scatter [tilespmem:s0], [sflag:$0x3], $0x2800, $0x38;
	[tilespmem:$0x1EA80] =	vst v63  }
0x17a: {  	_ =	swait.ge [sflag:s6], $0x2800  }
0x17b: {  	s19 =	simm.s32 $0xF280;
	[sflag:s6] =	ssyncset.done $0x0  }
0x17c: {  	s15 =	simm.s32 $0x0;
	s14 =	simm.s32 $0x40;
	[sflag:s6] =	ssyncadd.s32 $0xFFFFD800  }
.LBB2_10:
0x17d: {  	p1 =	sne.s32 s14, $0x9FC0;
	[tilespmem:s15+$0xCA80] =	vst v0;
	s15 =	smov.u32 s14;
	s14 =	sadd.s32 $0x40, s14  }
.Ltmp6:
0x17e: {  	(pc) =	sbr.rel @p1 .LBB2_10-.Ltmp6, $2  }
0x17f: {  	_ =	sdelay $0x2  }
0x180: {  	s15 =	sshra.s32 s15, $0x2  }
0x181: {  	[tilespmem:s15+$0xCA80] =	vst v0  }
0x182: {  	[spmem:s11] =	stream.linear.scatter [tilespmem:s7], [sflag:$0x3], $0x2800, $0x38;
	[tilespmem:$0x1EA80] =	vst v63  }
0x183: {  	_ =	swait.ge [sflag:s6], $0x2800  }
0x184: {  	[sflag:s6] =	ssyncset.done $0x0  }
0x185: {  	[sflag:s6] =	ssyncadd.s32 $0xFFFFD800  }
0x186: {  	s14 =	simm.s32 $0x11A80;
	[bflag:$0x0] =	sbarrier.arrive $0xFFFF  }
0x187: {  	[tilespmem:s14], [sflag:$0x1] =	stream.indirect.gather [spmem:s2], $0x10, s19, s8, $0xb8;
	[tilespmem:$0x1EA80] =	vst v63  }
0x188: {  	s18 =	simm.s32 $0xF300;
	s31 =	simm.s32 $0x12280  }
0x189: {  	[tilespmem:s31], [sflag:$0x1] =	stream.indirect.gather [spmem:s2], $0x10, s18, s8, $0xb8;
	[tilespmem:$0x1EA80] =	vst v63  }
0x18a: {  	s16 =	simm.s32 $0xF380;
	s17 =	simm.s32 $0x12A80  }
0x18b: {  	[tilespmem:s17], [sflag:$0x1] =	stream.indirect.gather [spmem:s2], $0x10, s16, s8, $0xb8;
	[tilespmem:$0x1EA80] =	vst v63  }
0x18c: {  	s18 =	simm.s32 $0xF400;
	s31 =	simm.s32 $0x13280  }
0x18d: {  	[tilespmem:s31], [sflag:$0x1] =	stream.indirect.gather [spmem:s2], $0x10, s18, s8, $0xb8;
	[tilespmem:$0x1EA80] =	vst v63  }
0x18e: {  	s16 =	simm.s32 $0xF480;
	s17 =	simm.s32 $0x13A80  }
0x18f: {  	[tilespmem:s17], [sflag:$0x1] =	stream.indirect.gather [spmem:s2], $0x10, s16, s8, $0xb8;
	[tilespmem:$0x1EA80] =	vst v63  }
0x190: {  	s18 =	simm.s32 $0xF500;
	s31 =	simm.s32 $0x14280  }
0x191: {  	[tilespmem:s31], [sflag:$0x1] =	stream.indirect.gather [spmem:s2], $0x10, s18, s8, $0xb8;
	[tilespmem:$0x1EA80] =	vst v63  }
0x192: {  	s15 =	simm.s32 $0x10680;
	s16 =	simm.s32 $0xF580;
	s17 =	simm.s32 $0x14A80  }
0x193: {  	[tilespmem:s17], [sflag:$0x1] =	stream.indirect.gather [spmem:s2], $0x10, s16, s8, $0xb8;
	[tilespmem:$0x1EA80] =	vst v63  }
0x194: {  	s14 =	simm.s32 $0x0;
	s18 =	simm.s32 $0xF600;
	s31 =	simm.s32 $0x15280  }
0x195: {  	[tilespmem:s31], [sflag:$0x1] =	stream.indirect.gather [spmem:s2], $0x10, s18, s8, $0xb8;
	[tilespmem:$0x1EA80] =	vst v63  }
0x196: {  	s16 =	simm.s32 $0xF680;
	s17 =	simm.s32 $0x15A80;
	s18 =	simm.s32 $0xF700  }
0x197: {  	[tilespmem:s17], [sflag:$0x1] =	stream.indirect.gather [spmem:s2], $0x10, s16, s8, $0xb8;
	[tilespmem:$0x1EA80] =	vst v63  }
0x198: {  	s31 =	simm.s32 $0x16280;
	s16 =	simm.s32 $0x14000;
	s17 =	simm.s32 $0xF780  }
0x199: {  	[tilespmem:s31], [sflag:$0x1] =	stream.indirect.gather [spmem:s2], $0x10, s18, s8, $0xb8;
	[tilespmem:$0x1EA80] =	vst v63  }
.LBB2_12:
0x19a: {  	p1 =	slt.u32 s14, $0x6  }
0x19b: {  	s18 =	simm.s32 @!p1 $0x2  }
0x19c: {  	p2 =	sgt.u32 @!p1 s14, $0x1D;
	_ =	swait.ge @!p1 [sflag:s18], $0x800  }
0x19d: {  	p2 =	por p1, !p2;
	[sflag:s18] =	ssyncset.done @!p1 $0x0  }
0x19e: {  	[sflag:s18] =	ssyncadd.s32 @!p1 $0xFFFFF800;
	s18 =	sand.u32 @p2 $0x1E000, s16  }
0x19f: {  	s14 =	sadd.s32 $0x1, s14;
	s18 =	sshrl.u32 @p2 s18, $0x2  }
0x1a0: {  	s31 =	sadd.s32 $0xFFFEC000, s16;
	p1 =	sne.s32 s14, $0x28;
	s18 =	sadd.s32 @p2 $0x11A80, s18  }
0x1a1: {  	[tilespmem:s18], [sflag:$0x1] =	stream.indirect.gather @p2 [spmem:s2], $0x10, s17, s8, $0xb8;
	[tilespmem:$0x1EA80] =	vst v63  }
.Ltmp7:
0x1a2: {  	s18 =	sand.u32 $0x1E000, s31;
	_ =	swait.ge [sflag:s1], $0x800;
	(pc) =	sbr.rel @p1 .LBB2_12-.Ltmp7, $4  }
0x1a3: {  	s18 =	sshrl.u32 s18, $0x2;
	[sflag:s1] =	ssyncset.done $0x0  }
0x1a4: {  	s18 =	sadd.s32 $0x11A80, s18;
	[sflag:s1] =	ssyncadd.s32 $0xFFFFF800  }
0x1a5: {  	[spmem:s3] =	stream.indirect.scatter.add.f32 [tilespmem:s18], [sflag:$0x2], $0x10, s15, s8, $0xb8;
	[tilespmem:$0x1EA80] =	vst v63  }
0x1a6: {  	s16 =	sadd.s32 $0x2000, s16;
	s17 =	sadd.s32 $0x80, s17;
	s15 =	sadd.s32 $0x80, s15  }
0x1a7: {  	_ =	swait.ge [sflag:s10], $0x800  }
0x1a8: {  	[sflag:s10] =	ssyncset.done $0x0  }
0x1a9: {  	[sflag:s10] =	ssyncadd.s32 $0xFFFFF800  }
0x1aa: {  	_ =	swait.ge [sflag:s10], $0x800  }
0x1ab: {  	[sflag:s10] =	ssyncset.done $0x0  }
0x1ac: {  	[sflag:s10] =	ssyncadd.s32 $0xFFFFF800  }
0x1ad: {  	_ =	swait.ge [sflag:s10], $0x800  }
0x1ae: {  	[sflag:s10] =	ssyncset.done $0x0  }
0x1af: {  	[sflag:s10] =	ssyncadd.s32 $0xFFFFF800  }
0x1b0: {  	_ =	swait.ge [sflag:s10], $0x800  }
0x1b1: {  	[sflag:s10] =	ssyncset.done $0x0  }
0x1b2: {  	[sflag:s10] =	ssyncadd.s32 $0xFFFFF800  }
0x1b3: {  	_ =	swait.ge [sflag:s10], $0x800  }
0x1b4: {  	[sflag:s10] =	ssyncset.done $0x0  }
0x1b5: {  	[sflag:s10] =	ssyncadd.s32 $0xFFFFF800  }
0x1b6: {  	_ =	swait.ge [sflag:s10], $0x800  }
0x1b7: {  	[sflag:s10] =	ssyncset.done $0x0  }
0x1b8: {  	[sflag:s10] =	ssyncadd.s32 $0xFFFFF800  }
.Ltmp8:
0x1b9: {  	[bflag:$0x0] =	sbarrier.arrive $0xFFFF;
	(pc) =	sbr.rel @p0 .LBB2_17-.Ltmp8, $4  }
0x1ba: {  	[tilespmem:s7], [sflag:$0x3] =	stream.linear.gather [spmem:s11], $0x2800, $0x38;
	[tilespmem:$0x1EA80] =	vst v63  }
0x1bb: {  	_ =	swait.ge [sflag:s6], $0x2800  }
0x1bc: {  	[sflag:s6] =	ssyncset.done $0x0  }
0x1bd: {  	s14 =	simm.s32 $0x0;
	[sflag:s6] =	ssyncadd.s32 $0xFFFFD800  }
0x1be: {  	v2 =	vld [tilespmem:s14+$0xA280];
	s15 =	simm.s32 $0x40  }
.LBB2_15:
0x1bf: {  	p1 =	seq.s32 s15, $0x9FC0;
	v3 =	vld [tilespmem:s14+$0xCA80];
	_ =	sdelay $0x2  }
.Ltmp9:
0x1c0: {  	(pc) =	sbr.rel @!p1 .LBB2_15-.Ltmp9, $4  }
0x1c1: {  	_ = 	snop  }
0x1c2: {  	v3 =	vmul.f32 v3, v2  }
0x1c3: {  	s16 =	sshra.s32 s15, $0x2  }
0x1c4: {  	s15 =	sadd.s32 $0x40, s15;
	v2 =	vld [tilespmem:s16+$0xA280];
	[tilespmem:s14+$0xCA80] =	vst v3;
	s14 =	smov.u32 s16  }
0x1c5: {  	v3 =	vld [tilespmem:s14+$0xCA80];
	_ =	sdelay $0x2  }
.Ltmp10:
0x1c6: {  	_ = 	snop;
	(pc) =	sbr.rel .LBB2_20-.Ltmp10, $3  }
0x1c7: {  	_ = 	snop  }
0x1c8: {  	v2 =	vmul.f32 v3, v2;
	_ =	sdelay $0x1  }
0x1c9: {  	[tilespmem:s14+$0xCA80] =	vst v2  }
.LBB2_17:
0x1ca: {  	v2 =	vld [tilespmem:s14+$0x7A80];
	s15 =	simm.s32 $0x40  }
.LBB2_18:
0x1cb: {  	p1 =	sne.s32 s15, $0x9FC0;
	v3 =	vld [tilespmem:s14+$0xCA80];
	_ =	sdelay $0x1  }
0x1cc: {  	v4 =	vld [tilespmem:s14+$0xA280];
	_ =	sdelay $0x2  }
.Ltmp11:
0x1cd: {  	v2 =	vadd.f32 v2, v3;
	(pc) =	sbr.rel @p1 .LBB2_18-.Ltmp11, $4  }
0x1ce: {  	_ = 	snop  }
0x1cf: {  	v3 =	vmul.f32 v2, v4  }
0x1d0: {  	s16 =	sshra.s32 s15, $0x2  }
0x1d1: {  	s15 =	sadd.s32 $0x40, s15;
	v2 =	vld [tilespmem:s16+$0x7A80];
	[tilespmem:s14+$0xCA80] =	vst v3;
	s14 =	smov.u32 s16  }
.Ltmp12:
0x1d2: {  	_ = 	snop;
	(pc) =	sbr.rel .LBB2_19-.Ltmp12, $1  }
0x1d3: {  	_ =	sdelay $0x3  }
.LBB2_21:
0x1d4: {  	_ =	sfence.sel $0x180000  }
0x1d5: {  	[bflag:$0x0] =	sbarrier.arrive $0xFFFF  }
0x1d6: {  	_ =	strace $0x90000047  }
0x1d7: {  	s0 =	stileid.u32;
	[bflag:$0x2] =	sbarrier.arrive $0xFFFF  }
0x1d8: {  	p0 =	sne.s32 s0, $0x0;
	s0 =	rddreg [dreg:$0x4]  }
0x1d9: {  	s0 =	sadd.s32 @!p0 $0x100000, s0  }
0x1da: {  	[sflag:s0] =	ssyncadd.tile.s32 @!p0 $0x1;
	_ =	shalt  }
.Lfunc_end2:
_tile_overlayer_lowered:
.L_overlay_start_2:
0x1db: {  	(tag) =	ssettag $0x2  }
0x1dc: {  	s0 =	rddreg [dreg:$0x0];
	s2 =	stileid.u32  }
0x1dd: {  	s1 =	rddreg [dreg:$0x1];
	p0 =	sne.s32 s2, $0x0  }
0x1de: {  	s3 =	rddreg [dreg:$0x2];
	[bflag:$0x3] =	sbarrier.arrive $0xFFFF;
	s2 =	simm.s32 @!p0 $0x1C03  }
0x1df: {  	[timem:s3], [sflag:s2] =	dma.local @!p0 [hbm:s0], s1  }
0x1e0: {  	s0 =	simm.s32 @!p0 $0x3  }
0x1e1: {  	_ =	swait.ge @!p0 [sflag:s0], s1  }
0x1e2: {  	s1 =	ssub.s32 @!p0 $0x0, s1;
	[sflag:s0] =	ssyncset.done @!p0 $0x0  }
0x1e3: {  	[sflag:s0] =	ssyncadd.s32 @!p0 s1  }
0x1e4: {  	[bflag:$0x3] =	sbarrier.arrive $0xFFFF  }
0x1e5: {  	_ =	shalt  }

// kernel: kernel.9.cloned.1.call-start
scs
__scs_entry_jumppad:
0x0: {  	(pc) =	sbr.rel $0x88, $3  }
0x1: {  	(tag) =	ssettag $0x0;
	lr =	simm.s32 $0x1  }
0x2: {  	[smem:$0x3F9B] =	sst lr;
	_ =	strace $0xD0000000  }
0x3: {  	_ = 	snop  }
0x4: {  	_ = 	snop  }
0x5: {  	_ = 	snop  }
0x6: {  	_ = 	snop  }
0x7: {  	_ = 	snop  }
__scs_overlays_trampoline_lowered:
0x8: {  	[smem:$0x3FAA] =	sst s0  }
0x9: {  	[smem:$0x3FAB] =	sst s1  }
0xa: {  	[smem:$0x3FAC] =	sst s2  }
0xb: {  	[smem:$0x3FAD] =	sst s3  }
0xc: {  	[smem:$0x3FAE] =	sst s4  }
0xd: {  	[smem:$0x3FAF] =	sst s5  }
0xe: {  	[smem:$0x3FB0] =	sst s6  }
0xf: {  	[smem:$0x3FB1] =	sst s7  }
0x10: {  	[smem:$0x3FB2] =	sst s8  }
0x11: {  	[smem:$0x3FB3] =	sst s9;
	s0 =	simm.s32 @!p0 $0x0  }
0x12: {  	s1 =	sld [smem:$0x3F99];
	s0 =	simm.s32 @p0 $0x1  }
0x13: {  	[smem:$0x3FB4] =	sst s0;
	s0 =	simm.s32 @!p1 $0x0  }
0x14: {  	s2 =	sld [smem:$0x3F98];
	s0 =	simm.s32 @p1 $0x1  }
0x15: {  	[smem:$0x3FB5] =	sst s0;
	s0 =	simm.s32 @!p2 $0x0  }
0x16: {  	s3 =	sld [smem:$0x3FDB];
	s0 =	simm.s32 @p2 $0x1  }
0x17: {  	s4 =	simm.s32 $0x1BF5;
	[smem:$0x3FB7] =	sst s0  }
0x18: {  	s0 =	sld [smem:$0x3F9A];
	_ =	swait.ge [sflag:s4], $0x0  }
0x19: {  	s7 =	sld [smem:$0x3F9B]  }
0x1a: {  	s8 =	sadd.s32 $0xFFFFE003, lr  }
0x1b: {  	s9 =	sadd.s32 $0xFFFFFEF7, lr;
	s5 =	simm.s32 $0xFFFFFFFF;
	p2 =	slt.u32 s8, $0xFFFFF086  }
0x1c: {  	p1 =	slt.u32 s9, $0xF7A;
	s5 =	simm.s32 @!p2 $0x0  }
0x1d: {  	s5 =	simm.s32 @p1 $0x1;
	p0 =	seq.s32 s7, s2  }
0x1e: {  	s7 =	smul.u32 @!p0 $0xF7A, s2;
	p2 =	seq.s32 @!p0 s5, $0x0  }
0x1f: {  	s9 =	smul.u32 $0xF7A, s1;
	s8 =	simm.s32 @!p0 $0x1BF5;
	p2 =	por !p2, p0  }
0x20: {  	[sflag:s8] =	ssyncset.s32 @!p0 $0xFFFFF086;
	s6 =	sadd.s32 @!p0 s3, s7;
	s7 =	simm.s32 @!p0 $0x108  }
0x21: {  	s3 =	sadd.s32 s3, s9;
	s6 =	sadd.s32 @!p0 $0x88, s6;
	s7 =	simm.s32 @p2 $0x1082  }
0x22: {  	[simem:s7], [sflag:s8] =	dma.local @!p0 [hbm:s6], $0xF7A  }
0x23: {  	s9 =	sor.u32 $0xD0000000, s2;
	s6 =	simm.s32 $0x108;
	_ =	swait.ge @!p0 [sflag:s8], $0x0  }
0x24: {  	s3 =	sadd.s32 $0x88, s3;
	s6 =	simm.s32 @!p1 $0x1082;
	[sflag:s4] =	ssyncset.s32 $0xFFFFF086  }
0x25: {  	[simem:s6], [sflag:s4] =	dma.local [hbm:s3], $0xF7A  }
0x26: {  	[smem:$0x3F9B] =	sst s1;
	(tag) =	ssettag s2;
	_ =	strace s9  }
0x27: {  	s1 =	sld [smem:$0x3FAB]  }
0x28: {  	s2 =	sld [smem:$0x3FAC]  }
0x29: {  	s4 =	sld [smem:$0x3FAE]  }
0x2a: {  	p0 =	seq.s32 s5, $0x0;
	s5 =	sld [smem:$0x3FAF]  }
0x2b: {  	s6 =	sld [smem:$0x3FB0]  }
0x2c: {  	s7 =	sld [smem:$0x3FB1]  }
0x2d: {  	s3 =	simm.s32 $0x108;
	s8 =	sld [smem:$0x3FB2]  }
0x2e: {  	s3 =	simm.s32 @!p0 $0x1082;
	s9 =	sld [smem:$0x3FB3]  }
0x2f: {  	lr =	sadd.s32 s0, s3;
	s0 =	sld [smem:$0x3FAA]  }
0x30: {  	s3 =	sld [smem:$0x3FAD]  }
0x31: {  	[smem:$0x3FB6] =	sst s10  }
0x32: {  	s10 =	sld [smem:$0x3FB4];
	_ =	sdelay $0x3  }
0x33: {  	p0 =	seq.s32 s10, $0x1;
	s10 =	sld [smem:$0x3FB6];
	_ =	sdelay $0x3  }
0x34: {  	[smem:$0x3FB6] =	sst s10  }
0x35: {  	s10 =	sld [smem:$0x3FB5];
	_ =	sdelay $0x3  }
0x36: {  	p1 =	seq.s32 s10, $0x1;
	s10 =	sld [smem:$0x3FB6];
	_ =	sdelay $0x3  }
0x37: {  	[smem:$0x3FB6] =	sst s10  }
0x38: {  	s10 =	sld [smem:$0x3FB7]  }
0x39: {  	_ = 	snop;
	(pc) =	sbr.ind lr, $3  }
0x3a: {  	_ = 	snop  }
0x3b: {  	_ = 	snop  }
0x3c: {  	p2 =	seq.s32 s10, $0x1;
	s10 =	sld [smem:$0x3FB6]  }
0x3d: {  	_ =	shalt  }
0x3e: {  	_ =	shalt  }
0x3f: {  	_ =	shalt  }
0x40: {  	_ =	shalt  }
0x41: {  	_ =	shalt  }
0x42: {  	_ =	shalt  }
0x43: {  	_ =	shalt  }
0x44: {  	_ =	shalt  }
0x45: {  	_ =	shalt  }
0x46: {  	_ =	shalt  }
0x47: {  	_ =	shalt  }
0x48: {  	_ =	shalt  }
0x49: {  	_ =	shalt  }
0x4a: {  	_ =	shalt  }
0x4b: {  	_ =	shalt  }
0x4c: {  	_ =	shalt  }
0x4d: {  	_ =	shalt  }
0x4e: {  	_ =	shalt  }
0x4f: {  	_ =	shalt  }
0x50: {  	_ =	shalt  }
0x51: {  	_ =	shalt  }
0x52: {  	_ =	shalt  }
0x53: {  	_ =	shalt  }
0x54: {  	_ =	shalt  }
0x55: {  	_ =	shalt  }
0x56: {  	_ =	shalt  }
0x57: {  	_ =	shalt  }
0x58: {  	_ =	shalt  }
0x59: {  	_ =	shalt  }
0x5a: {  	_ =	shalt  }
0x5b: {  	_ =	shalt  }
0x5c: {  	_ =	shalt  }
0x5d: {  	_ =	shalt  }
0x5e: {  	_ =	shalt  }
0x5f: {  	_ =	shalt  }
0x60: {  	_ =	shalt  }
0x61: {  	_ =	shalt  }
0x62: {  	_ =	shalt  }
0x63: {  	_ =	shalt  }
0x64: {  	_ =	shalt  }
0x65: {  	_ =	shalt  }
0x66: {  	_ =	shalt  }
0x67: {  	_ =	shalt  }
0x68: {  	_ =	shalt  }
0x69: {  	_ =	shalt  }
0x6a: {  	_ =	shalt  }
0x6b: {  	_ =	shalt  }
0x6c: {  	_ =	shalt  }
0x6d: {  	_ =	shalt  }
0x6e: {  	_ =	shalt  }
0x6f: {  	_ =	shalt  }
0x70: {  	_ =	shalt  }
0x71: {  	_ =	shalt  }
0x72: {  	_ =	shalt  }
0x73: {  	_ =	shalt  }
0x74: {  	_ =	shalt  }
0x75: {  	_ =	shalt  }
0x76: {  	_ =	shalt  }
0x77: {  	_ =	shalt  }
0x78: {  	_ =	shalt  }
0x79: {  	_ =	shalt  }
0x7a: {  	_ =	shalt  }
0x7b: {  	_ =	shalt  }
0x7c: {  	_ =	shalt  }
0x7d: {  	_ =	shalt  }
0x7e: {  	_ =	shalt  }
0x7f: {  	_ =	shalt  }
0x80: {  	_ =	shalt  }
0x81: {  	_ =	shalt  }
0x82: {  	_ =	shalt  }
0x83: {  	_ =	shalt  }
0x84: {  	_ =	shalt  }
0x85: {  	_ =	shalt  }
0x86: {  	_ =	shalt  }
0x87: {  	_ =	shalt  }
.Lfunc_end0:
.L_simem_size_0:
called_computation.1_lowered:
.L_overlay_start_0:
0x88: {  	s2 =	sld [smem:$0x3FD9]  }
0x89: {  	s3 =	sld [smem:$0x3FFE];
	_ =	sdelay $0x1  }
0x8a: {  	s1 =	srdreg.scid  }
0x8b: {  	s0 =	sand.u32 $0x1, s1  }
0x8c: {  	s17 =	sshll.u32 s0, $0xA;
	s2 =	sadd.s32 s3, s2  }
0x8d: {  	s2 =	sadd.s32 s2, s17  }
0x8e: {  	[smem:$0x3FC2] =	sst s2  }
0x8f: {  	_ = 	snop  }
0x90: {  	s2 =	sld [smem:$0x3FC6]  }
0x91: {  	s18 =	sld [smem:$0x3FD0];
	(tm) =	ssettm $0x1  }
0x92: {  	s4 =	sld [smem:$0x3FFB];
	_ =	sdelay $0x3  }
0x93: {  	_ =	strace s4  }
0x94: {  	s4 =	sld [smem:$0x3FFC];
	_ =	sdelay $0x3  }
0x95: {  	_ =	strace s4  }
0x96: {  	s4 =	sld [smem:$0x3FFD];
	_ =	sdelay $0x3  }
0x97: {  	_ =	strace s4  }
0x98: {  	_ =	strace $0x8FFFFFFF  }
0x99: {  	s19 =	sld [smem:$0x3FDB];
	_ =	sdelay $0x1  }
0x9a: {  	s5 =	simm.s32 $_scs_section_size  }
0x9b: {  	s6 =	simm.s32 $_size__tile_overlayer_lowered;
	s7 =	simm.s32 $_tile_overlayer_lowered  }
0x9c: {  	s22 =	simm.s32 $0x1BFF;
	s21 =	sshll.u32 s7, $0x1;
	s4 =	sadd.s32 s5, s19  }
0x9d: {  	s8 =	simm.s32 $0x0;
	s20 =	sshll.u32 s6, $0x1;
	s6 =	sadd.s32 s21, s4  }
0x9e: {  	[timem:s8], [sflag:s22] =	dma.local [hbm:s6], s20  }
0x9f: {  	_ =	swait.ge [sflag:s22], s20  }
0xa0: {  	s5 =	ssub.s32 $0x0, s20;
	[sflag:s22] =	ssyncset.done $0x0  }
0xa1: {  	[sflag:s22] =	ssyncadd.s32 s5;
	_ =	sdelay $0x1  }
0xa2: {  	s23 =	simm.s32 $0x1B8B  }
0xa3: {  	_ =	swait.ge [sflag:s23], $0x1  }
0xa4: {  	[sflag:s23] =	ssyncset.done $0x0  }
0xa5: {  	s25 =	simm.s32 $0x1B8E;
	s24 =	sld [smem:$0x3FFE];
	[sflag:s23] =	ssyncadd.s32 $0xFFFFFFFF  }
0xa6: {  	s26 =	simm.s32 $execute0_lowered;
	[smem:$0x3FD2] =	sst s25  }
0xa7: {  	s6 =	sshll.u32 s26, $0x1;
	_ =	strace $0x80000049;
	[dreg:$0x1] =	wrdreg $0xFFFFFFFF  }
0xa8: {  	s28 =	simm.s32 $_size_execute0_lowered;
	s4 =	sadd.s32 s4, s6;
	[dreg:$0x0] =	wrdreg $0x0  }
0xa9: {  	s6 =	sshll.u32 s28, $0x1;
	[dreg:$0x2] =	wrdreg s4  }
0xaa: {  	[dreg:$0x3] =	wrdreg s6  }
0xab: {  	[dreg:$0x4] =	wrdreg $0xC0  }
0xac: {  	_ =	task [dreg:s8], $0x5FFFF  }
0xad: {  	[dreg:$0x1] =	wrdreg $0xFFFFFFFF  }
0xae: {  	[dreg:$0x0] =	wrdreg $0x60  }
0xaf: {  	[dreg:$0x2] =	wrdreg s24  }
0xb0: {  	[dreg:$0x3] =	wrdreg s2  }
0xb1: {  	[dreg:$0x4] =	wrdreg s18  }
0xb2: {  	[dreg:$0x5] =	wrdreg $0x148100  }
0xb3: {  	[dreg:$0x6] =	wrdreg $0x170100  }
0xb4: {  	[dreg:$0x7] =	wrdreg $0x9  }
0xb5: {  	_ =	task.clear_ibuf [dreg:s8], $0x8FFFF;
	_ =	strace $0x90000049  }
0xb6: {  	s29 =	simm.s32 $0x9;
	_ =	strace $0x8000004B  }
0xb7: {  	_ =	swait.ge [sflag:s29], $0x1  }
0xb8: {  	[sflag:s29] =	ssyncadd.s32 $0xFFFFFFFF  }
0xb9: {  	_ =	strace $0x9000004B  }
0xba: {  	_ =	sfence  }
0xbb: {  	s30 =	sld [smem:$0x0];
	_ =	sdelay $0x2  }
0xbc: {  	s31 =	sshll.u32 s1, $0xD;
	s1 =	sshrl.u32 s1, $0x2  }
0xbd: {  	s3 =	sand.u32 $0x4000, s31;
	s1 =	sadd.s32 s1, s30  }
0xbe: {  	s0 =	sor.u32 s3, s0;
	s1 =	sshll.u32 s1, $0x11  }
0xbf: {  	s0 =	sor.u32 s1, s0  }
0xc0: {  	s0 =	sadd.s32 $0x8F2B, s0  }
0xc1: {  	[sflag:s0] =	ssyncadd.remote.s32 $0x1  }
0xc2: {  	_ =	sfence.sel $0xFFFF  }
0xc3: {  	[dreg:$0x0] =	wrdreg $0xFFFFFFFF;
	(pc) =	sbr.abs _section_cstart, $3  }
0xc4: {  	[dreg:$0x1] =	wrdreg $0xFFFFFFFF  }
0xc5: {  	_ =	task.clear_ibuf [dreg:s8], $0x2FFFF;
	_ =	strace $0x9FFFFFFF  }
0xc6: {  	(tm) =	ssettm $0x7FFFFFFF  }
0xc7: {  	_ =	shalt  }
tec
execute0_lowered:
.L_overlay_start_1:
0x0: {  	(tag) =	ssettag $0x1  }
0x1: {  	s0 =	rddreg [dreg:$0x0]  }
0x2: {  	s1 =	rddreg [dreg:$0x2]  }
0x3: {  	s3 =	rddreg [dreg:$0x3]  }
0x4: {  	s4 =	rddreg [dreg:$0x4];
	s7 =	stileid.u32  }
0x5: {  	s2 =	srdreg.scid;
	s5 =	simm.s32 $0x0;
	s14 =	simm.s32 $0x2800  }
0x6: {  	s17 =	simm.s32 $0xA010;
	s19 =	simm.s32 $0x1;
	s21 =	simm.s32 $0x3  }
0x7: {  	s22 =	simm.s32 $0x80;
	s18 =	simm.s32 $0xF810;
	s20 =	simm.s32 $0xA390  }
0x8: {  	s23 =	simm.s32 $0x10010;
	s28 =	simm.s32 $0xA490;
	s29 =	simm.s32 $0x11010  }
0x9: {  	s30 =	simm.s32 $0x2;
	s31 =	simm.s32 $0x0;
	s2 =	sand.u32 $0x1, s2  }
0xa: {  	s6 =	sshll.u32 s7, $0x1;
	s12 =	smul.u32 $0x2800, s7;
	[smem:$0x7FF] =	sst s5  }
0xb: {  	s6 =	sor.u32 s2, s6;
	s25 =	ssub.s32 $0x2, s2;
	s26 =	smul.u32 $0x5000, s2  }
0xc: {  	_ =	strace $0x8000004A;
	p0 =	seq.s32 s2, $0x1;
	s6 =	smul.u32 $0x280, s6  }
0xd: {  	s15 =	sshrl.u32 s12, $0x3;
	s8 =	sshrl.u32 s25, $0x1;
	s11 =	sadd.s32 s12, s3  }
.Ltmp0:
0xe: {  	s12 =	sadd.s32 s12, s4;
	s9 =	sadd.s32 s15, s0;
	(pc) =	sbr.rel .LBB2_1-.Ltmp0, $4  }
0xf: {  	s13 =	ssub.s32 s25, s8;
	s25 =	simm.s32 $0xA410;
	s0 =	sadd.s32 s6, s0  }
0x10: {  	s6 =	sadd.s32 $0xAA00, s9;
	s7 =	sadd.s32 $0xFA00, s9;
	s8 =	sadd.s32 $0x14A00, s9  }
0x11: {  	s9 =	sadd.s32 $0x5A00, s0;
	s10 =	sadd.s32 $0xA00, s0;
	s0 =	sadd.s32 s1, s26  }
0x12: {  	v0 =	vimm.f32 $0.0e+00;
	s13 =	smax.u32 s13, $0x1;
	s26 =	simm.s32 $0x10810;
	s24 =	sadd.s32 s15, s0  }
.LBB2_10:
0x13: {  	v2 =	vld [tilespmem:s0+$0x2800];
	_ =	sdelay $0x4  }
0x14: {  	v1 =	vmul.f32 v2, v1;
	_ =	sdelay $0x1  }
0x15: {  	[tilespmem:s0+$0x2800] =	vst v1  }
.LBB2_14:
0x16: {  	s31 =	sadd.s32 $0x1, s31  }
0x17: {  	p1 =	sne.s32 s31, s13  }
.Ltmp1:
0x18: {  	_ = 	snop;
	(pc) =	sbr.rel @!p1 .LBB2_15-.Ltmp1, $4  }
0x19: {  	[hbm4b:s24+s5] =	stream.linear.scatter [tilespmem:s14], [sflag:$0x3], $0x2800, $0x38;
	[tilespmem:$0x19810] =	vst v63  }
0x1a: {  	_ =	swait.ge [sflag:s21], $0x2800  }
0x1b: {  	[sflag:s21] =	ssyncset.done $0x0  }
0x1c: {  	[sflag:s21] =	ssyncadd.s32 $0xFFFFD800  }
.LBB2_1:
0x1d: {  	[tilespmem:s5], [sflag:$0x1] =	stream.linear.gather [hbm4b:s6+s5], $0x2800, $0x38;
	[tilespmem:$0x19810] =	vst v63  }
0x1e: {  	_ = 	snop  }
0x1f: {  	[tilespmem:s14], [sflag:$0x1] =	stream.linear.gather [hbm4b:s7+s5], $0x2800, $0x38;
	[tilespmem:$0x19810] =	vst v63  }
0x20: {  	s0 =	simm.s32 $0x7800  }
0x21: {  	[tilespmem:s0], [sflag:$0x1] =	stream.linear.gather [hbm4b:s8+s5], $0x2800, $0x38;
	[tilespmem:$0x19810] =	vst v63  }
0x22: {  	s15 =	rddreg [dreg:$0x1];
	s1 =	simm.s32 $0xA000  }
0x23: {  	[tilespmem:s1], [sflag:$0x1] =	stream.linear.gather [hbm4b:s15+s5], $0x10, $0x38;
	[tilespmem:$0x19810] =	vst v63  }
0x24: {  	_ = 	snop  }
0x25: {  	[tilespmem:s17], [sflag:$0x1] =	stream.linear.gather [hbm4b:s9+s5], $0x1400, $0x38;
	[tilespmem:$0x19810] =	vst v63  }
0x26: {  	s16 =	simm.s32 $0xB410  }
0x27: {  	[tilespmem:s16], [sflag:$0x1] =	stream.linear.gather [hbm4b:s10+s5], $0x1400, $0x38;
	[tilespmem:$0x19810] =	vst v63  }
0x28: {  	_ =	swait.ge [sflag:s19], $0x2800  }
0x29: {  	[sflag:s19] =	ssyncset.done $0x0  }
0x2a: {  	[sflag:s19] =	ssyncadd.s32 $0xFFFFD800  }
0x2b: {  	_ =	swait.ge [sflag:s19], $0x2800  }
0x2c: {  	[sflag:s19] =	ssyncset.done $0x0  }
0x2d: {  	[sflag:s19] =	ssyncadd.s32 $0xFFFFD800  }
0x2e: {  	_ =	swait.ge [sflag:s19], $0x2800  }
0x2f: {  	[sflag:s19] =	ssyncset.done $0x0  }
0x30: {  	[sflag:s19] =	ssyncadd.s32 $0xFFFFD800  }
0x31: {  	_ =	swait.ge [sflag:s19], $0x10  }
0x32: {  	[sflag:s19] =	ssyncset.done $0x0  }
0x33: {  	[sflag:s19] =	ssyncadd.s32 $0xFFFFFFF0  }
0x34: {  	_ =	swait.ge [sflag:s19], $0x1400  }
0x35: {  	[sflag:s19] =	ssyncset.done $0x0  }
0x36: {  	[sflag:s19] =	ssyncadd.s32 $0xFFFFEC00  }
0x37: {  	_ =	swait.ge [sflag:s19], $0x1400  }
0x38: {  	[sflag:s19] =	ssyncset.done $0x0  }
0x39: {  	s0 =	simm.s32 $0x0;
	[sflag:s19] =	ssyncadd.s32 $0xFFFFEC00  }
0x3a: {  	v2 =	vld [tilespmem:s0+$0x0]  }
0x3b: {  	v3 =	vld [tilespmem:s0+$0x2800];
	_ =	sdelay $0x1  }
0x3c: {  	v1 =	vld [tilespmem:$0xA000];
	_ =	sdelay $0x1  }
0x3d: {  	s1 =	simm.s32 $0x10  }
0x3e: {  	v4 =	vld [tilespmem:s1+$0x2800];
	v3 =	vadd.f32 v3, v2  }
0x3f: {  	v2 =	vld [tilespmem:s0+$0x7800]  }
0x40: {  	v5 =	vadd.f32 v3, v1;
	v3 =	vld [tilespmem:s1+$0x0];
	_ =	sdelay $0x2  }
0x41: {  	s2 =	simm.s32 $0x80;
	v5 =	vmax.f32 v5, $0.0e+00  }
.LBB2_2:
0x42: {  	s15 =	sshra.s32 s2, $0x2;
	v5 =	vmul.f32 v5, v2;
	v2 =	vld [tilespmem:s1+$0x7800];
	p1 =	sne.s32 s2, $0x9FC0  }
.Ltmp2:
0x43: {  	s2 =	sadd.s32 $0x40, s2;
	v6 =	vadd.f32 v4, v3;
	v3 =	vld [tilespmem:s15+$0x0];
	(pc) =	sbr.rel @p1 .LBB2_2-.Ltmp2, $3  }
0x44: {  	v4 =	vld [tilespmem:s15+$0x2800];
	[tilespmem:s0+$0x5000] =	vst v5;
	s0 =	smov.u32 s1;
	s1 =	smov.u32 s15  }
0x45: {  	v5 =	vadd.f32 v6, v1;
	_ =	sdelay $0x1  }
0x46: {  	v5 =	vmax.f32 v5, $0.0e+00  }
0x47: {  	_ = 	snop  }
0x48: {  	v6 =	vld [tilespmem:s1+$0x7800];
	v3 =	vadd.f32 v4, v3;
	_ =	sdelay $0x1  }
0x49: {  	v1 =	vadd.f32 v3, v1;
	_ =	sdelay $0x1  }
0x4a: {  	v2 =	vmul.f32 v5, v2;
	v1 =	vmax.f32 v1, $0.0e+00  }
0x4b: {  	v1 =	vmul.f32 v1, v6  }
0x4c: {  	[tilespmem:s0+$0x5000] =	vst v2  }
0x4d: {  	s16 =	simm.s32 $0x5000;
	[tilespmem:s1+$0x5000] =	vst v1  }
0x4e: {  	[spmem:s11] =	stream.linear.scatter [tilespmem:s16], [sflag:$0x3], $0x2800, $0x38;
	[tilespmem:$0x19810] =	vst v63  }
0x4f: {  	_ =	swait.ge [sflag:s21], $0x2800  }
0x50: {  	[sflag:s21] =	ssyncset.done $0x0  }
0x51: {  	s0 =	simm.s32 $0x40;
	s1 =	simm.s32 $0x0;
	[sflag:s21] =	ssyncadd.s32 $0xFFFFD800  }
.LBB2_4:
0x52: {  	p1 =	sne.s32 s0, $0x9FC0;
	[tilespmem:s1+$0x2800] =	vst v0;
	s1 =	smov.u32 s0;
	s0 =	sadd.s32 $0x40, s0  }
.Ltmp3:
0x53: {  	(pc) =	sbr.rel @p1 .LBB2_4-.Ltmp3, $2  }
0x54: {  	_ =	sdelay $0x2  }
0x55: {  	s1 =	sshra.s32 s1, $0x2  }
0x56: {  	[tilespmem:s1+$0x2800] =	vst v0  }
0x57: {  	[spmem:s12] =	stream.linear.scatter [tilespmem:s14], [sflag:$0x3], $0x2800, $0x38;
	[tilespmem:$0x19810] =	vst v63  }
0x58: {  	_ =	swait.ge [sflag:s21], $0x2800  }
0x59: {  	[sflag:s21] =	ssyncset.done $0x0  }
0x5a: {  	[sflag:s21] =	ssyncadd.s32 $0xFFFFD800  }
0x5b: {  	s0 =	simm.s32 $0xC810;
	[bflag:$0x0] =	sbarrier.arrive $0xFFFF  }
0x5c: {  	[tilespmem:s0], [sflag:$0x1] =	stream.indirect.gather [spmem:s3], $0x10, s17, s22, $0xb8;
	[tilespmem:$0x19810] =	vst v63  }
0x5d: {  	s1 =	simm.s32 $0xA090;
	s2 =	simm.s32 $0xD010  }
0x5e: {  	[tilespmem:s2], [sflag:$0x1] =	stream.indirect.gather [spmem:s3], $0x10, s1, s22, $0xb8;
	[tilespmem:$0x19810] =	vst v63  }
0x5f: {  	s15 =	simm.s32 $0xA110;
	s16 =	simm.s32 $0xD810  }
0x60: {  	[tilespmem:s16], [sflag:$0x1] =	stream.indirect.gather [spmem:s3], $0x10, s15, s22, $0xb8;
	[tilespmem:$0x19810] =	vst v63  }
0x61: {  	s1 =	simm.s32 $0xA190;
	s2 =	simm.s32 $0xE010  }
0x62: {  	[tilespmem:s2], [sflag:$0x1] =	stream.indirect.gather [spmem:s3], $0x10, s1, s22, $0xb8;
	[tilespmem:$0x19810] =	vst v63  }
0x63: {  	s15 =	simm.s32 $0xA210;
	s16 =	simm.s32 $0xE810  }
0x64: {  	[tilespmem:s16], [sflag:$0x1] =	stream.indirect.gather [spmem:s3], $0x10, s15, s22, $0xb8;
	[tilespmem:$0x19810] =	vst v63  }
0x65: {  	s2 =	simm.s32 $0xA290;
	s15 =	simm.s32 $0xF010  }
0x66: {  	[tilespmem:s15], [sflag:$0x1] =	stream.indirect.gather [spmem:s3], $0x10, s2, s22, $0xb8;
	[tilespmem:$0x19810] =	vst v63  }
0x67: {  	s16 =	simm.s32 $0xA310  }
0x68: {  	[tilespmem:s18], [sflag:$0x1] =	stream.indirect.gather [spmem:s3], $0x10, s16, s22, $0xb8;
	[tilespmem:$0x19810] =	vst v63  }
0x69: {  	_ = 	snop  }
0x6a: {  	[tilespmem:s23], [sflag:$0x1] =	stream.indirect.gather [spmem:s3], $0x10, s20, s22, $0xb8;
	[tilespmem:$0x19810] =	vst v63  }
0x6b: {  	s0 =	simm.s32 $0x0  }
0x6c: {  	[tilespmem:s26], [sflag:$0x1] =	stream.indirect.gather [spmem:s3], $0x10, s25, s22, $0xb8;
	[tilespmem:$0x19810] =	vst v63  }
0x6d: {  	s1 =	simm.s32 $0xB410;
	s2 =	simm.s32 $0x14000;
	s15 =	simm.s32 $0xA510  }
0x6e: {  	[tilespmem:s29], [sflag:$0x1] =	stream.indirect.gather [spmem:s3], $0x10, s28, s22, $0xb8;
	[tilespmem:$0x19810] =	vst v63  }
.LBB2_6:
0x6f: {  	p1 =	slt.u32 s0, $0x6  }
0x70: {  	s16 =	simm.s32 @!p1 $0x2  }
0x71: {  	p2 =	sgt.u32 @!p1 s0, $0x1D;
	_ =	swait.ge @!p1 [sflag:s16], $0x800  }
0x72: {  	p2 =	por p1, !p2;
	[sflag:s16] =	ssyncset.done @!p1 $0x0  }
0x73: {  	[sflag:s16] =	ssyncadd.s32 @!p1 $0xFFFFF800;
	s16 =	sand.u32 @p2 $0x1E000, s2  }
0x74: {  	s16 =	sshrl.u32 @p2 s16, $0x2  }
0x75: {  	s0 =	sadd.s32 $0x1, s0;
	s16 =	sadd.s32 @p2 $0xC810, s16  }
0x76: {  	[tilespmem:s16], [sflag:$0x1] =	stream.indirect.gather @p2 [spmem:s3], $0x10, s15, s22, $0xb8;
	[tilespmem:$0x19810] =	vst v63  }
0x77: {  	p1 =	sne.s32 s0, $0x28;
	s16 =	sadd.s32 $0xFFFEC000, s2  }
.Ltmp4:
0x78: {  	_ =	swait.ge [sflag:s19], $0x800;
	s16 =	sand.u32 $0x1E000, s16;
	(pc) =	sbr.rel @p1 .LBB2_6-.Ltmp4, $4  }
0x79: {  	[sflag:s19] =	ssyncset.done $0x0;
	s16 =	sshrl.u32 s16, $0x2  }
0x7a: {  	[sflag:s19] =	ssyncadd.s32 $0xFFFFF800;
	s16 =	sadd.s32 $0xC810, s16  }
0x7b: {  	[spmem:s4] =	stream.indirect.scatter.add.f32 [tilespmem:s16], [sflag:$0x2], $0x10, s1, s22, $0xb8;
	[tilespmem:$0x19810] =	vst v63  }
0x7c: {  	s2 =	sadd.s32 $0x2000, s2;
	s15 =	sadd.s32 $0x80, s15;
	s1 =	sadd.s32 $0x80, s1  }
0x7d: {  	_ =	swait.ge [sflag:s30], $0x800  }
0x7e: {  	[sflag:s30] =	ssyncset.done $0x0  }
0x7f: {  	[sflag:s30] =	ssyncadd.s32 $0xFFFFF800  }
0x80: {  	_ =	swait.ge [sflag:s30], $0x800  }
0x81: {  	[sflag:s30] =	ssyncset.done $0x0  }
0x82: {  	[sflag:s30] =	ssyncadd.s32 $0xFFFFF800  }
0x83: {  	_ =	swait.ge [sflag:s30], $0x800  }
0x84: {  	[sflag:s30] =	ssyncset.done $0x0  }
0x85: {  	[sflag:s30] =	ssyncadd.s32 $0xFFFFF800  }
0x86: {  	_ =	swait.ge [sflag:s30], $0x800  }
0x87: {  	[sflag:s30] =	ssyncset.done $0x0  }
0x88: {  	[sflag:s30] =	ssyncadd.s32 $0xFFFFF800  }
0x89: {  	_ =	swait.ge [sflag:s30], $0x800  }
0x8a: {  	[sflag:s30] =	ssyncset.done $0x0  }
0x8b: {  	[sflag:s30] =	ssyncadd.s32 $0xFFFFF800  }
0x8c: {  	_ =	swait.ge [sflag:s30], $0x800  }
0x8d: {  	[sflag:s30] =	ssyncset.done $0x0  }
0x8e: {  	[sflag:s30] =	ssyncadd.s32 $0xFFFFF800  }
.Ltmp5:
0x8f: {  	[bflag:$0x0] =	sbarrier.arrive $0xFFFF;
	(pc) =	sbr.rel @!p0 .LBB2_8-.Ltmp5, $4  }
0x90: {  	[tilespmem:s14], [sflag:$0x3] =	stream.linear.gather [spmem:s12], $0x2800, $0x38;
	[tilespmem:$0x19810] =	vst v63  }
0x91: {  	_ =	swait.ge [sflag:s21], $0x2800  }
0x92: {  	[sflag:s21] =	ssyncset.done $0x0  }
0x93: {  	s0 =	simm.s32 $0x0;
	[sflag:s21] =	ssyncadd.s32 $0xFFFFD800  }
0x94: {  	v1 =	vld [tilespmem:s0+$0x5000];
	s1 =	simm.s32 $0x40  }
.LBB2_12:
0x95: {  	p1 =	sne.s32 s1, $0x9FC0;
	v2 =	vld [tilespmem:s0+$0x2800];
	_ =	sdelay $0x1  }
0x96: {  	v3 =	vld [tilespmem:s0+$0x7800];
	_ =	sdelay $0x2  }
.Ltmp6:
0x97: {  	v1 =	vadd.f32 v1, v2;
	(pc) =	sbr.rel @p1 .LBB2_12-.Ltmp6, $4  }
0x98: {  	_ = 	snop  }
0x99: {  	v2 =	vmul.f32 v1, v3  }
0x9a: {  	s2 =	sshra.s32 s1, $0x2  }
0x9b: {  	s1 =	sadd.s32 $0x40, s1;
	v1 =	vld [tilespmem:s2+$0x5000];
	[tilespmem:s0+$0x2800] =	vst v2;
	s0 =	smov.u32 s2  }
0x9c: {  	v2 =	vld [tilespmem:s0+$0x2800];
	_ =	sdelay $0x1  }
0x9d: {  	v3 =	vld [tilespmem:s0+$0x7800];
	_ =	sdelay $0x2  }
.Ltmp7:
0x9e: {  	v1 =	vadd.f32 v1, v2;
	(pc) =	sbr.rel .LBB2_14-.Ltmp7, $3  }
0x9f: {  	_ = 	snop  }
0xa0: {  	v1 =	vmul.f32 v1, v3;
	_ =	sdelay $0x1  }
0xa1: {  	[tilespmem:s0+$0x2800] =	vst v1  }
.LBB2_8:
0xa2: {  	v1 =	vld [tilespmem:s0+$0x7800];
	s1 =	simm.s32 $0x40  }
.LBB2_9:
0xa3: {  	p1 =	seq.s32 s1, $0x9FC0;
	v2 =	vld [tilespmem:s0+$0x2800];
	_ =	sdelay $0x2  }
.Ltmp8:
0xa4: {  	(pc) =	sbr.rel @!p1 .LBB2_9-.Ltmp8, $4  }
0xa5: {  	_ = 	snop  }
0xa6: {  	v2 =	vmul.f32 v2, v1  }
0xa7: {  	s2 =	sshra.s32 s1, $0x2  }
0xa8: {  	s1 =	sadd.s32 $0x40, s1;
	v1 =	vld [tilespmem:s2+$0x7800];
	[tilespmem:s0+$0x2800] =	vst v2;
	s0 =	smov.u32 s2  }
.Ltmp9:
0xa9: {  	_ = 	snop;
	(pc) =	sbr.rel .LBB2_10-.Ltmp9, $1  }
0xaa: {  	_ =	sdelay $0x3  }
.LBB2_15:
0xab: {  	_ =	sfence.sel $0x180000  }
0xac: {  	[bflag:$0x0] =	sbarrier.arrive $0xFFFF  }
0xad: {  	_ =	strace $0x9000004A  }
0xae: {  	s0 =	stileid.u32;
	[bflag:$0x2] =	sbarrier.arrive $0xFFFF  }
0xaf: {  	p0 =	sne.s32 s0, $0x0;
	s0 =	rddreg [dreg:$0x5]  }
0xb0: {  	s0 =	sadd.s32 @!p0 $0x100000, s0  }
0xb1: {  	[sflag:s0] =	ssyncadd.tile.s32 @!p0 $0x1;
	_ =	shalt  }
.Lfunc_end2:
_tile_overlayer_lowered:
.L_overlay_start_2:
0xb2: {  	(tag) =	ssettag $0x2  }
0xb3: {  	s0 =	rddreg [dreg:$0x0];
	s2 =	stileid.u32  }
0xb4: {  	s1 =	rddreg [dreg:$0x1];
	p0 =	sne.s32 s2, $0x0  }
0xb5: {  	s3 =	rddreg [dreg:$0x2];
	[bflag:$0x3] =	sbarrier.arrive $0xFFFF;
	s2 =	simm.s32 @!p0 $0x1C03  }
0xb6: {  	[timem:s3], [sflag:s2] =	dma.local @!p0 [hbm:s0], s1  }
0xb7: {  	s0 =	simm.s32 @!p0 $0x3  }
0xb8: {  	_ =	swait.ge @!p0 [sflag:s0], s1  }
0xb9: {  	s1 =	ssub.s32 @!p0 $0x0, s1;
	[sflag:s0] =	ssyncset.done @!p0 $0x0  }
0xba: {  	[sflag:s0] =	ssyncadd.s32 @!p0 s1  }
0xbb: {  	[bflag:$0x3] =	sbarrier.arrive $0xFFFF  }
0xbc: {  	_ =	shalt  }

</sc_bundles>
